<compile_context>
chip_gen: v7x
topology: tpu7x:2x2x1
jax: 0.10.2.dev20260603
libtpu: 0.0.44.dev20260713+nightly
codegen_flags: <defaults>
</compile_context>

<pallas_src>
import functools

import jax
import jax.numpy as jnp
from jax import lax
from jax.experimental import pallas as pl
from jax.experimental.pallas import tpu as pltpu
from jax.experimental.pallas import tpu_sc as plsc

NC = 2
NS = 16
K = 128


def _pads(n_nodes, n_edges):
    tiles = NC * NS
    n_chunks = pl.cdiv(pl.cdiv(n_edges, tiles), K)
    ept = n_chunks * K
    e_pad = ept * tiles
    tile_n = pl.cdiv(n_nodes + 1, NS * 8) * 8
    n_pad = tile_n * NS
    return ept, e_pad, tile_n, n_pad


def _mesh():
    return plsc.VectorSubcoreMesh(
        core_axis_name="c", subcore_axis_name="s", num_cores=NC, num_subcores=NS
    )


def _make_deg_kernel(e_pad, tile_n, n_pad, ept):
    n_chunks = ept // K
    zlen = pl.cdiv(tile_n, 16) * 16

    @functools.partial(
        pl.kernel,
        out_type=jax.ShapeDtypeStruct((NC * n_pad,), jnp.float32),
        mesh=_mesh(),
        scratch_types=[
            pltpu.VMEM((K,), jnp.float32),
            pltpu.VMEM((zlen,), jnp.float32),
            pltpu.VMEM((K,), jnp.int32),
            pltpu.VMEM_SHARED((n_pad,), jnp.float32),
        ],
    )
    def deg_kernel(dst_hbm, out_hbm, ones_v, zeros_v, didx_v, deg_sh):
        c = lax.axis_index("c")
        s = lax.axis_index("s")
        wid = c * NS + s
        for i in range(K // 16):
            ones_v[pl.ds(i * 16, 16)] = jnp.ones((16,), jnp.float32)
        for i in range(zlen // 16):
            zeros_v[pl.ds(i * 16, 16)] = jnp.zeros((16,), jnp.float32)
        pltpu.sync_copy(zeros_v.at[pl.ds(0, tile_n)],
                        deg_sh.at[pl.ds(s * tile_n, tile_n)])
        plsc.subcore_barrier()

        def body(j, carry):
            base = wid * ept + j * K
            pltpu.sync_copy(dst_hbm.at[pl.ds(base, K)], didx_v)
            pltpu.sync_copy(ones_v, deg_sh.at[didx_v], add=True)
            return carry

        lax.fori_loop(0, n_chunks, body, 0)
        plsc.subcore_barrier()
        pltpu.sync_copy(deg_sh.at[pl.ds(s * tile_n, tile_n)],
                        zeros_v.at[pl.ds(0, tile_n)])
        pltpu.sync_copy(zeros_v.at[pl.ds(0, tile_n)],
                        out_hbm.at[pl.ds(c * n_pad + s * tile_n, tile_n)])

    return deg_kernel


def _make_scatter_kernel(e_pad, tile_n, n_pad, ept, d):
    n_chunks = ept // K
    zfull, zrem = tile_n // K, tile_n % K

    @functools.partial(
        pl.kernel,
        out_type=jax.ShapeDtypeStruct((NC, n_pad, d), jnp.float32),
        mesh=_mesh(),
        scratch_types=[
            pltpu.VMEM((K,), jnp.int32),
            pltpu.VMEM((K,), jnp.int32),
            pltpu.VMEM((K, d), jnp.float32),
            pltpu.VMEM((K, d), jnp.float32),
            pltpu.VMEM_SHARED((n_pad, d), jnp.float32),
            pltpu.SemaphoreType.DMA,
            pltpu.SemaphoreType.DMA,
        ],
    )
    def scatter_kernel(table_hbm, src_hbm, dst_hbm, out_hbm,
                       sidx_v, didx_v, rows_v, rows2_v, acc_sh, sem, sem2):
        c = lax.axis_index("c")
        s = lax.axis_index("s")
        wid = c * NS + s

        def zrow(i, carry):
            for q in range(d // 16):
                rows_v[i, pl.ds(q * 16, 16)] = jnp.zeros((16,), jnp.float32)
            return carry

        lax.fori_loop(0, K, zrow, 0)
        zdescs = []
        for q in range(zfull):
            zdescs.append(pltpu.async_copy(
                rows_v, acc_sh.at[pl.ds(s * tile_n + q * K, K)], sem))
        if zrem:
            zdescs.append(pltpu.async_copy(
                rows_v.at[pl.ds(0, zrem)],
                acc_sh.at[pl.ds(s * tile_n + zfull * K, zrem)], sem))
        for zd in zdescs:
            zd.wait()
        plsc.subcore_barrier()

        def body(j, carry):
            base = wid * ept + j * K
            pltpu.sync_copy(src_hbm.at[pl.ds(base, K)], sidx_v)
            pltpu.sync_copy(dst_hbm.at[pl.ds(base, K)], didx_v)
            pltpu.async_copy(table_hbm.at[sidx_v], rows_v, sem).wait()
            pltpu.sync_copy(rows_v, acc_sh.at[didx_v], add=True)
            return carry

        lax.fori_loop(0, n_chunks, body, 0)
        plsc.subcore_barrier()
        spans = [(q * K, K) for q in range(zfull)]
        if zrem:
            spans.append((zfull * K, zrem))
        bufs = (rows_v, rows2_v)
        wdesc = [None, None]
        for i, (off, ln) in enumerate(spans):
            b = i % 2
            if wdesc[b] is not None:
                wdesc[b].wait()
            pltpu.async_copy(acc_sh.at[pl.ds(s * tile_n + off, ln)],
                             bufs[b].at[pl.ds(0, ln)], sem).wait()
            wdesc[b] = pltpu.async_copy(
                bufs[b].at[pl.ds(0, ln)],
                out_hbm.at[c, pl.ds(s * tile_n + off, ln)], sem2)
        for wd in wdesc:
            if wd is not None:
                wd.wait()

    return scatter_kernel


def _deg_vecs(degp_ref):
    deg = 1.0 + degp_ref[0] + degp_ref[1]
    dinv = lax.rsqrt(deg)
    return deg, dinv


def _prep_body(x_ref, w_ref, b_ref, degp_ref, hs_ref, st_ref):
    deg, dinv = _deg_vecs(degp_ref)
    h = jnp.dot(x_ref[...], w_ref[...], preferred_element_type=jnp.float32)
    hs_ref[...] = h * dinv[:, None]
    st_ref[...] = h * (1.0 / deg)[:, None] + b_ref[...][None, :]


def _mid_body(acc_ref, st1_ref, degp_ref, w_ref, b_ref, hs_ref, st_ref):
    deg, dinv = _deg_vecs(degp_ref)
    pre = dinv[:, None] * (acc_ref[0] + acc_ref[1]) + st1_ref[...]
    h1 = jnp.maximum(pre, 0.0)
    h = jnp.dot(h1, w_ref[...], preferred_element_type=jnp.float32)
    hs_ref[...] = h * dinv[:, None]
    st_ref[...] = h * (1.0 / deg)[:, None] + b_ref[...][None, :]


def _final_body(acc_ref, st2_ref, degp_ref, z_ref):
    _, dinv = _deg_vecs(degp_ref)
    z_ref[...] = dinv[:, None] * (acc_ref[0] + acc_ref[1]) + st2_ref[...]


def kernel(x, edge_index, W1, b1, W2, b2):
    n, d = x.shape
    e = edge_index.shape[1]
    ept, e_pad, tile_n, n_pad = _pads(n, e)

    src = edge_index[0].astype(jnp.int32)
    dst = edge_index[1].astype(jnp.int32)
    src_p = jnp.concatenate([src, jnp.zeros((e_pad - e,), jnp.int32)])
    dst_p = jnp.concatenate(
        [dst, jnp.full((e_pad - e,), n_pad - 1, jnp.int32)])
    x_p = jnp.pad(x, ((0, n_pad - n), (0, 0)))

    degp = _make_deg_kernel(e_pad, tile_n, n_pad, ept)(dst_p)
    degp = degp.reshape(NC, n_pad)
    scatter = _make_scatter_kernel(e_pad, tile_n, n_pad, ept, d)

    f32 = jnp.float32
    nd = jax.ShapeDtypeStruct((n_pad, d), f32)
    hs1, st1 = pl.pallas_call(
        _prep_body, out_shape=[nd, nd])(x_p, W1, b1, degp)
    acc1 = scatter(hs1, src_p, dst_p)
    hs2, st2 = pl.pallas_call(
        _mid_body, out_shape=[nd, nd])(acc1, st1, degp, W2, b2)
    acc2 = scatter(hs2, src_p, dst_p)
    z_p = pl.pallas_call(
        _final_body, out_shape=nd)(acc2, st2, degp)
    return z_p[:n]

# --- scband reference (transcript-rebuilt; emitter-appended) ---
"""Pipeline reference for scband-net-17609365913905 (READ-ONLY COPY).

The authoritative reference and input builder live on the scoring server;
editing this copy changes nothing except your own understanding.
"""

import jax, jax.numpy as jnp
import numpy as np

N_NODES = 10000
N_EDGES = 320000
D_IN = 128
D_HID = 128


def gcn_conv(x, edge_index, W, b):
    # Faithful GCNConv: add self-loops, symmetric normalization D^-1/2 (A+I) D^-1/2, then linear.
    N = x.shape[0]
    src = edge_index[0]
    dst = edge_index[1]
    loop = jnp.arange(N, dtype=src.dtype)
    src = jnp.concatenate([src, loop])
    dst = jnp.concatenate([dst, loop])
    deg = jnp.zeros((N,), dtype=x.dtype).at[dst].add(1.0)
    deg_inv_sqrt = jnp.where(deg > 0, 1.0 / jnp.sqrt(deg), 0.0)
    norm = deg_inv_sqrt[src] * deg_inv_sqrt[dst]
    h = x @ W  # linear transform first (as PyG GCNConv does)
    msg = h[src] * norm[:, None]
    out = jnp.zeros((N, h.shape[1]), dtype=x.dtype).at[dst].add(msg)
    return out + b


def setup_inputs(seed: int = 0) -> dict:
    key = jax.random.key(seed)
    k1, k2, k3, k4, k5, k6 = jax.random.split(key, 6)
    x = jax.random.normal(k1, (N_NODES, D_IN), dtype=jnp.float32)
    edge_index = jax.random.randint(k2, (2, N_EDGES), 0, N_NODES, dtype=jnp.int64)
    # Glorot-style init for GCN weights
    W1 = jax.random.normal(k3, (D_IN, D_HID), dtype=jnp.float32) * (1.0 / np.sqrt(D_IN))
    b1 = jnp.zeros((D_HID,), dtype=jnp.float32)
    W2 = jax.random.normal(k4, (D_HID, D_HID), dtype=jnp.float32) * (1.0 / np.sqrt(D_HID))
    b2 = jnp.zeros((D_HID,), dtype=jnp.float32)
    return {"x": x, "edge_index": edge_index, "W1": W1, "b1": b1, "W2": W2, "b2": b2}


def reference(x, edge_index, W1, b1, W2, b2):
    # Net.encode: conv1 -> relu -> conv2
    h = gcn_conv(x, edge_index, W1, b1)
    h = jax.nn.relu(h)
    z = gcn_conv(h, edge_index, W2, b2)
    return z

if __name__ == "__main__":
    import jax
    _d = setup_inputs()
    print(jax.jit(kernel)(*tuple(_d.values())))

</pallas_src>

<mosaic_0001>
#map = affine_map<(d0, d1) -> (0, 0)>
#map1 = affine_map<(d0, d1) -> (0)>
#map2 = affine_map<(d0, d1) -> (0, 0, 0)>
module attributes {stable_mosaic.version = 14 : i64} {
  func.func @scatter_kernel(%arg0: i32, %arg1: i32, %arg2: memref<10112x128xf32, #tpu.memory_space<hbm>>, %arg3: memref<323584xi32, #tpu.memory_space<hbm>>, %arg4: memref<323584xi32, #tpu.memory_space<hbm>>, %arg5: memref<2x10112x128xf32, #tpu.memory_space<hbm>>, %arg6: memref<128xi32, #tpu.memory_space<vmem>>, %arg7: memref<128xi32, #tpu.memory_space<vmem>>, %arg8: memref<128x128xf32, #tpu.memory_space<vmem>>, %arg9: memref<128x128xf32, #tpu.memory_space<vmem>>, %arg10: memref<10112x128xf32, #tpu.memory_space<vmem_shared>>, %arg11: memref<!tpu.dma_semaphore, #tpu.memory_space<semaphore_mem>>, %arg12: memref<!tpu.dma_semaphore, #tpu.memory_space<semaphore_mem>>) attributes {dimension_semantics = [#tpu.dimension_semantics<core_parallel>, #tpu.dimension_semantics<subcore_parallel>], iteration_bounds = array<i64: 2, 16>, scalar_prefetch = 0 : i64, scratch_operands = 7 : i64, tpu.core_type = #tpu.core_type<sc_vector_subcore>, window_params = [{transform_indices = #map}, {transform_indices = #map1}, {transform_indices = #map1}, {transform_indices = #map2}]} {
    %mul3A = arith.constant 16 : i32
    %mul3A_0 = arith.muli %arg0, %mul3A : i32
    %add3A = arith.addi %mul3A_0, %arg1 : i32
    %scan3A = arith.constant 0 : i32
    %scan3A_1 = arith.constant 0 : i32
    %scan3A_2 = arith.constant 128 : i32
    %scan3A_3 = arith.addi %scan3A_1, %scan3A_2 : i32
    %scan3A_4 = arith.constant 1 : i32
    scf.for %scan3A_343 = %scan3A_1 to %scan3A_3 step %scan3A_4  : i32 {
      %broadcast_in_dim3A = arith.constant 0.000000e+00 : f32
      %broadcast_in_dim3A_344 = vector.broadcast %broadcast_in_dim3A : f32 to vector<16xf32>
      %swap3A = arith.index_cast %scan3A_343 : i32 to index
      %swap3A_345 = arith.constant 0 : index
      %swap3A_346 = tpu.vector_load %arg8[%swap3A, %swap3A_345] {strides = array<i32>} : memref<128x128xf32, #tpu.memory_space<vmem>>, vector<1x16xf32>,
      %swap3A_347 = vector.shape_cast %swap3A_346 : vector<1x16xf32> to vector<16xf32>
      %swap3A_348 = vector.shape_cast %broadcast_in_dim3A_344 : vector<16xf32> to vector<1x16xf32>
      tpu.vector_store %arg8[%swap3A, %swap3A_345], %swap3A_348 {strides = array<i32>} : memref<128x128xf32, #tpu.memory_space<vmem>>, vector<1x16xf32>,
      %broadcast_in_dim3A_349 = arith.constant 0.000000e+00 : f32
      %broadcast_in_dim3A_350 = vector.broadcast %broadcast_in_dim3A_349 : f32 to vector<16xf32>
      %swap3A_351 = arith.index_cast %scan3A_343 : i32 to index
      %swap3A_352 = arith.constant 16 : index
      %swap3A_353 = tpu.vector_load %arg8[%swap3A_351, %swap3A_352] {strides = array<i32>} : memref<128x128xf32, #tpu.memory_space<vmem>>, vector<1x16xf32>,
      %swap3A_354 = vector.shape_cast %swap3A_353 : vector<1x16xf32> to vector<16xf32>
      %swap3A_355 = vector.shape_cast %broadcast_in_dim3A_350 : vector<16xf32> to vector<1x16xf32>
      tpu.vector_store %arg8[%swap3A_351, %swap3A_352], %swap3A_355 {strides = array<i32>} : memref<128x128xf32, #tpu.memory_space<vmem>>, vector<1x16xf32>,
      %broadcast_in_dim3A_356 = arith.constant 0.000000e+00 : f32
      %broadcast_in_dim3A_357 = vector.broadcast %broadcast_in_dim3A_356 : f32 to vector<16xf32>
      %swap3A_358 = arith.index_cast %scan3A_343 : i32 to index
      %swap3A_359 = arith.constant 32 : index
      %swap3A_360 = tpu.vector_load %arg8[%swap3A_358, %swap3A_359] {strides = array<i32>} : memref<128x128xf32, #tpu.memory_space<vmem>>, vector<1x16xf32>,
      %swap3A_361 = vector.shape_cast %swap3A_360 : vector<1x16xf32> to vector<16xf32>
      %swap3A_362 = vector.shape_cast %broadcast_in_dim3A_357 : vector<16xf32> to vector<1x16xf32>
      tpu.vector_store %arg8[%swap3A_358, %swap3A_359], %swap3A_362 {strides = array<i32>} : memref<128x128xf32, #tpu.memory_space<vmem>>, vector<1x16xf32>,
      %broadcast_in_dim3A_363 = arith.constant 0.000000e+00 : f32
      %broadcast_in_dim3A_364 = vector.broadcast %broadcast_in_dim3A_363 : f32 to vector<16xf32>
      %swap3A_365 = arith.index_cast %scan3A_343 : i32 to index
      %swap3A_366 = arith.constant 48 : index
      %swap3A_367 = tpu.vector_load %arg8[%swap3A_365, %swap3A_366] {strides = array<i32>} : memref<128x128xf32, #tpu.memory_space<vmem>>, vector<1x16xf32>,
      %swap3A_368 = vector.shape_cast %swap3A_367 : vector<1x16xf32> to vector<16xf32>
      %swap3A_369 = vector.shape_cast %broadcast_in_dim3A_364 : vector<16xf32> to vector<1x16xf32>
      tpu.vector_store %arg8[%swap3A_365, %swap3A_366], %swap3A_369 {strides = array<i32>} : memref<128x128xf32, #tpu.memory_space<vmem>>, vector<1x16xf32>,
      %broadcast_in_dim3A_370 = arith.constant 0.000000e+00 : f32
      %broadcast_in_dim3A_371 = vector.broadcast %broadcast_in_dim3A_370 : f32 to vector<16xf32>
      %swap3A_372 = arith.index_cast %scan3A_343 : i32 to index
      %swap3A_373 = arith.constant 64 : index
      %swap3A_374 = tpu.vector_load %arg8[%swap3A_372, %swap3A_373] {strides = array<i32>} : memref<128x128xf32, #tpu.memory_space<vmem>>, vector<1x16xf32>,
      %swap3A_375 = vector.shape_cast %swap3A_374 : vector<1x16xf32> to vector<16xf32>
      %swap3A_376 = vector.shape_cast %broadcast_in_dim3A_371 : vector<16xf32> to vector<1x16xf32>
      tpu.vector_store %arg8[%swap3A_372, %swap3A_373], %swap3A_376 {strides = array<i32>} : memref<128x128xf32, #tpu.memory_space<vmem>>, vector<1x16xf32>,
      %broadcast_in_dim3A_377 = arith.constant 0.000000e+00 : f32
      %broadcast_in_dim3A_378 = vector.broadcast %broadcast_in_dim3A_377 : f32 to vector<16xf32>
      %swap3A_379 = arith.index_cast %scan3A_343 : i32 to index
      %swap3A_380 = arith.constant 80 : index
      %swap3A_381 = tpu.vector_load %arg8[%swap3A_379, %swap3A_380] {strides = array<i32>} : memref<128x128xf32, #tpu.memory_space<vmem>>, vector<1x16xf32>,
      %swap3A_382 = vector.shape_cast %swap3A_381 : vector<1x16xf32> to vector<16xf32>
      %swap3A_383 = vector.shape_cast %broadcast_in_dim3A_378 : vector<16xf32> to vector<1x16xf32>
      tpu.vector_store %arg8[%swap3A_379, %swap3A_380], %swap3A_383 {strides = array<i32>} : memref<128x128xf32, #tpu.memory_space<vmem>>, vector<1x16xf32>,
      %broadcast_in_dim3A_384 = arith.constant 0.000000e+00 : f32
      %broadcast_in_dim3A_385 = vector.broadcast %broadcast_in_dim3A_384 : f32 to vector<16xf32>
      %swap3A_386 = arith.index_cast %scan3A_343 : i32 to index
      %swap3A_387 = arith.constant 96 : index
      %swap3A_388 = tpu.vector_load %arg8[%swap3A_386, %swap3A_387] {strides = array<i32>} : memref<128x128xf32, #tpu.memory_space<vmem>>, vector<1x16xf32>,
      %swap3A_389 = vector.shape_cast %swap3A_388 : vector<1x16xf32> to vector<16xf32>
      %swap3A_390 = vector.shape_cast %broadcast_in_dim3A_385 : vector<16xf32> to vector<1x16xf32>
      tpu.vector_store %arg8[%swap3A_386, %swap3A_387], %swap3A_390 {strides = array<i32>} : memref<128x128xf32, #tpu.memory_space<vmem>>, vector<1x16xf32>,
      %broadcast_in_dim3A_391 = arith.constant 0.000000e+00 : f32
      %broadcast_in_dim3A_392 = vector.broadcast %broadcast_in_dim3A_391 : f32 to vector<16xf32>
      %swap3A_393 = arith.index_cast %scan3A_343 : i32 to index
      %swap3A_394 = arith.constant 112 : index
      %swap3A_395 = tpu.vector_load %arg8[%swap3A_393, %swap3A_394] {strides = array<i32>} : memref<128x128xf32, #tpu.memory_space<vmem>>, vector<1x16xf32>,
      %swap3A_396 = vector.shape_cast %swap3A_395 : vector<1x16xf32> to vector<16xf32>
      %swap3A_397 = vector.shape_cast %broadcast_in_dim3A_392 : vector<16xf32> to vector<1x16xf32>
      tpu.vector_store %arg8[%swap3A_393, %swap3A_394], %swap3A_397 {strides = array<i32>} : memref<128x128xf32, #tpu.memory_space<vmem>>, vector<1x16xf32>,
    }
    %scan3A_5 = arith.constant 128 : i32
    %mul3A_6 = arith.constant 632 : i32
    %mul3A_7 = arith.muli %arg1, %mul3A_6 : i32
    %add3A_8 = arith.constant 0 : i32
    %add3A_9 = arith.addi %mul3A_7, %add3A_8 : i32
    %dma_start3A = arith.constant 0 : i32
    %dma_start3A_10 = tpu.memref_slice %arg10[%add3A_9, %dma_start3A] : memref<10112x128xf32, #tpu.memory_space<vmem_shared>> -> memref<128x128xf32, #tpu.memory_space<vmem_shared>>
    %dma_start3A_11 = arith.constant 0 : i32
    %dma_start3A_12 = tpu.memref_slice %arg10[%add3A_9, %dma_start3A_11] : memref<10112x128xf32, #tpu.memory_space<vmem_shared>> -> memref<128x128xf32, #tpu.memory_space<vmem_shared>>
    tpu.enqueue_dma source(%arg8 : memref<128x128xf32, #tpu.memory_space<vmem>>) target(%dma_start3A_12 : memref<128x128xf32, #tpu.memory_space<vmem_shared>>) target_semaphore(%arg11 : memref<!tpu.dma_semaphore, #tpu.memory_space<semaphore_mem>>)
    %mul3A_13 = arith.constant 632 : i32
    %mul3A_14 = arith.muli %arg1, %mul3A_13 : i32
    %add3A_15 = arith.constant 128 : i32
    %add3A_16 = arith.addi %mul3A_14, %add3A_15 : i32
    %dma_start3A_17 = arith.constant 0 : i32
    %dma_start3A_18 = tpu.memref_slice %arg10[%add3A_16, %dma_start3A_17] : memref<10112x128xf32, #tpu.memory_space<vmem_shared>> -> memref<128x128xf32, #tpu.memory_space<vmem_shared>>
    %dma_start3A_19 = arith.constant 0 : i32
    %dma_start3A_20 = tpu.memref_slice %arg10[%add3A_16, %dma_start3A_19] : memref<10112x128xf32, #tpu.memory_space<vmem_shared>> -> memref<128x128xf32, #tpu.memory_space<vmem_shared>>
    tpu.enqueue_dma source(%arg8 : memref<128x128xf32, #tpu.memory_space<vmem>>) target(%dma_start3A_20 : memref<128x128xf32, #tpu.memory_space<vmem_shared>>) target_semaphore(%arg11 : memref<!tpu.dma_semaphore, #tpu.memory_space<semaphore_mem>>)
    %mul3A_21 = arith.constant 632 : i32
    %mul3A_22 = arith.muli %arg1, %mul3A_21 : i32
    %add3A_23 = arith.constant 256 : i32
    %add3A_24 = arith.addi %mul3A_22, %add3A_23 : i32
    %dma_start3A_25 = arith.constant 0 : i32
    %dma_start3A_26 = tpu.memref_slice %arg10[%add3A_24, %dma_start3A_25] : memref<10112x128xf32, #tpu.memory_space<vmem_shared>> -> memref<128x128xf32, #tpu.memory_space<vmem_shared>>
    %dma_start3A_27 = arith.constant 0 : i32
    %dma_start3A_28 = tpu.memref_slice %arg10[%add3A_24, %dma_start3A_27] : memref<10112x128xf32, #tpu.memory_space<vmem_shared>> -> memref<128x128xf32, #tpu.memory_space<vmem_shared>>
    tpu.enqueue_dma source(%arg8 : memref<128x128xf32, #tpu.memory_space<vmem>>) target(%dma_start3A_28 : memref<128x128xf32, #tpu.memory_space<vmem_shared>>) target_semaphore(%arg11 : memref<!tpu.dma_semaphore, #tpu.memory_space<semaphore_mem>>)
    %mul3A_29 = arith.constant 632 : i32
    %mul3A_30 = arith.muli %arg1, %mul3A_29 : i32
    %add3A_31 = arith.constant 384 : i32
    %add3A_32 = arith.addi %mul3A_30, %add3A_31 : i32
    %dma_start3A_33 = arith.constant 0 : i32
    %dma_start3A_34 = tpu.memref_slice %arg10[%add3A_32, %dma_start3A_33] : memref<10112x128xf32, #tpu.memory_space<vmem_shared>> -> memref<128x128xf32, #tpu.memory_space<vmem_shared>>
    %dma_start3A_35 = arith.constant 0 : i32
    %dma_start3A_36 = tpu.memref_slice %arg10[%add3A_32, %dma_start3A_35] : memref<10112x128xf32, #tpu.memory_space<vmem_shared>> -> memref<128x128xf32, #tpu.memory_space<vmem_shared>>
    tpu.enqueue_dma source(%arg8 : memref<128x128xf32, #tpu.memory_space<vmem>>) target(%dma_start3A_36 : memref<128x128xf32, #tpu.memory_space<vmem_shared>>) target_semaphore(%arg11 : memref<!tpu.dma_semaphore, #tpu.memory_space<semaphore_mem>>)
    %mul3A_37 = arith.constant 632 : i32
    %mul3A_38 = arith.muli %arg1, %mul3A_37 : i32
    %add3A_39 = arith.constant 512 : i32
    %add3A_40 = arith.addi %mul3A_38, %add3A_39 : i32
    %dma_start3A_41 = arith.constant 0 : i32
    %dma_start3A_42 = arith.constant 0 : i32
    %dma_start3A_43 = tpu.memref_slice %arg8[%dma_start3A_41, %dma_start3A_42] : memref<128x128xf32, #tpu.memory_space<vmem>> -> memref<120x128xf32, #tpu.memory_space<vmem>>
    %dma_start3A_44 = arith.constant 0 : i32
    %dma_start3A_45 = tpu.memref_slice %arg10[%add3A_40, %dma_start3A_44] : memref<10112x128xf32, #tpu.memory_space<vmem_shared>> -> memref<120x128xf32, #tpu.memory_space<vmem_shared>>
    %dma_start3A_46 = arith.constant 0 : i32
    %dma_start3A_47 = tpu.memref_slice %arg10[%add3A_40, %dma_start3A_46] : memref<10112x128xf32, #tpu.memory_space<vmem_shared>> -> memref<120x128xf32, #tpu.memory_space<vmem_shared>>
    %dma_start3A_48 = arith.constant 0 : i32
    %dma_start3A_49 = arith.constant 0 : i32
    %dma_start3A_50 = tpu.memref_slice %arg8[%dma_start3A_48, %dma_start3A_49] : memref<128x128xf32, #tpu.memory_space<vmem>> -> memref<120x128xf32, #tpu.memory_space<vmem>>
    tpu.enqueue_dma source(%dma_start3A_50 : memref<120x128xf32, #tpu.memory_space<vmem>>) target(%dma_start3A_47 : memref<120x128xf32, #tpu.memory_space<vmem_shared>>) target_semaphore(%arg11 : memref<!tpu.dma_semaphore, #tpu.memory_space<semaphore_mem>>)
    %dma_wait3A = arith.constant 0 : i32
    %dma_wait3A_51 = tpu.memref_slice %arg10[%add3A_9, %dma_wait3A] : memref<10112x128xf32, #tpu.memory_space<vmem_shared>> -> memref<128x128xf32, #tpu.memory_space<vmem_shared>>
    %dma_wait3A_52 = arith.constant 0 : i32
    %dma_wait3A_53 = tpu.memref_slice %arg10[%add3A_9, %dma_wait3A_52] : memref<10112x128xf32, #tpu.memory_space<vmem_shared>> -> memref<128x128xf32, #tpu.memory_space<vmem_shared>>
    tpu.wait_dma2 semaphore(%arg11 : memref<!tpu.dma_semaphore, #tpu.memory_space<semaphore_mem>>) src(%arg8 : memref<128x128xf32, #tpu.memory_space<vmem>>) dst(%dma_wait3A_53 : memref<128x128xf32, #tpu.memory_space<vmem_shared>>)
    %dma_wait3A_54 = arith.constant 0 : i32
    %dma_wait3A_55 = tpu.memref_slice %arg10[%add3A_16, %dma_wait3A_54] : memref<10112x128xf32, #tpu.memory_space<vmem_shared>> -> memref<128x128xf32, #tpu.memory_space<vmem_shared>>
    %dma_wait3A_56 = arith.constant 0 : i32
    %dma_wait3A_57 = tpu.memref_slice %arg10[%add3A_16, %dma_wait3A_56] : memref<10112x128xf32, #tpu.memory_space<vmem_shared>> -> memref<128x128xf32, #tpu.memory_space<vmem_shared>>
    tpu.wait_dma2 semaphore(%arg11 : memref<!tpu.dma_semaphore, #tpu.memory_space<semaphore_mem>>) src(%arg8 : memref<128x128xf32, #tpu.memory_space<vmem>>) dst(%dma_wait3A_57 : memref<128x128xf32, #tpu.memory_space<vmem_shared>>)
    %dma_wait3A_58 = arith.constant 0 : i32
    %dma_wait3A_59 = tpu.memref_slice %arg10[%add3A_24, %dma_wait3A_58] : memref<10112x128xf32, #tpu.memory_space<vmem_shared>> -> memref<128x128xf32, #tpu.memory_space<vmem_shared>>
    %dma_wait3A_60 = arith.constant 0 : i32
    %dma_wait3A_61 = tpu.memref_slice %arg10[%add3A_24, %dma_wait3A_60] : memref<10112x128xf32, #tpu.memory_space<vmem_shared>> -> memref<128x128xf32, #tpu.memory_space<vmem_shared>>
    tpu.wait_dma2 semaphore(%arg11 : memref<!tpu.dma_semaphore, #tpu.memory_space<semaphore_mem>>) src(%arg8 : memref<128x128xf32, #tpu.memory_space<vmem>>) dst(%dma_wait3A_61 : memref<128x128xf32, #tpu.memory_space<vmem_shared>>)
    %dma_wait3A_62 = arith.constant 0 : i32
    %dma_wait3A_63 = tpu.memref_slice %arg10[%add3A_32, %dma_wait3A_62] : memref<10112x128xf32, #tpu.memory_space<vmem_shared>> -> memref<128x128xf32, #tpu.memory_space<vmem_shared>>
    %dma_wait3A_64 = arith.constant 0 : i32
    %dma_wait3A_65 = tpu.memref_slice %arg10[%add3A_32, %dma_wait3A_64] : memref<10112x128xf32, #tpu.memory_space<vmem_shared>> -> memref<128x128xf32, #tpu.memory_space<vmem_shared>>
    tpu.wait_dma2 semaphore(%arg11 : memref<!tpu.dma_semaphore, #tpu.memory_space<semaphore_mem>>) src(%arg8 : memref<128x128xf32, #tpu.memory_space<vmem>>) dst(%dma_wait3A_65 : memref<128x128xf32, #tpu.memory_space<vmem_shared>>)
    %dma_wait3A_66 = arith.constant 0 : i32
    %dma_wait3A_67 = arith.constant 0 : i32
    %dma_wait3A_68 = tpu.memref_slice %arg8[%dma_wait3A_66, %dma_wait3A_67] : memref<128x128xf32, #tpu.memory_space<vmem>> -> memref<120x128xf32, #tpu.memory_space<vmem>>
    %dma_wait3A_69 = arith.constant 0 : i32
    %dma_wait3A_70 = tpu.memref_slice %arg10[%add3A_40, %dma_wait3A_69] : memref<10112x128xf32, #tpu.memory_space<vmem_shared>> -> memref<120x128xf32, #tpu.memory_space<vmem_shared>>
    %dma_wait3A_71 = arith.constant 0 : i32
    %dma_wait3A_72 = tpu.memref_slice %arg10[%add3A_40, %dma_wait3A_71] : memref<10112x128xf32, #tpu.memory_space<vmem_shared>> -> memref<120x128xf32, #tpu.memory_space<vmem_shared>>
    %dma_wait3A_73 = arith.constant 0 : i32
    %dma_wait3A_74 = arith.constant 0 : i32
    %dma_wait3A_75 = tpu.memref_slice %arg8[%dma_wait3A_73, %dma_wait3A_74] : memref<128x128xf32, #tpu.memory_space<vmem>> -> memref<120x128xf32, #tpu.memory_space<vmem>>
    tpu.wait_dma2 semaphore(%arg11 : memref<!tpu.dma_semaphore, #tpu.memory_space<semaphore_mem>>) src(%dma_wait3A_75 : memref<120x128xf32, #tpu.memory_space<vmem>>) dst(%dma_wait3A_72 : memref<120x128xf32, #tpu.memory_space<vmem_shared>>)
    %barrier3A = arith.constant 0 : index
    tpu.barrier barrier_id(%barrier3A)
    %scan3A_76 = arith.constant 0 : i32
    %scan3A_77 = arith.constant 0 : i32
    %scan3A_78 = arith.constant 79 : i32
    %scan3A_79 = arith.addi %scan3A_77, %scan3A_78 : i32
    %scan3A_80 = arith.constant 1 : i32
    scf.for %scan3A_343 = %scan3A_77 to %scan3A_79 step %scan3A_80  : i32 {
      %mul3A_344 = arith.constant 10112 : i32
      %mul3A_345 = arith.muli %add3A, %mul3A_344 : i32
      %mul3A_346 = arith.constant 128 : i32
      %mul3A_347 = arith.muli %scan3A_343, %mul3A_346 : i32
      %add3A_348 = arith.addi %mul3A_345, %mul3A_347 : i32
      "tpu.region"() ({
        %run_scoped3A = tpu.sem_alloc : memref<!tpu.dma_semaphore, #tpu.memory_space<semaphore_mem>>
        %dma_start3A_355 = tpu.memref_slice %arg3[%add3A_348] : memref<323584xi32, #tpu.memory_space<hbm>> -> memref<128xi32, #tpu.memory_space<hbm>>
        %dma_start3A_356 = tpu.memref_slice %arg3[%add3A_348] : memref<323584xi32, #tpu.memory_space<hbm>> -> memref<128xi32, #tpu.memory_space<hbm>>
        tpu.enqueue_dma source(%dma_start3A_356 : memref<128xi32, #tpu.memory_space<hbm>>) target(%arg6 : memref<128xi32, #tpu.memory_space<vmem>>) target_semaphore(%run_scoped3A : memref<!tpu.dma_semaphore, #tpu.memory_space<semaphore_mem>>)
        %dma_wait3A_357 = tpu.memref_slice %arg3[%add3A_348] : memref<323584xi32, #tpu.memory_space<hbm>> -> memref<128xi32, #tpu.memory_space<hbm>>
        %dma_wait3A_358 = tpu.memref_slice %arg3[%add3A_348] : memref<323584xi32, #tpu.memory_space<hbm>> -> memref<128xi32, #tpu.memory_space<hbm>>
        tpu.wait_dma2 semaphore(%run_scoped3A : memref<!tpu.dma_semaphore, #tpu.memory_space<semaphore_mem>>) src(%dma_wait3A_358 : memref<128xi32, #tpu.memory_space<hbm>>) dst(%arg6 : memref<128xi32, #tpu.memory_space<vmem>>)
        tpu.yield
      }) : () -> ()
      "tpu.region"() ({
        %run_scoped3A = tpu.sem_alloc : memref<!tpu.dma_semaphore, #tpu.memory_space<semaphore_mem>>
        %dma_start3A_355 = tpu.memref_slice %arg4[%add3A_348] : memref<323584xi32, #tpu.memory_space<hbm>> -> memref<128xi32, #tpu.memory_space<hbm>>
        %dma_start3A_356 = tpu.memref_slice %arg4[%add3A_348] : memref<323584xi32, #tpu.memory_space<hbm>> -> memref<128xi32, #tpu.memory_space<hbm>>
        tpu.enqueue_dma source(%dma_start3A_356 : memref<128xi32, #tpu.memory_space<hbm>>) target(%arg7 : memref<128xi32, #tpu.memory_space<vmem>>) target_semaphore(%run_scoped3A : memref<!tpu.dma_semaphore, #tpu.memory_space<semaphore_mem>>)
        %dma_wait3A_357 = tpu.memref_slice %arg4[%add3A_348] : memref<323584xi32, #tpu.memory_space<hbm>> -> memref<128xi32, #tpu.memory_space<hbm>>
        %dma_wait3A_358 = tpu.memref_slice %arg4[%add3A_348] : memref<323584xi32, #tpu.memory_space<hbm>> -> memref<128xi32, #tpu.memory_space<hbm>>
        tpu.wait_dma2 semaphore(%run_scoped3A : memref<!tpu.dma_semaphore, #tpu.memory_space<semaphore_mem>>) src(%dma_wait3A_358 : memref<128xi32, #tpu.memory_space<hbm>>) dst(%arg7 : memref<128xi32, #tpu.memory_space<vmem>>)
        tpu.yield
      }) : () -> ()
      %dma_start3A_349 = arith.constant 0 : i32
      %dma_start3A_350 = arith.constant 0 : i32
      %dma_start3A_351 = tpu.memref_slice %arg2[%dma_start3A_349, %dma_start3A_350] : memref<10112x128xf32, #tpu.memory_space<hbm>> -> memref<10112x128xf32, #tpu.memory_space<hbm>>
      tpu.enqueue_indirect_dma source(%dma_start3A_351 : memref<10112x128xf32, #tpu.memory_space<hbm>>) target(%arg8 : memref<128x128xf32, #tpu.memory_space<vmem>>) offsets(%arg6 : memref<128xi32, #tpu.memory_space<vmem>>) semaphore(%arg11 : memref<!tpu.dma_semaphore, #tpu.memory_space<semaphore_mem>>)
      %dma_wait3A_352 = arith.constant 0 : i32
      %dma_wait3A_353 = arith.constant 0 : i32
      %dma_wait3A_354 = tpu.memref_slice %arg2[%dma_wait3A_352, %dma_wait3A_353] : memref<10112x128xf32, #tpu.memory_space<hbm>> -> memref<10112x128xf32, #tpu.memory_space<hbm>>
      tpu.wait_indirect_dma semaphore(%arg11 : memref<!tpu.dma_semaphore, #tpu.memory_space<semaphore_mem>>) src(%dma_wait3A_354 : memref<10112x128xf32, #tpu.memory_space<hbm>>) dst(%arg8 : memref<128x128xf32, #tpu.memory_space<vmem>>)
      "tpu.region"() ({
        %run_scoped3A = tpu.sem_alloc : memref<!tpu.dma_semaphore, #tpu.memory_space<semaphore_mem>>
        %dma_start3A_355 = arith.constant 0 : i32
        %dma_start3A_356 = arith.constant 0 : i32
        %dma_start3A_357 = tpu.memref_slice %arg10[%dma_start3A_355, %dma_start3A_356] : memref<10112x128xf32, #tpu.memory_space<vmem_shared>> -> memref<10112x128xf32, #tpu.memory_space<vmem_shared>>
        tpu.enqueue_indirect_dma source(%arg8 : memref<128x128xf32, #tpu.memory_space<vmem>>) target(%dma_start3A_357 : memref<10112x128xf32, #tpu.memory_space<vmem_shared>>) offsets(%arg7 : memref<128xi32, #tpu.memory_space<vmem>>) semaphore(%run_scoped3A : memref<!tpu.dma_semaphore, #tpu.memory_space<semaphore_mem>>) {add = true}
        %dma_wait3A_358 = arith.constant 0 : i32
        %dma_wait3A_359 = arith.constant 0 : i32
        %dma_wait3A_360 = tpu.memref_slice %arg10[%dma_wait3A_358, %dma_wait3A_359] : memref<10112x128xf32, #tpu.memory_space<vmem_shared>> -> memref<10112x128xf32, #tpu.memory_space<vmem_shared>>
        tpu.wait_indirect_dma semaphore(%run_scoped3A : memref<!tpu.dma_semaphore, #tpu.memory_space<semaphore_mem>>) src(%arg8 : memref<128x128xf32, #tpu.memory_space<vmem>>) dst(%dma_wait3A_360 : memref<10112x128xf32, #tpu.memory_space<vmem_shared>>)
        tpu.yield
      }) : () -> ()
    }
    %scan3A_81 = arith.constant 79 : i32
    %barrier3A_82 = arith.constant 0 : index
    tpu.barrier barrier_id(%barrier3A_82)
    %mul3A_83 = arith.constant 632 : i32
    %mul3A_84 = arith.muli %arg1, %mul3A_83 : i32
    %add3A_85 = arith.constant 0 : i32
    %add3A_86 = arith.addi %mul3A_84, %add3A_85 : i32
    %dma_start3A_87 = arith.constant 0 : i32
    %dma_start3A_88 = arith.constant 0 : i32
    %dma_start3A_89 = tpu.memref_slice %arg8[%dma_start3A_87, %dma_start3A_88] : memref<128x128xf32, #tpu.memory_space<vmem>> -> memref<128x128xf32, #tpu.memory_space<vmem>>
    %dma_start3A_90 = arith.constant 0 : i32
    %dma_start3A_91 = tpu.memref_slice %arg10[%add3A_86, %dma_start3A_90] : memref<10112x128xf32, #tpu.memory_space<vmem_shared>> -> memref<128x128xf32, #tpu.memory_space<vmem_shared>>
    %dma_start3A_92 = arith.constant 0 : i32
    %dma_start3A_93 = arith.constant 0 : i32
    %dma_start3A_94 = tpu.memref_slice %arg8[%dma_start3A_92, %dma_start3A_93] : memref<128x128xf32, #tpu.memory_space<vmem>> -> memref<128x128xf32, #tpu.memory_space<vmem>>
    %dma_start3A_95 = arith.constant 0 : i32
    %dma_start3A_96 = tpu.memref_slice %arg10[%add3A_86, %dma_start3A_95] : memref<10112x128xf32, #tpu.memory_space<vmem_shared>> -> memref<128x128xf32, #tpu.memory_space<vmem_shared>>
    tpu.enqueue_dma source(%dma_start3A_96 : memref<128x128xf32, #tpu.memory_space<vmem_shared>>) target(%dma_start3A_94 : memref<128x128xf32, #tpu.memory_space<vmem>>) target_semaphore(%arg11 : memref<!tpu.dma_semaphore, #tpu.memory_space<semaphore_mem>>)
    %dma_wait3A_97 = arith.constant 0 : i32
    %dma_wait3A_98 = arith.constant 0 : i32
    %dma_wait3A_99 = tpu.memref_slice %arg8[%dma_wait3A_97, %dma_wait3A_98] : memref<128x128xf32, #tpu.memory_space<vmem>> -> memref<128x128xf32, #tpu.memory_space<vmem>>
    %dma_wait3A_100 = arith.constant 0 : i32
    %dma_wait3A_101 = tpu.memref_slice %arg10[%add3A_86, %dma_wait3A_100] : memref<10112x128xf32, #tpu.memory_space<vmem_shared>> -> memref<128x128xf32, #tpu.memory_space<vmem_shared>>
    %dma_wait3A_102 = arith.constant 0 : i32
    %dma_wait3A_103 = arith.constant 0 : i32
    %dma_wait3A_104 = tpu.memref_slice %arg8[%dma_wait3A_102, %dma_wait3A_103] : memref<128x128xf32, #tpu.memory_space<vmem>> -> memref<128x128xf32, #tpu.memory_space<vmem>>
    %dma_wait3A_105 = arith.constant 0 : i32
    %dma_wait3A_106 = tpu.memref_slice %arg10[%add3A_86, %dma_wait3A_105] : memref<10112x128xf32, #tpu.memory_space<vmem_shared>> -> memref<128x128xf32, #tpu.memory_space<vmem_shared>>
    tpu.wait_dma2 semaphore(%arg11 : memref<!tpu.dma_semaphore, #tpu.memory_space<semaphore_mem>>) src(%dma_wait3A_106 : memref<128x128xf32, #tpu.memory_space<vmem_shared>>) dst(%dma_wait3A_104 : memref<128x128xf32, #tpu.memory_space<vmem>>)
    %mul3A_107 = arith.constant 632 : i32
    %mul3A_108 = arith.muli %arg1, %mul3A_107 : i32
    %add3A_109 = arith.constant 0 : i32
    %add3A_110 = arith.addi %mul3A_108, %add3A_109 : i32
    %dma_start3A_111 = arith.constant 0 : i32
    %dma_start3A_112 = arith.constant 0 : i32
    %dma_start3A_113 = tpu.memref_slice %arg8[%dma_start3A_111, %dma_start3A_112] : memref<128x128xf32, #tpu.memory_space<vmem>> -> memref<128x128xf32, #tpu.memory_space<vmem>>
    %dma_start3A_114 = arith.constant 0 : i32
    %dma_start3A_115 = tpu.memref_slice %arg5[%arg0, %add3A_110, %dma_start3A_114] : memref<2x10112x128xf32, #tpu.memory_space<hbm>> -> memref<1x128x128xf32, #tpu.memory_space<hbm>>
    %dma_start3A_116 = tpu.memref_squeeze %dma_start3A_115 : memref<1x128x128xf32, #tpu.memory_space<hbm>> -> memref<128x128xf32, #tpu.memory_space<hbm>>
    %dma_start3A_117 = arith.constant 0 : i32
    %dma_start3A_118 = tpu.memref_slice %arg5[%arg0, %add3A_110, %dma_start3A_117] : memref<2x10112x128xf32, #tpu.memory_space<hbm>> -> memref<1x128x128xf32, #tpu.memory_space<hbm>>
    %dma_start3A_119 = tpu.memref_squeeze %dma_start3A_118 : memref<1x128x128xf32, #tpu.memory_space<hbm>> -> memref<128x128xf32, #tpu.memory_space<hbm>>
    %dma_start3A_120 = arith.constant 0 : i32
    %dma_start3A_121 = arith.constant 0 : i32
    %dma_start3A_122 = tpu.memref_slice %arg8[%dma_start3A_120, %dma_start3A_121] : memref<128x128xf32, #tpu.memory_space<vmem>> -> memref<128x128xf32, #tpu.memory_space<vmem>>
    tpu.enqueue_dma source(%dma_start3A_122 : memref<128x128xf32, #tpu.memory_space<vmem>>) target(%dma_start3A_119 : memref<128x128xf32, #tpu.memory_space<hbm>>) target_semaphore(%arg12 : memref<!tpu.dma_semaphore, #tpu.memory_space<semaphore_mem>>)
    %mul3A_123 = arith.constant 632 : i32
    %mul3A_124 = arith.muli %arg1, %mul3A_123 : i32
    %add3A_125 = arith.constant 128 : i32
    %add3A_126 = arith.addi %mul3A_124, %add3A_125 : i32
    %dma_start3A_127 = arith.constant 0 : i32
    %dma_start3A_128 = arith.constant 0 : i32
    %dma_start3A_129 = tpu.memref_slice %arg9[%dma_start3A_127, %dma_start3A_128] : memref<128x128xf32, #tpu.memory_space<vmem>> -> memref<128x128xf32, #tpu.memory_space<vmem>>
    %dma_start3A_130 = arith.constant 0 : i32
    %dma_start3A_131 = tpu.memref_slice %arg10[%add3A_126, %dma_start3A_130] : memref<10112x128xf32, #tpu.memory_space<vmem_shared>> -> memref<128x128xf32, #tpu.memory_space<vmem_shared>>
    %dma_start3A_132 = arith.constant 0 : i32
    %dma_start3A_133 = arith.constant 0 : i32
    %dma_start3A_134 = tpu.memref_slice %arg9[%dma_start3A_132, %dma_start3A_133] : memref<128x128xf32, #tpu.memory_space<vmem>> -> memref<128x128xf32, #tpu.memory_space<vmem>>
    %dma_start3A_135 = arith.constant 0 : i32
    %dma_start3A_136 = tpu.memref_slice %arg10[%add3A_126, %dma_start3A_135] : memref<10112x128xf32, #tpu.memory_space<vmem_shared>> -> memref<128x128xf32, #tpu.memory_space<vmem_shared>>
    tpu.enqueue_dma source(%dma_start3A_136 : memref<128x128xf32, #tpu.memory_space<vmem_shared>>) target(%dma_start3A_134 : memref<128x128xf32, #tpu.memory_space<vmem>>) target_semaphore(%arg11 : memref<!tpu.dma_semaphore, #tpu.memory_space<semaphore_mem>>)
    %dma_wait3A_137 = arith.constant 0 : i32
    %dma_wait3A_138 = arith.constant 0 : i32
    %dma_wait3A_139 = tpu.memref_slice %arg9[%dma_wait3A_137, %dma_wait3A_138] : memref<128x128xf32, #tpu.memory_space<vmem>> -> memref<128x128xf32, #tpu.memory_space<vmem>>
    %dma_wait3A_140 = arith.constant 0 : i32
    %dma_wait3A_141 = tpu.memref_slice %arg10[%add3A_126, %dma_wait3A_140] : memref<10112x128xf32, #tpu.memory_space<vmem_shared>> -> memref<128x128xf32, #tpu.memory_space<vmem_shared>>
    %dma_wait3A_142 = arith.constant 0 : i32
    %dma_wait3A_143 = arith.constant 0 : i32
    %dma_wait3A_144 = tpu.memref_slice %arg9[%dma_wait3A_142, %dma_wait3A_143] : memref<128x128xf32, #tpu.memory_space<vmem>> -> memref<128x128xf32, #tpu.memory_space<vmem>>
    %dma_wait3A_145 = arith.constant 0 : i32
    %dma_wait3A_146 = tpu.memref_slice %arg10[%add3A_126, %dma_wait3A_145] : memref<10112x128xf32, #tpu.memory_space<vmem_shared>> -> memref<128x128xf32, #tpu.memory_space<vmem_shared>>
    tpu.wait_dma2 semaphore(%arg11 : memref<!tpu.dma_semaphore, #tpu.memory_space<semaphore_mem>>) src(%dma_wait3A_146 : memref<128x128xf32, #tpu.memory_space<vmem_shared>>) dst(%dma_wait3A_144 : memref<128x128xf32, #tpu.memory_space<vmem>>)
    %mul3A_147 = arith.constant 632 : i32
    %mul3A_148 = arith.muli %arg1, %mul3A_147 : i32
    %add3A_149 = arith.constant 128 : i32
    %add3A_150 = arith.addi %mul3A_148, %add3A_149 : i32
    %dma_start3A_151 = arith.constant 0 : i32
    %dma_start3A_152 = arith.constant 0 : i32
    %dma_start3A_153 = tpu.memref_slice %arg9[%dma_start3A_151, %dma_start3A_152] : memref<128x128xf32, #tpu.memory_space<vmem>> -> memref<128x128xf32, #tpu.memory_space<vmem>>
    %dma_start3A_154 = arith.constant 0 : i32
    %dma_start3A_155 = tpu.memref_slice %arg5[%arg0, %add3A_150, %dma_start3A_154] : memref<2x10112x128xf32, #tpu.memory_space<hbm>> -> memref<1x128x128xf32, #tpu.memory_space<hbm>>
    %dma_start3A_156 = tpu.memref_squeeze %dma_start3A_155 : memref<1x128x128xf32, #tpu.memory_space<hbm>> -> memref<128x128xf32, #tpu.memory_space<hbm>>
    %dma_start3A_157 = arith.constant 0 : i32
    %dma_start3A_158 = tpu.memref_slice %arg5[%arg0, %add3A_150, %dma_start3A_157] : memref<2x10112x128xf32, #tpu.memory_space<hbm>> -> memref<1x128x128xf32, #tpu.memory_space<hbm>>
    %dma_start3A_159 = tpu.memref_squeeze %dma_start3A_158 : memref<1x128x128xf32, #tpu.memory_space<hbm>> -> memref<128x128xf32, #tpu.memory_space<hbm>>
    %dma_start3A_160 = arith.constant 0 : i32
    %dma_start3A_161 = arith.constant 0 : i32
    %dma_start3A_162 = tpu.memref_slice %arg9[%dma_start3A_160, %dma_start3A_161] : memref<128x128xf32, #tpu.memory_space<vmem>> -> memref<128x128xf32, #tpu.memory_space<vmem>>
    tpu.enqueue_dma source(%dma_start3A_162 : memref<128x128xf32, #tpu.memory_space<vmem>>) target(%dma_start3A_159 : memref<128x128xf32, #tpu.memory_space<hbm>>) target_semaphore(%arg12 : memref<!tpu.dma_semaphore, #tpu.memory_space<semaphore_mem>>)
    %dma_wait3A_163 = arith.constant 0 : i32
    %dma_wait3A_164 = arith.constant 0 : i32
    %dma_wait3A_165 = tpu.memref_slice %arg8[%dma_wait3A_163, %dma_wait3A_164] : memref<128x128xf32, #tpu.memory_space<vmem>> -> memref<128x128xf32, #tpu.memory_space<vmem>>
    %dma_wait3A_166 = arith.constant 0 : i32
    %dma_wait3A_167 = tpu.memref_slice %arg5[%arg0, %add3A_110, %dma_wait3A_166] : memref<2x10112x128xf32, #tpu.memory_space<hbm>> -> memref<1x128x128xf32, #tpu.memory_space<hbm>>
    %dma_wait3A_168 = tpu.memref_squeeze %dma_wait3A_167 : memref<1x128x128xf32, #tpu.memory_space<hbm>> -> memref<128x128xf32, #tpu.memory_space<hbm>>
    %dma_wait3A_169 = arith.constant 0 : i32
    %dma_wait3A_170 = tpu.memref_slice %arg5[%arg0, %add3A_110, %dma_wait3A_169] : memref<2x10112x128xf32, #tpu.memory_space<hbm>> -> memref<1x128x128xf32, #tpu.memory_space<hbm>>
    %dma_wait3A_171 = tpu.memref_squeeze %dma_wait3A_170 : memref<1x128x128xf32, #tpu.memory_space<hbm>> -> memref<128x128xf32, #tpu.memory_space<hbm>>
    %dma_wait3A_172 = arith.constant 0 : i32
    %dma_wait3A_173 = arith.constant 0 : i32
    %dma_wait3A_174 = tpu.memref_slice %arg8[%dma_wait3A_172, %dma_wait3A_173] : memref<128x128xf32, #tpu.memory_space<vmem>> -> memref<128x128xf32, #tpu.memory_space<vmem>>
    tpu.wait_dma2 semaphore(%arg12 : memref<!tpu.dma_semaphore, #tpu.memory_space<semaphore_mem>>) src(%dma_wait3A_174 : memref<128x128xf32, #tpu.memory_space<vmem>>) dst(%dma_wait3A_171 : memref<128x128xf32, #tpu.memory_space<hbm>>)
    %mul3A_175 = arith.constant 632 : i32
    %mul3A_176 = arith.muli %arg1, %mul3A_175 : i32
    %add3A_177 = arith.constant 256 : i32
    %add3A_178 = arith.addi %mul3A_176, %add3A_177 : i32
    %dma_start3A_179 = arith.constant 0 : i32
    %dma_start3A_180 = arith.constant 0 : i32
    %dma_start3A_181 = tpu.memref_slice %arg8[%dma_start3A_179, %dma_start3A_180] : memref<128x128xf32, #tpu.memory_space<vmem>> -> memref<128x128xf32, #tpu.memory_space<vmem>>
    %dma_start3A_182 = arith.constant 0 : i32
    %dma_start3A_183 = tpu.memref_slice %arg10[%add3A_178, %dma_start3A_182] : memref<10112x128xf32, #tpu.memory_space<vmem_shared>> -> memref<128x128xf32, #tpu.memory_space<vmem_shared>>
    %dma_start3A_184 = arith.constant 0 : i32
    %dma_start3A_185 = arith.constant 0 : i32
    %dma_start3A_186 = tpu.memref_slice %arg8[%dma_start3A_184, %dma_start3A_185] : memref<128x128xf32, #tpu.memory_space<vmem>> -> memref<128x128xf32, #tpu.memory_space<vmem>>
    %dma_start3A_187 = arith.constant 0 : i32
    %dma_start3A_188 = tpu.memref_slice %arg10[%add3A_178, %dma_start3A_187] : memref<10112x128xf32, #tpu.memory_space<vmem_shared>> -> memref<128x128xf32, #tpu.memory_space<vmem_shared>>
    tpu.enqueue_dma source(%dma_start3A_188 : memref<128x128xf32, #tpu.memory_space<vmem_shared>>) target(%dma_start3A_186 : memref<128x128xf32, #tpu.memory_space<vmem>>) target_semaphore(%arg11 : memref<!tpu.dma_semaphore, #tpu.memory_space<semaphore_mem>>)
    %dma_wait3A_189 = arith.constant 0 : i32
    %dma_wait3A_190 = arith.constant 0 : i32
    %dma_wait3A_191 = tpu.memref_slice %arg8[%dma_wait3A_189, %dma_wait3A_190] : memref<128x128xf32, #tpu.memory_space<vmem>> -> memref<128x128xf32, #tpu.memory_space<vmem>>
    %dma_wait3A_192 = arith.constant 0 : i32
    %dma_wait3A_193 = tpu.memref_slice %arg10[%add3A_178, %dma_wait3A_192] : memref<10112x128xf32, #tpu.memory_space<vmem_shared>> -> memref<128x128xf32, #tpu.memory_space<vmem_shared>>
    %dma_wait3A_194 = arith.constant 0 : i32
    %dma_wait3A_195 = arith.constant 0 : i32
    %dma_wait3A_196 = tpu.memref_slice %arg8[%dma_wait3A_194, %dma_wait3A_195] : memref<128x128xf32, #tpu.memory_space<vmem>> -> memref<128x128xf32, #tpu.memory_space<vmem>>
    %dma_wait3A_197 = arith.constant 0 : i32
    %dma_wait3A_198 = tpu.memref_slice %arg10[%add3A_178, %dma_wait3A_197] : memref<10112x128xf32, #tpu.memory_space<vmem_shared>> -> memref<128x128xf32, #tpu.memory_space<vmem_shared>>
    tpu.wait_dma2 semaphore(%arg11 : memref<!tpu.dma_semaphore, #tpu.memory_space<semaphore_mem>>) src(%dma_wait3A_198 : memref<128x128xf32, #tpu.memory_space<vmem_shared>>) dst(%dma_wait3A_196 : memref<128x128xf32, #tpu.memory_space<vmem>>)
    %mul3A_199 = arith.constant 632 : i32
    %mul3A_200 = arith.muli %arg1, %mul3A_199 : i32
    %add3A_201 = arith.constant 256 : i32
    %add3A_202 = arith.addi %mul3A_200, %add3A_201 : i32
    %dma_start3A_203 = arith.constant 0 : i32
    %dma_start3A_204 = arith.constant 0 : i32
    %dma_start3A_205 = tpu.memref_slice %arg8[%dma_start3A_203, %dma_start3A_204] : memref<128x128xf32, #tpu.memory_space<vmem>> -> memref<128x128xf32, #tpu.memory_space<vmem>>
    %dma_start3A_206 = arith.constant 0 : i32
    %dma_start3A_207 = tpu.memref_slice %arg5[%arg0, %add3A_202, %dma_start3A_206] : memref<2x10112x128xf32, #tpu.memory_space<hbm>> -> memref<1x128x128xf32, #tpu.memory_space<hbm>>
    %dma_start3A_208 = tpu.memref_squeeze %dma_start3A_207 : memref<1x128x128xf32, #tpu.memory_space<hbm>> -> memref<128x128xf32, #tpu.memory_space<hbm>>
    %dma_start3A_209 = arith.constant 0 : i32
    %dma_start3A_210 = tpu.memref_slice %arg5[%arg0, %add3A_202, %dma_start3A_209] : memref<2x10112x128xf32, #tpu.memory_space<hbm>> -> memref<1x128x128xf32, #tpu.memory_space<hbm>>
    %dma_start3A_211 = tpu.memref_squeeze %dma_start3A_210 : memref<1x128x128xf32, #tpu.memory_space<hbm>> -> memref<128x128xf32, #tpu.memory_space<hbm>>
    %dma_start3A_212 = arith.constant 0 : i32
    %dma_start3A_213 = arith.constant 0 : i32
    %dma_start3A_214 = tpu.memref_slice %arg8[%dma_start3A_212, %dma_start3A_213] : memref<128x128xf32, #tpu.memory_space<vmem>> -> memref<128x128xf32, #tpu.memory_space<vmem>>
    tpu.enqueue_dma source(%dma_start3A_214 : memref<128x128xf32, #tpu.memory_space<vmem>>) target(%dma_start3A_211 : memref<128x128xf32, #tpu.memory_space<hbm>>) target_semaphore(%arg12 : memref<!tpu.dma_semaphore, #tpu.memory_space<semaphore_mem>>)
    %dma_wait3A_215 = arith.constant 0 : i32
    %dma_wait3A_216 = arith.constant 0 : i32
    %dma_wait3A_217 = tpu.memref_slice %arg9[%dma_wait3A_215, %dma_wait3A_216] : memref<128x128xf32, #tpu.memory_space<vmem>> -> memref<128x128xf32, #tpu.memory_space<vmem>>
    %dma_wait3A_218 = arith.constant 0 : i32
    %dma_wait3A_219 = tpu.memref_slice %arg5[%arg0, %add3A_150, %dma_wait3A_218] : memref<2x10112x128xf32, #tpu.memory_space<hbm>> -> memref<1x128x128xf32, #tpu.memory_space<hbm>>
    %dma_wait3A_220 = tpu.memref_squeeze %dma_wait3A_219 : memref<1x128x128xf32, #tpu.memory_space<hbm>> -> memref<128x128xf32, #tpu.memory_space<hbm>>
    %dma_wait3A_221 = arith.constant 0 : i32
    %dma_wait3A_222 = tpu.memref_slice %arg5[%arg0, %add3A_150, %dma_wait3A_221] : memref<2x10112x128xf32, #tpu.memory_space<hbm>> -> memref<1x128x128xf32, #tpu.memory_space<hbm>>
    %dma_wait3A_223 = tpu.memref_squeeze %dma_wait3A_222 : memref<1x128x128xf32, #tpu.memory_space<hbm>> -> memref<128x128xf32, #tpu.memory_space<hbm>>
    %dma_wait3A_224 = arith.constant 0 : i32
    %dma_wait3A_225 = arith.constant 0 : i32
    %dma_wait3A_226 = tpu.memref_slice %arg9[%dma_wait3A_224, %dma_wait3A_225] : memref<128x128xf32, #tpu.memory_space<vmem>> -> memref<128x128xf32, #tpu.memory_space<vmem>>
    tpu.wait_dma2 semaphore(%arg12 : memref<!tpu.dma_semaphore, #tpu.memory_space<semaphore_mem>>) src(%dma_wait3A_226 : memref<128x128xf32, #tpu.memory_space<vmem>>) dst(%dma_wait3A_223 : memref<128x128xf32, #tpu.memory_space<hbm>>)
    %mul3A_227 = arith.constant 632 : i32
    %mul3A_228 = arith.muli %arg1, %mul3A_227 : i32
    %add3A_229 = arith.constant 384 : i32
    %add3A_230 = arith.addi %mul3A_228, %add3A_229 : i32
    %dma_start3A_231 = arith.constant 0 : i32
    %dma_start3A_232 = arith.constant 0 : i32
    %dma_start3A_233 = tpu.memref_slice %arg9[%dma_start3A_231, %dma_start3A_232] : memref<128x128xf32, #tpu.memory_space<vmem>> -> memref<128x128xf32, #tpu.memory_space<vmem>>
    %dma_start3A_234 = arith.constant 0 : i32
    %dma_start3A_235 = tpu.memref_slice %arg10[%add3A_230, %dma_start3A_234] : memref<10112x128xf32, #tpu.memory_space<vmem_shared>> -> memref<128x128xf32, #tpu.memory_space<vmem_shared>>
    %dma_start3A_236 = arith.constant 0 : i32
    %dma_start3A_237 = arith.constant 0 : i32
    %dma_start3A_238 = tpu.memref_slice %arg9[%dma_start3A_236, %dma_start3A_237] : memref<128x128xf32, #tpu.memory_space<vmem>> -> memref<128x128xf32, #tpu.memory_space<vmem>>
    %dma_start3A_239 = arith.constant 0 : i32
    %dma_start3A_240 = tpu.memref_slice %arg10[%add3A_230, %dma_start3A_239] : memref<10112x128xf32, #tpu.memory_space<vmem_shared>> -> memref<128x128xf32, #tpu.memory_space<vmem_shared>>
    tpu.enqueue_dma source(%dma_start3A_240 : memref<128x128xf32, #tpu.memory_space<vmem_shared>>) target(%dma_start3A_238 : memref<128x128xf32, #tpu.memory_space<vmem>>) target_semaphore(%arg11 : memref<!tpu.dma_semaphore, #tpu.memory_space<semaphore_mem>>)
    %dma_wait3A_241 = arith.constant 0 : i32
    %dma_wait3A_242 = arith.constant 0 : i32
    %dma_wait3A_243 = tpu.memref_slice %arg9[%dma_wait3A_241, %dma_wait3A_242] : memref<128x128xf32, #tpu.memory_space<vmem>> -> memref<128x128xf32, #tpu.memory_space<vmem>>
    %dma_wait3A_244 = arith.constant 0 : i32
    %dma_wait3A_245 = tpu.memref_slice %arg10[%add3A_230, %dma_wait3A_244] : memref<10112x128xf32, #tpu.memory_space<vmem_shared>> -> memref<128x128xf32, #tpu.memory_space<vmem_shared>>
    %dma_wait3A_246 = arith.constant 0 : i32
    %dma_wait3A_247 = arith.constant 0 : i32
    %dma_wait3A_248 = tpu.memref_slice %arg9[%dma_wait3A_246, %dma_wait3A_247] : memref<128x128xf32, #tpu.memory_space<vmem>> -> memref<128x128xf32, #tpu.memory_space<vmem>>
    %dma_wait3A_249 = arith.constant 0 : i32
    %dma_wait3A_250 = tpu.memref_slice %arg10[%add3A_230, %dma_wait3A_249] : memref<10112x128xf32, #tpu.memory_space<vmem_shared>> -> memref<128x128xf32, #tpu.memory_space<vmem_shared>>
    tpu.wait_dma2 semaphore(%arg11 : memref<!tpu.dma_semaphore, #tpu.memory_space<semaphore_mem>>) src(%dma_wait3A_250 : memref<128x128xf32, #tpu.memory_space<vmem_shared>>) dst(%dma_wait3A_248 : memref<128x128xf32, #tpu.memory_space<vmem>>)
    %mul3A_251 = arith.constant 632 : i32
    %mul3A_252 = arith.muli %arg1, %mul3A_251 : i32
    %add3A_253 = arith.constant 384 : i32
    %add3A_254 = arith.addi %mul3A_252, %add3A_253 : i32
    %dma_start3A_255 = arith.constant 0 : i32
    %dma_start3A_256 = arith.constant 0 : i32
    %dma_start3A_257 = tpu.memref_slice %arg9[%dma_start3A_255, %dma_start3A_256] : memref<128x128xf32, #tpu.memory_space<vmem>> -> memref<128x128xf32, #tpu.memory_space<vmem>>
    %dma_start3A_258 = arith.constant 0 : i32
    %dma_start3A_259 = tpu.memref_slice %arg5[%arg0, %add3A_254, %dma_start3A_258] : memref<2x10112x128xf32, #tpu.memory_space<hbm>> -> memref<1x128x128xf32, #tpu.memory_space<hbm>>
    %dma_start3A_260 = tpu.memref_squeeze %dma_start3A_259 : memref<1x128x128xf32, #tpu.memory_space<hbm>> -> memref<128x128xf32, #tpu.memory_space<hbm>>
    %dma_start3A_261 = arith.constant 0 : i32
    %dma_start3A_262 = tpu.memref_slice %arg5[%arg0, %add3A_254, %dma_start3A_261] : memref<2x10112x128xf32, #tpu.memory_space<hbm>> -> memref<1x128x128xf32, #tpu.memory_space<hbm>>
    %dma_start3A_263 = tpu.memref_squeeze %dma_start3A_262 : memref<1x128x128xf32, #tpu.memory_space<hbm>> -> memref<128x128xf32, #tpu.memory_space<hbm>>
    %dma_start3A_264 = arith.constant 0 : i32
    %dma_start3A_265 = arith.constant 0 : i32
    %dma_start3A_266 = tpu.memref_slice %arg9[%dma_start3A_264, %dma_start3A_265] : memref<128x128xf32, #tpu.memory_space<vmem>> -> memref<128x128xf32, #tpu.memory_space<vmem>>
    tpu.enqueue_dma source(%dma_start3A_266 : memref<128x128xf32, #tpu.memory_space<vmem>>) target(%dma_start3A_263 : memref<128x128xf32, #tpu.memory_space<hbm>>) target_semaphore(%arg12 : memref<!tpu.dma_semaphore, #tpu.memory_space<semaphore_mem>>)
    %dma_wait3A_267 = arith.constant 0 : i32
    %dma_wait3A_268 = arith.constant 0 : i32
    %dma_wait3A_269 = tpu.memref_slice %arg8[%dma_wait3A_267, %dma_wait3A_268] : memref<128x128xf32, #tpu.memory_space<vmem>> -> memref<128x128xf32, #tpu.memory_space<vmem>>
    %dma_wait3A_270 = arith.constant 0 : i32
    %dma_wait3A_271 = tpu.memref_slice %arg5[%arg0, %add3A_202, %dma_wait3A_270] : memref<2x10112x128xf32, #tpu.memory_space<hbm>> -> memref<1x128x128xf32, #tpu.memory_space<hbm>>
    %dma_wait3A_272 = tpu.memref_squeeze %dma_wait3A_271 : memref<1x128x128xf32, #tpu.memory_space<hbm>> -> memref<128x128xf32, #tpu.memory_space<hbm>>
    %dma_wait3A_273 = arith.constant 0 : i32
    %dma_wait3A_274 = tpu.memref_slice %arg5[%arg0, %add3A_202, %dma_wait3A_273] : memref<2x10112x128xf32, #tpu.memory_space<hbm>> -> memref<1x128x128xf32, #tpu.memory_space<hbm>>
    %dma_wait3A_275 = tpu.memref_squeeze %dma_wait3A_274 : memref<1x128x128xf32, #tpu.memory_space<hbm>> -> memref<128x128xf32, #tpu.memory_space<hbm>>
    %dma_wait3A_276 = arith.constant 0 : i32
    %dma_wait3A_277 = arith.constant 0 : i32
    %dma_wait3A_278 = tpu.memref_slice %arg8[%dma_wait3A_276, %dma_wait3A_277] : memref<128x128xf32, #tpu.memory_space<vmem>> -> memref<128x128xf32, #tpu.memory_space<vmem>>
    tpu.wait_dma2 semaphore(%arg12 : memref<!tpu.dma_semaphore, #tpu.memory_space<semaphore_mem>>) src(%dma_wait3A_278 : memref<128x128xf32, #tpu.memory_space<vmem>>) dst(%dma_wait3A_275 : memref<128x128xf32, #tpu.memory_space<hbm>>)
    %mul3A_279 = arith.constant 632 : i32
    %mul3A_280 = arith.muli %arg1, %mul3A_279 : i32
    %add3A_281 = arith.constant 512 : i32
    %add3A_282 = arith.addi %mul3A_280, %add3A_281 : i32
    %dma_start3A_283 = arith.constant 0 : i32
    %dma_start3A_284 = arith.constant 0 : i32
    %dma_start3A_285 = tpu.memref_slice %arg8[%dma_start3A_283, %dma_start3A_284] : memref<128x128xf32, #tpu.memory_space<vmem>> -> memref<120x128xf32, #tpu.memory_space<vmem>>
    %dma_start3A_286 = arith.constant 0 : i32
    %dma_start3A_287 = tpu.memref_slice %arg10[%add3A_282, %dma_start3A_286] : memref<10112x128xf32, #tpu.memory_space<vmem_shared>> -> memref<120x128xf32, #tpu.memory_space<vmem_shared>>
    %dma_start3A_288 = arith.constant 0 : i32
    %dma_start3A_289 = arith.constant 0 : i32
    %dma_start3A_290 = tpu.memref_slice %arg8[%dma_start3A_288, %dma_start3A_289] : memref<128x128xf32, #tpu.memory_space<vmem>> -> memref<120x128xf32, #tpu.memory_space<vmem>>
    %dma_start3A_291 = arith.constant 0 : i32
    %dma_start3A_292 = tpu.memref_slice %arg10[%add3A_282, %dma_start3A_291] : memref<10112x128xf32, #tpu.memory_space<vmem_shared>> -> memref<120x128xf32, #tpu.memory_space<vmem_shared>>
    tpu.enqueue_dma source(%dma_start3A_292 : memref<120x128xf32, #tpu.memory_space<vmem_shared>>) target(%dma_start3A_290 : memref<120x128xf32, #tpu.memory_space<vmem>>) target_semaphore(%arg11 : memref<!tpu.dma_semaphore, #tpu.memory_space<semaphore_mem>>)
    %dma_wait3A_293 = arith.constant 0 : i32
    %dma_wait3A_294 = arith.constant 0 : i32
    %dma_wait3A_295 = tpu.memref_slice %arg8[%dma_wait3A_293, %dma_wait3A_294] : memref<128x128xf32, #tpu.memory_space<vmem>> -> memref<120x128xf32, #tpu.memory_space<vmem>>
    %dma_wait3A_296 = arith.constant 0 : i32
    %dma_wait3A_297 = tpu.memref_slice %arg10[%add3A_282, %dma_wait3A_296] : memref<10112x128xf32, #tpu.memory_space<vmem_shared>> -> memref<120x128xf32, #tpu.memory_space<vmem_shared>>
    %dma_wait3A_298 = arith.constant 0 : i32
    %dma_wait3A_299 = arith.constant 0 : i32
    %dma_wait3A_300 = tpu.memref_slice %arg8[%dma_wait3A_298, %dma_wait3A_299] : memref<128x128xf32, #tpu.memory_space<vmem>> -> memref<120x128xf32, #tpu.memory_space<vmem>>
    %dma_wait3A_301 = arith.constant 0 : i32
    %dma_wait3A_302 = tpu.memref_slice %arg10[%add3A_282, %dma_wait3A_301] : memref<10112x128xf32, #tpu.memory_space<vmem_shared>> -> memref<120x128xf32, #tpu.memory_space<vmem_shared>>
    tpu.wait_dma2 semaphore(%arg11 : memref<!tpu.dma_semaphore, #tpu.memory_space<semaphore_mem>>) src(%dma_wait3A_302 : memref<120x128xf32, #tpu.memory_space<vmem_shared>>) dst(%dma_wait3A_300 : memref<120x128xf32, #tpu.memory_space<vmem>>)
    %mul3A_303 = arith.constant 632 : i32
    %mul3A_304 = arith.muli %arg1, %mul3A_303 : i32
    %add3A_305 = arith.constant 512 : i32
    %add3A_306 = arith.addi %mul3A_304, %add3A_305 : i32
    %dma_start3A_307 = arith.constant 0 : i32
    %dma_start3A_308 = arith.constant 0 : i32
    %dma_start3A_309 = tpu.memref_slice %arg8[%dma_start3A_307, %dma_start3A_308] : memref<128x128xf32, #tpu.memory_space<vmem>> -> memref<120x128xf32, #tpu.memory_space<vmem>>
    %dma_start3A_310 = arith.constant 0 : i32
    %dma_start3A_311 = tpu.memref_slice %arg5[%arg0, %add3A_306, %dma_start3A_310] : memref<2x10112x128xf32, #tpu.memory_space<hbm>> -> memref<1x120x128xf32, #tpu.memory_space<hbm>>
    %dma_start3A_312 = tpu.memref_squeeze %dma_start3A_311 : memref<1x120x128xf32, #tpu.memory_space<hbm>> -> memref<120x128xf32, #tpu.memory_space<hbm>>
    %dma_start3A_313 = arith.constant 0 : i32
    %dma_start3A_314 = tpu.memref_slice %arg5[%arg0, %add3A_306, %dma_start3A_313] : memref<2x10112x128xf32, #tpu.memory_space<hbm>> -> memref<1x120x128xf32, #tpu.memory_space<hbm>>
    %dma_start3A_315 = tpu.memref_squeeze %dma_start3A_314 : memref<1x120x128xf32, #tpu.memory_space<hbm>> -> memref<120x128xf32, #tpu.memory_space<hbm>>
    %dma_start3A_316 = arith.constant 0 : i32
    %dma_start3A_317 = arith.constant 0 : i32
    %dma_start3A_318 = tpu.memref_slice %arg8[%dma_start3A_316, %dma_start3A_317] : memref<128x128xf32, #tpu.memory_space<vmem>> -> memref<120x128xf32, #tpu.memory_space<vmem>>
    tpu.enqueue_dma source(%dma_start3A_318 : memref<120x128xf32, #tpu.memory_space<vmem>>) target(%dma_start3A_315 : memref<120x128xf32, #tpu.memory_space<hbm>>) target_semaphore(%arg12 : memref<!tpu.dma_semaphore, #tpu.memory_space<semaphore_mem>>)
    %dma_wait3A_319 = arith.constant 0 : i32
    %dma_wait3A_320 = arith.constant 0 : i32
    %dma_wait3A_321 = tpu.memref_slice %arg8[%dma_wait3A_319, %dma_wait3A_320] : memref<128x128xf32, #tpu.memory_space<vmem>> -> memref<120x128xf32, #tpu.memory_space<vmem>>
    %dma_wait3A_322 = arith.constant 0 : i32
    %dma_wait3A_323 = tpu.memref_slice %arg5[%arg0, %add3A_306, %dma_wait3A_322] : memref<2x10112x128xf32, #tpu.memory_space<hbm>> -> memref<1x120x128xf32, #tpu.memory_space<hbm>>
    %dma_wait3A_324 = tpu.memref_squeeze %dma_wait3A_323 : memref<1x120x128xf32, #tpu.memory_space<hbm>> -> memref<120x128xf32, #tpu.memory_space<hbm>>
    %dma_wait3A_325 = arith.constant 0 : i32
    %dma_wait3A_326 = tpu.memref_slice %arg5[%arg0, %add3A_306, %dma_wait3A_325] : memref<2x10112x128xf32, #tpu.memory_space<hbm>> -> memref<1x120x128xf32, #tpu.memory_space<hbm>>
    %dma_wait3A_327 = tpu.memref_squeeze %dma_wait3A_326 : memref<1x120x128xf32, #tpu.memory_space<hbm>> -> memref<120x128xf32, #tpu.memory_space<hbm>>
    %dma_wait3A_328 = arith.constant 0 : i32
    %dma_wait3A_329 = arith.constant 0 : i32
    %dma_wait3A_330 = tpu.memref_slice %arg8[%dma_wait3A_328, %dma_wait3A_329] : memref<128x128xf32, #tpu.memory_space<vmem>> -> memref<120x128xf32, #tpu.memory_space<vmem>>
    tpu.wait_dma2 semaphore(%arg12 : memref<!tpu.dma_semaphore, #tpu.memory_space<semaphore_mem>>) src(%dma_wait3A_330 : memref<120x128xf32, #tpu.memory_space<vmem>>) dst(%dma_wait3A_327 : memref<120x128xf32, #tpu.memory_space<hbm>>)
    %dma_wait3A_331 = arith.constant 0 : i32
    %dma_wait3A_332 = arith.constant 0 : i32
    %dma_wait3A_333 = tpu.memref_slice %arg9[%dma_wait3A_331, %dma_wait3A_332] : memref<128x128xf32, #tpu.memory_space<vmem>> -> memref<128x128xf32, #tpu.memory_space<vmem>>
    %dma_wait3A_334 = arith.constant 0 : i32
    %dma_wait3A_335 = tpu.memref_slice %arg5[%arg0, %add3A_254, %dma_wait3A_334] : memref<2x10112x128xf32, #tpu.memory_space<hbm>> -> memref<1x128x128xf32, #tpu.memory_space<hbm>>
    %dma_wait3A_336 = tpu.memref_squeeze %dma_wait3A_335 : memref<1x128x128xf32, #tpu.memory_space<hbm>> -> memref<128x128xf32, #tpu.memory_space<hbm>>
    %dma_wait3A_337 = arith.constant 0 : i32
    %dma_wait3A_338 = tpu.memref_slice %arg5[%arg0, %add3A_254, %dma_wait3A_337] : memref<2x10112x128xf32, #tpu.memory_space<hbm>> -> memref<1x128x128xf32, #tpu.memory_space<hbm>>
    %dma_wait3A_339 = tpu.memref_squeeze %dma_wait3A_338 : memref<1x128x128xf32, #tpu.memory_space<hbm>> -> memref<128x128xf32, #tpu.memory_space<hbm>>
    %dma_wait3A_340 = arith.constant 0 : i32
    %dma_wait3A_341 = arith.constant 0 : i32
    %dma_wait3A_342 = tpu.memref_slice %arg9[%dma_wait3A_340, %dma_wait3A_341] : memref<128x128xf32, #tpu.memory_space<vmem>> -> memref<128x128xf32, #tpu.memory_space<vmem>>
    tpu.wait_dma2 semaphore(%arg12 : memref<!tpu.dma_semaphore, #tpu.memory_space<semaphore_mem>>) src(%dma_wait3A_342 : memref<128x128xf32, #tpu.memory_space<vmem>>) dst(%dma_wait3A_339 : memref<128x128xf32, #tpu.memory_space<hbm>>)
    return
  }
}

#map = affine_map<(d0, d1) -> (0)>
module attributes {stable_mosaic.version = 14 : i64} {
  func.func @deg_kernel(%arg0: i32, %arg1: i32, %arg2: memref<323584xi32, #tpu.memory_space<hbm>>, %arg3: memref<20224xf32, #tpu.memory_space<hbm>>, %arg4: memref<128xf32, #tpu.memory_space<vmem>>, %arg5: memref<640xf32, #tpu.memory_space<vmem>>, %arg6: memref<128xi32, #tpu.memory_space<vmem>>, %arg7: memref<10112xf32, #tpu.memory_space<vmem_shared>>) attributes {dimension_semantics = [#tpu.dimension_semantics<core_parallel>, #tpu.dimension_semantics<subcore_parallel>], iteration_bounds = array<i64: 2, 16>, scalar_prefetch = 0 : i64, scratch_operands = 4 : i64, tpu.core_type = #tpu.core_type<sc_vector_subcore>, window_params = [{transform_indices = #map}, {transform_indices = #map}]} {
    %mul3A = arith.constant 16 : i32
    %mul3A_0 = arith.muli %arg0, %mul3A : i32
    %add3A = arith.addi %mul3A_0, %arg1 : i32
    %broadcast_in_dim3A = arith.constant 1.000000e+00 : f32
    %broadcast_in_dim3A_1 = vector.broadcast %broadcast_in_dim3A : f32 to vector<16xf32>
    %swap3A = arith.constant 0 : index
    %swap3A_2 = tpu.vector_load %arg4[%swap3A] {strides = array<i32>} : memref<128xf32, #tpu.memory_space<vmem>>, vector<16xf32>,
    %swap3A_3 = vector.shape_cast %swap3A_2 : vector<16xf32> to vector<16xf32>
    %swap3A_4 = vector.shape_cast %broadcast_in_dim3A_1 : vector<16xf32> to vector<16xf32>
    tpu.vector_store %arg4[%swap3A], %swap3A_4 {strides = array<i32>} : memref<128xf32, #tpu.memory_space<vmem>>, vector<16xf32>,
    %broadcast_in_dim3A_5 = arith.constant 1.000000e+00 : f32
    %broadcast_in_dim3A_6 = vector.broadcast %broadcast_in_dim3A_5 : f32 to vector<16xf32>
    %swap3A_7 = arith.constant 16 : index
    %swap3A_8 = tpu.vector_load %arg4[%swap3A_7] {strides = array<i32>} : memref<128xf32, #tpu.memory_space<vmem>>, vector<16xf32>,
    %swap3A_9 = vector.shape_cast %swap3A_8 : vector<16xf32> to vector<16xf32>
    %swap3A_10 = vector.shape_cast %broadcast_in_dim3A_6 : vector<16xf32> to vector<16xf32>
    tpu.vector_store %arg4[%swap3A_7], %swap3A_10 {strides = array<i32>} : memref<128xf32, #tpu.memory_space<vmem>>, vector<16xf32>,
    %broadcast_in_dim3A_11 = arith.constant 1.000000e+00 : f32
    %broadcast_in_dim3A_12 = vector.broadcast %broadcast_in_dim3A_11 : f32 to vector<16xf32>
    %swap3A_13 = arith.constant 32 : index
    %swap3A_14 = tpu.vector_load %arg4[%swap3A_13] {strides = array<i32>} : memref<128xf32, #tpu.memory_space<vmem>>, vector<16xf32>,
    %swap3A_15 = vector.shape_cast %swap3A_14 : vector<16xf32> to vector<16xf32>
    %swap3A_16 = vector.shape_cast %broadcast_in_dim3A_12 : vector<16xf32> to vector<16xf32>
    tpu.vector_store %arg4[%swap3A_13], %swap3A_16 {strides = array<i32>} : memref<128xf32, #tpu.memory_space<vmem>>, vector<16xf32>,
    %broadcast_in_dim3A_17 = arith.constant 1.000000e+00 : f32
    %broadcast_in_dim3A_18 = vector.broadcast %broadcast_in_dim3A_17 : f32 to vector<16xf32>
    %swap3A_19 = arith.constant 48 : index
    %swap3A_20 = tpu.vector_load %arg4[%swap3A_19] {strides = array<i32>} : memref<128xf32, #tpu.memory_space<vmem>>, vector<16xf32>,
    %swap3A_21 = vector.shape_cast %swap3A_20 : vector<16xf32> to vector<16xf32>
    %swap3A_22 = vector.shape_cast %broadcast_in_dim3A_18 : vector<16xf32> to vector<16xf32>
    tpu.vector_store %arg4[%swap3A_19], %swap3A_22 {strides = array<i32>} : memref<128xf32, #tpu.memory_space<vmem>>, vector<16xf32>,
    %broadcast_in_dim3A_23 = arith.constant 1.000000e+00 : f32
    %broadcast_in_dim3A_24 = vector.broadcast %broadcast_in_dim3A_23 : f32 to vector<16xf32>
    %swap3A_25 = arith.constant 64 : index
    %swap3A_26 = tpu.vector_load %arg4[%swap3A_25] {strides = array<i32>} : memref<128xf32, #tpu.memory_space<vmem>>, vector<16xf32>,
    %swap3A_27 = vector.shape_cast %swap3A_26 : vector<16xf32> to vector<16xf32>
    %swap3A_28 = vector.shape_cast %broadcast_in_dim3A_24 : vector<16xf32> to vector<16xf32>
    tpu.vector_store %arg4[%swap3A_25], %swap3A_28 {strides = array<i32>} : memref<128xf32, #tpu.memory_space<vmem>>, vector<16xf32>,
    %broadcast_in_dim3A_29 = arith.constant 1.000000e+00 : f32
    %broadcast_in_dim3A_30 = vector.broadcast %broadcast_in_dim3A_29 : f32 to vector<16xf32>
    %swap3A_31 = arith.constant 80 : index
    %swap3A_32 = tpu.vector_load %arg4[%swap3A_31] {strides = array<i32>} : memref<128xf32, #tpu.memory_space<vmem>>, vector<16xf32>,
    %swap3A_33 = vector.shape_cast %swap3A_32 : vector<16xf32> to vector<16xf32>
    %swap3A_34 = vector.shape_cast %broadcast_in_dim3A_30 : vector<16xf32> to vector<16xf32>
    tpu.vector_store %arg4[%swap3A_31], %swap3A_34 {strides = array<i32>} : memref<128xf32, #tpu.memory_space<vmem>>, vector<16xf32>,
    %broadcast_in_dim3A_35 = arith.constant 1.000000e+00 : f32
    %broadcast_in_dim3A_36 = vector.broadcast %broadcast_in_dim3A_35 : f32 to vector<16xf32>
    %swap3A_37 = arith.constant 96 : index
    %swap3A_38 = tpu.vector_load %arg4[%swap3A_37] {strides = array<i32>} : memref<128xf32, #tpu.memory_space<vmem>>, vector<16xf32>,
    %swap3A_39 = vector.shape_cast %swap3A_38 : vector<16xf32> to vector<16xf32>
    %swap3A_40 = vector.shape_cast %broadcast_in_dim3A_36 : vector<16xf32> to vector<16xf32>
    tpu.vector_store %arg4[%swap3A_37], %swap3A_40 {strides = array<i32>} : memref<128xf32, #tpu.memory_space<vmem>>, vector<16xf32>,
    %broadcast_in_dim3A_41 = arith.constant 1.000000e+00 : f32
    %broadcast_in_dim3A_42 = vector.broadcast %broadcast_in_dim3A_41 : f32 to vector<16xf32>
    %swap3A_43 = arith.constant 112 : index
    %swap3A_44 = tpu.vector_load %arg4[%swap3A_43] {strides = array<i32>} : memref<128xf32, #tpu.memory_space<vmem>>, vector<16xf32>,
    %swap3A_45 = vector.shape_cast %swap3A_44 : vector<16xf32> to vector<16xf32>
    %swap3A_46 = vector.shape_cast %broadcast_in_dim3A_42 : vector<16xf32> to vector<16xf32>
    tpu.vector_store %arg4[%swap3A_43], %swap3A_46 {strides = array<i32>} : memref<128xf32, #tpu.memory_space<vmem>>, vector<16xf32>,
    %broadcast_in_dim3A_47 = arith.constant 0.000000e+00 : f32
    %broadcast_in_dim3A_48 = vector.broadcast %broadcast_in_dim3A_47 : f32 to vector<16xf32>
    %swap3A_49 = arith.constant 0 : index
    %swap3A_50 = tpu.vector_load %arg5[%swap3A_49] {strides = array<i32>} : memref<640xf32, #tpu.memory_space<vmem>>, vector<16xf32>,
    %swap3A_51 = vector.shape_cast %swap3A_50 : vector<16xf32> to vector<16xf32>
    %swap3A_52 = vector.shape_cast %broadcast_in_dim3A_48 : vector<16xf32> to vector<16xf32>
    tpu.vector_store %arg5[%swap3A_49], %swap3A_52 {strides = array<i32>} : memref<640xf32, #tpu.memory_space<vmem>>, vector<16xf32>,
    %broadcast_in_dim3A_53 = arith.constant 0.000000e+00 : f32
    %broadcast_in_dim3A_54 = vector.broadcast %broadcast_in_dim3A_53 : f32 to vector<16xf32>
    %swap3A_55 = arith.constant 16 : index
    %swap3A_56 = tpu.vector_load %arg5[%swap3A_55] {strides = array<i32>} : memref<640xf32, #tpu.memory_space<vmem>>, vector<16xf32>,
    %swap3A_57 = vector.shape_cast %swap3A_56 : vector<16xf32> to vector<16xf32>
    %swap3A_58 = vector.shape_cast %broadcast_in_dim3A_54 : vector<16xf32> to vector<16xf32>
    tpu.vector_store %arg5[%swap3A_55], %swap3A_58 {strides = array<i32>} : memref<640xf32, #tpu.memory_space<vmem>>, vector<16xf32>,
    %broadcast_in_dim3A_59 = arith.constant 0.000000e+00 : f32
    %broadcast_in_dim3A_60 = vector.broadcast %broadcast_in_dim3A_59 : f32 to vector<16xf32>
    %swap3A_61 = arith.constant 32 : index
    %swap3A_62 = tpu.vector_load %arg5[%swap3A_61] {strides = array<i32>} : memref<640xf32, #tpu.memory_space<vmem>>, vector<16xf32>,
    %swap3A_63 = vector.shape_cast %swap3A_62 : vector<16xf32> to vector<16xf32>
    %swap3A_64 = vector.shape_cast %broadcast_in_dim3A_60 : vector<16xf32> to vector<16xf32>
    tpu.vector_store %arg5[%swap3A_61], %swap3A_64 {strides = array<i32>} : memref<640xf32, #tpu.memory_space<vmem>>, vector<16xf32>,
    %broadcast_in_dim3A_65 = arith.constant 0.000000e+00 : f32
    %broadcast_in_dim3A_66 = vector.broadcast %broadcast_in_dim3A_65 : f32 to vector<16xf32>
    %swap3A_67 = arith.constant 48 : index
    %swap3A_68 = tpu.vector_load %arg5[%swap3A_67] {strides = array<i32>} : memref<640xf32, #tpu.memory_space<vmem>>, vector<16xf32>,
    %swap3A_69 = vector.shape_cast %swap3A_68 : vector<16xf32> to vector<16xf32>
    %swap3A_70 = vector.shape_cast %broadcast_in_dim3A_66 : vector<16xf32> to vector<16xf32>
    tpu.vector_store %arg5[%swap3A_67], %swap3A_70 {strides = array<i32>} : memref<640xf32, #tpu.memory_space<vmem>>, vector<16xf32>,
    %broadcast_in_dim3A_71 = arith.constant 0.000000e+00 : f32
    %broadcast_in_dim3A_72 = vector.broadcast %broadcast_in_dim3A_71 : f32 to vector<16xf32>
    %swap3A_73 = arith.constant 64 : index
    %swap3A_74 = tpu.vector_load %arg5[%swap3A_73] {strides = array<i32>} : memref<640xf32, #tpu.memory_space<vmem>>, vector<16xf32>,
    %swap3A_75 = vector.shape_cast %swap3A_74 : vector<16xf32> to vector<16xf32>
    %swap3A_76 = vector.shape_cast %broadcast_in_dim3A_72 : vector<16xf32> to vector<16xf32>
    tpu.vector_store %arg5[%swap3A_73], %swap3A_76 {strides = array<i32>} : memref<640xf32, #tpu.memory_space<vmem>>, vector<16xf32>,
    %broadcast_in_dim3A_77 = arith.constant 0.000000e+00 : f32
    %broadcast_in_dim3A_78 = vector.broadcast %broadcast_in_dim3A_77 : f32 to vector<16xf32>
    %swap3A_79 = arith.constant 80 : index
    %swap3A_80 = tpu.vector_load %arg5[%swap3A_79] {strides = array<i32>} : memref<640xf32, #tpu.memory_space<vmem>>, vector<16xf32>,
    %swap3A_81 = vector.shape_cast %swap3A_80 : vector<16xf32> to vector<16xf32>
    %swap3A_82 = vector.shape_cast %broadcast_in_dim3A_78 : vector<16xf32> to vector<16xf32>
    tpu.vector_store %arg5[%swap3A_79], %swap3A_82 {strides = array<i32>} : memref<640xf32, #tpu.memory_space<vmem>>, vector<16xf32>,
    %broadcast_in_dim3A_83 = arith.constant 0.000000e+00 : f32
    %broadcast_in_dim3A_84 = vector.broadcast %broadcast_in_dim3A_83 : f32 to vector<16xf32>
    %swap3A_85 = arith.constant 96 : index
    %swap3A_86 = tpu.vector_load %arg5[%swap3A_85] {strides = array<i32>} : memref<640xf32, #tpu.memory_space<vmem>>, vector<16xf32>,
    %swap3A_87 = vector.shape_cast %swap3A_86 : vector<16xf32> to vector<16xf32>
    %swap3A_88 = vector.shape_cast %broadcast_in_dim3A_84 : vector<16xf32> to vector<16xf32>
    tpu.vector_store %arg5[%swap3A_85], %swap3A_88 {strides = array<i32>} : memref<640xf32, #tpu.memory_space<vmem>>, vector<16xf32>,
    %broadcast_in_dim3A_89 = arith.constant 0.000000e+00 : f32
    %broadcast_in_dim3A_90 = vector.broadcast %broadcast_in_dim3A_89 : f32 to vector<16xf32>
    %swap3A_91 = arith.constant 112 : index
    %swap3A_92 = tpu.vector_load %arg5[%swap3A_91] {strides = array<i32>} : memref<640xf32, #tpu.memory_space<vmem>>, vector<16xf32>,
    %swap3A_93 = vector.shape_cast %swap3A_92 : vector<16xf32> to vector<16xf32>
    %swap3A_94 = vector.shape_cast %broadcast_in_dim3A_90 : vector<16xf32> to vector<16xf32>
    tpu.vector_store %arg5[%swap3A_91], %swap3A_94 {strides = array<i32>} : memref<640xf32, #tpu.memory_space<vmem>>, vector<16xf32>,
    %broadcast_in_dim3A_95 = arith.constant 0.000000e+00 : f32
    %broadcast_in_dim3A_96 = vector.broadcast %broadcast_in_dim3A_95 : f32 to vector<16xf32>
    %swap3A_97 = arith.constant 128 : index
    %swap3A_98 = tpu.vector_load %arg5[%swap3A_97] {strides = array<i32>} : memref<640xf32, #tpu.memory_space<vmem>>, vector<16xf32>,
    %swap3A_99 = vector.shape_cast %swap3A_98 : vector<16xf32> to vector<16xf32>
    %swap3A_100 = vector.shape_cast %broadcast_in_dim3A_96 : vector<16xf32> to vector<16xf32>
    tpu.vector_store %arg5[%swap3A_97], %swap3A_100 {strides = array<i32>} : memref<640xf32, #tpu.memory_space<vmem>>, vector<16xf32>,
    %broadcast_in_dim3A_101 = arith.constant 0.000000e+00 : f32
    %broadcast_in_dim3A_102 = vector.broadcast %broadcast_in_dim3A_101 : f32 to vector<16xf32>
    %swap3A_103 = arith.constant 144 : index
    %swap3A_104 = tpu.vector_load %arg5[%swap3A_103] {strides = array<i32>} : memref<640xf32, #tpu.memory_space<vmem>>, vector<16xf32>,
    %swap3A_105 = vector.shape_cast %swap3A_104 : vector<16xf32> to vector<16xf32>
    %swap3A_106 = vector.shape_cast %broadcast_in_dim3A_102 : vector<16xf32> to vector<16xf32>
    tpu.vector_store %arg5[%swap3A_103], %swap3A_106 {strides = array<i32>} : memref<640xf32, #tpu.memory_space<vmem>>, vector<16xf32>,
    %broadcast_in_dim3A_107 = arith.constant 0.000000e+00 : f32
    %broadcast_in_dim3A_108 = vector.broadcast %broadcast_in_dim3A_107 : f32 to vector<16xf32>
    %swap3A_109 = arith.constant 160 : index
    %swap3A_110 = tpu.vector_load %arg5[%swap3A_109] {strides = array<i32>} : memref<640xf32, #tpu.memory_space<vmem>>, vector<16xf32>,
    %swap3A_111 = vector.shape_cast %swap3A_110 : vector<16xf32> to vector<16xf32>
    %swap3A_112 = vector.shape_cast %broadcast_in_dim3A_108 : vector<16xf32> to vector<16xf32>
    tpu.vector_store %arg5[%swap3A_109], %swap3A_112 {strides = array<i32>} : memref<640xf32, #tpu.memory_space<vmem>>, vector<16xf32>,
    %broadcast_in_dim3A_113 = arith.constant 0.000000e+00 : f32
    %broadcast_in_dim3A_114 = vector.broadcast %broadcast_in_dim3A_113 : f32 to vector<16xf32>
    %swap3A_115 = arith.constant 176 : index
    %swap3A_116 = tpu.vector_load %arg5[%swap3A_115] {strides = array<i32>} : memref<640xf32, #tpu.memory_space<vmem>>, vector<16xf32>,
    %swap3A_117 = vector.shape_cast %swap3A_116 : vector<16xf32> to vector<16xf32>
    %swap3A_118 = vector.shape_cast %broadcast_in_dim3A_114 : vector<16xf32> to vector<16xf32>
    tpu.vector_store %arg5[%swap3A_115], %swap3A_118 {strides = array<i32>} : memref<640xf32, #tpu.memory_space<vmem>>, vector<16xf32>,
    %broadcast_in_dim3A_119 = arith.constant 0.000000e+00 : f32
    %broadcast_in_dim3A_120 = vector.broadcast %broadcast_in_dim3A_119 : f32 to vector<16xf32>
    %swap3A_121 = arith.constant 192 : index
    %swap3A_122 = tpu.vector_load %arg5[%swap3A_121] {strides = array<i32>} : memref<640xf32, #tpu.memory_space<vmem>>, vector<16xf32>,
    %swap3A_123 = vector.shape_cast %swap3A_122 : vector<16xf32> to vector<16xf32>
    %swap3A_124 = vector.shape_cast %broadcast_in_dim3A_120 : vector<16xf32> to vector<16xf32>
    tpu.vector_store %arg5[%swap3A_121], %swap3A_124 {strides = array<i32>} : memref<640xf32, #tpu.memory_space<vmem>>, vector<16xf32>,
    %broadcast_in_dim3A_125 = arith.constant 0.000000e+00 : f32
    %broadcast_in_dim3A_126 = vector.broadcast %broadcast_in_dim3A_125 : f32 to vector<16xf32>
    %swap3A_127 = arith.constant 208 : index
    %swap3A_128 = tpu.vector_load %arg5[%swap3A_127] {strides = array<i32>} : memref<640xf32, #tpu.memory_space<vmem>>, vector<16xf32>,
    %swap3A_129 = vector.shape_cast %swap3A_128 : vector<16xf32> to vector<16xf32>
    %swap3A_130 = vector.shape_cast %broadcast_in_dim3A_126 : vector<16xf32> to vector<16xf32>
    tpu.vector_store %arg5[%swap3A_127], %swap3A_130 {strides = array<i32>} : memref<640xf32, #tpu.memory_space<vmem>>, vector<16xf32>,
    %broadcast_in_dim3A_131 = arith.constant 0.000000e+00 : f32
    %broadcast_in_dim3A_132 = vector.broadcast %broadcast_in_dim3A_131 : f32 to vector<16xf32>
    %swap3A_133 = arith.constant 224 : index
    %swap3A_134 = tpu.vector_load %arg5[%swap3A_133] {strides = array<i32>} : memref<640xf32, #tpu.memory_space<vmem>>, vector<16xf32>,
    %swap3A_135 = vector.shape_cast %swap3A_134 : vector<16xf32> to vector<16xf32>
    %swap3A_136 = vector.shape_cast %broadcast_in_dim3A_132 : vector<16xf32> to vector<16xf32>
    tpu.vector_store %arg5[%swap3A_133], %swap3A_136 {strides = array<i32>} : memref<640xf32, #tpu.memory_space<vmem>>, vector<16xf32>,
    %broadcast_in_dim3A_137 = arith.constant 0.000000e+00 : f32
    %broadcast_in_dim3A_138 = vector.broadcast %broadcast_in_dim3A_137 : f32 to vector<16xf32>
    %swap3A_139 = arith.constant 240 : index
    %swap3A_140 = tpu.vector_load %arg5[%swap3A_139] {strides = array<i32>} : memref<640xf32, #tpu.memory_space<vmem>>, vector<16xf32>,
    %swap3A_141 = vector.shape_cast %swap3A_140 : vector<16xf32> to vector<16xf32>
    %swap3A_142 = vector.shape_cast %broadcast_in_dim3A_138 : vector<16xf32> to vector<16xf32>
    tpu.vector_store %arg5[%swap3A_139], %swap3A_142 {strides = array<i32>} : memref<640xf32, #tpu.memory_space<vmem>>, vector<16xf32>,
    %broadcast_in_dim3A_143 = arith.constant 0.000000e+00 : f32
    %broadcast_in_dim3A_144 = vector.broadcast %broadcast_in_dim3A_143 : f32 to vector<16xf32>
    %swap3A_145 = arith.constant 256 : index
    %swap3A_146 = tpu.vector_load %arg5[%swap3A_145] {strides = array<i32>} : memref<640xf32, #tpu.memory_space<vmem>>, vector<16xf32>,
    %swap3A_147 = vector.shape_cast %swap3A_146 : vector<16xf32> to vector<16xf32>
    %swap3A_148 = vector.shape_cast %broadcast_in_dim3A_144 : vector<16xf32> to vector<16xf32>
    tpu.vector_store %arg5[%swap3A_145], %swap3A_148 {strides = array<i32>} : memref<640xf32, #tpu.memory_space<vmem>>, vector<16xf32>,
    %broadcast_in_dim3A_149 = arith.constant 0.000000e+00 : f32
    %broadcast_in_dim3A_150 = vector.broadcast %broadcast_in_dim3A_149 : f32 to vector<16xf32>
    %swap3A_151 = arith.constant 272 : index
    %swap3A_152 = tpu.vector_load %arg5[%swap3A_151] {strides = array<i32>} : memref<640xf32, #tpu.memory_space<vmem>>, vector<16xf32>,
    %swap3A_153 = vector.shape_cast %swap3A_152 : vector<16xf32> to vector<16xf32>
    %swap3A_154 = vector.shape_cast %broadcast_in_dim3A_150 : vector<16xf32> to vector<16xf32>
    tpu.vector_store %arg5[%swap3A_151], %swap3A_154 {strides = array<i32>} : memref<640xf32, #tpu.memory_space<vmem>>, vector<16xf32>,
    %broadcast_in_dim3A_155 = arith.constant 0.000000e+00 : f32
    %broadcast_in_dim3A_156 = vector.broadcast %broadcast_in_dim3A_155 : f32 to vector<16xf32>
    %swap3A_157 = arith.constant 288 : index
    %swap3A_158 = tpu.vector_load %arg5[%swap3A_157] {strides = array<i32>} : memref<640xf32, #tpu.memory_space<vmem>>, vector<16xf32>,
    %swap3A_159 = vector.shape_cast %swap3A_158 : vector<16xf32> to vector<16xf32>
    %swap3A_160 = vector.shape_cast %broadcast_in_dim3A_156 : vector<16xf32> to vector<16xf32>
    tpu.vector_store %arg5[%swap3A_157], %swap3A_160 {strides = array<i32>} : memref<640xf32, #tpu.memory_space<vmem>>, vector<16xf32>,
    %broadcast_in_dim3A_161 = arith.constant 0.000000e+00 : f32
    %broadcast_in_dim3A_162 = vector.broadcast %broadcast_in_dim3A_161 : f32 to vector<16xf32>
    %swap3A_163 = arith.constant 304 : index
    %swap3A_164 = tpu.vector_load %arg5[%swap3A_163] {strides = array<i32>} : memref<640xf32, #tpu.memory_space<vmem>>, vector<16xf32>,
    %swap3A_165 = vector.shape_cast %swap3A_164 : vector<16xf32> to vector<16xf32>
    %swap3A_166 = vector.shape_cast %broadcast_in_dim3A_162 : vector<16xf32> to vector<16xf32>
    tpu.vector_store %arg5[%swap3A_163], %swap3A_166 {strides = array<i32>} : memref<640xf32, #tpu.memory_space<vmem>>, vector<16xf32>,
    %broadcast_in_dim3A_167 = arith.constant 0.000000e+00 : f32
    %broadcast_in_dim3A_168 = vector.broadcast %broadcast_in_dim3A_167 : f32 to vector<16xf32>
    %swap3A_169 = arith.constant 320 : index
    %swap3A_170 = tpu.vector_load %arg5[%swap3A_169] {strides = array<i32>} : memref<640xf32, #tpu.memory_space<vmem>>, vector<16xf32>,
    %swap3A_171 = vector.shape_cast %swap3A_170 : vector<16xf32> to vector<16xf32>
    %swap3A_172 = vector.shape_cast %broadcast_in_dim3A_168 : vector<16xf32> to vector<16xf32>
    tpu.vector_store %arg5[%swap3A_169], %swap3A_172 {strides = array<i32>} : memref<640xf32, #tpu.memory_space<vmem>>, vector<16xf32>,
    %broadcast_in_dim3A_173 = arith.constant 0.000000e+00 : f32
    %broadcast_in_dim3A_174 = vector.broadcast %broadcast_in_dim3A_173 : f32 to vector<16xf32>
    %swap3A_175 = arith.constant 336 : index
    %swap3A_176 = tpu.vector_load %arg5[%swap3A_175] {strides = array<i32>} : memref<640xf32, #tpu.memory_space<vmem>>, vector<16xf32>,
    %swap3A_177 = vector.shape_cast %swap3A_176 : vector<16xf32> to vector<16xf32>
    %swap3A_178 = vector.shape_cast %broadcast_in_dim3A_174 : vector<16xf32> to vector<16xf32>
    tpu.vector_store %arg5[%swap3A_175], %swap3A_178 {strides = array<i32>} : memref<640xf32, #tpu.memory_space<vmem>>, vector<16xf32>,
    %broadcast_in_dim3A_179 = arith.constant 0.000000e+00 : f32
    %broadcast_in_dim3A_180 = vector.broadcast %broadcast_in_dim3A_179 : f32 to vector<16xf32>
    %swap3A_181 = arith.constant 352 : index
    %swap3A_182 = tpu.vector_load %arg5[%swap3A_181] {strides = array<i32>} : memref<640xf32, #tpu.memory_space<vmem>>, vector<16xf32>,
    %swap3A_183 = vector.shape_cast %swap3A_182 : vector<16xf32> to vector<16xf32>
    %swap3A_184 = vector.shape_cast %broadcast_in_dim3A_180 : vector<16xf32> to vector<16xf32>
    tpu.vector_store %arg5[%swap3A_181], %swap3A_184 {strides = array<i32>} : memref<640xf32, #tpu.memory_space<vmem>>, vector<16xf32>,
    %broadcast_in_dim3A_185 = arith.constant 0.000000e+00 : f32
    %broadcast_in_dim3A_186 = vector.broadcast %broadcast_in_dim3A_185 : f32 to vector<16xf32>
    %swap3A_187 = arith.constant 368 : index
    %swap3A_188 = tpu.vector_load %arg5[%swap3A_187] {strides = array<i32>} : memref<640xf32, #tpu.memory_space<vmem>>, vector<16xf32>,
    %swap3A_189 = vector.shape_cast %swap3A_188 : vector<16xf32> to vector<16xf32>
    %swap3A_190 = vector.shape_cast %broadcast_in_dim3A_186 : vector<16xf32> to vector<16xf32>
    tpu.vector_store %arg5[%swap3A_187], %swap3A_190 {strides = array<i32>} : memref<640xf32, #tpu.memory_space<vmem>>, vector<16xf32>,
    %broadcast_in_dim3A_191 = arith.constant 0.000000e+00 : f32
    %broadcast_in_dim3A_192 = vector.broadcast %broadcast_in_dim3A_191 : f32 to vector<16xf32>
    %swap3A_193 = arith.constant 384 : index
    %swap3A_194 = tpu.vector_load %arg5[%swap3A_193] {strides = array<i32>} : memref<640xf32, #tpu.memory_space<vmem>>, vector<16xf32>,
    %swap3A_195 = vector.shape_cast %swap3A_194 : vector<16xf32> to vector<16xf32>
    %swap3A_196 = vector.shape_cast %broadcast_in_dim3A_192 : vector<16xf32> to vector<16xf32>
    tpu.vector_store %arg5[%swap3A_193], %swap3A_196 {strides = array<i32>} : memref<640xf32, #tpu.memory_space<vmem>>, vector<16xf32>,
    %broadcast_in_dim3A_197 = arith.constant 0.000000e+00 : f32
    %broadcast_in_dim3A_198 = vector.broadcast %broadcast_in_dim3A_197 : f32 to vector<16xf32>
    %swap3A_199 = arith.constant 400 : index
    %swap3A_200 = tpu.vector_load %arg5[%swap3A_199] {strides = array<i32>} : memref<640xf32, #tpu.memory_space<vmem>>, vector<16xf32>,
    %swap3A_201 = vector.shape_cast %swap3A_200 : vector<16xf32> to vector<16xf32>
    %swap3A_202 = vector.shape_cast %broadcast_in_dim3A_198 : vector<16xf32> to vector<16xf32>
    tpu.vector_store %arg5[%swap3A_199], %swap3A_202 {strides = array<i32>} : memref<640xf32, #tpu.memory_space<vmem>>, vector<16xf32>,
    %broadcast_in_dim3A_203 = arith.constant 0.000000e+00 : f32
    %broadcast_in_dim3A_204 = vector.broadcast %broadcast_in_dim3A_203 : f32 to vector<16xf32>
    %swap3A_205 = arith.constant 416 : index
    %swap3A_206 = tpu.vector_load %arg5[%swap3A_205] {strides = array<i32>} : memref<640xf32, #tpu.memory_space<vmem>>, vector<16xf32>,
    %swap3A_207 = vector.shape_cast %swap3A_206 : vector<16xf32> to vector<16xf32>
    %swap3A_208 = vector.shape_cast %broadcast_in_dim3A_204 : vector<16xf32> to vector<16xf32>
    tpu.vector_store %arg5[%swap3A_205], %swap3A_208 {strides = array<i32>} : memref<640xf32, #tpu.memory_space<vmem>>, vector<16xf32>,
    %broadcast_in_dim3A_209 = arith.constant 0.000000e+00 : f32
    %broadcast_in_dim3A_210 = vector.broadcast %broadcast_in_dim3A_209 : f32 to vector<16xf32>
    %swap3A_211 = arith.constant 432 : index
    %swap3A_212 = tpu.vector_load %arg5[%swap3A_211] {strides = array<i32>} : memref<640xf32, #tpu.memory_space<vmem>>, vector<16xf32>,
    %swap3A_213 = vector.shape_cast %swap3A_212 : vector<16xf32> to vector<16xf32>
    %swap3A_214 = vector.shape_cast %broadcast_in_dim3A_210 : vector<16xf32> to vector<16xf32>
    tpu.vector_store %arg5[%swap3A_211], %swap3A_214 {strides = array<i32>} : memref<640xf32, #tpu.memory_space<vmem>>, vector<16xf32>,
    %broadcast_in_dim3A_215 = arith.constant 0.000000e+00 : f32
    %broadcast_in_dim3A_216 = vector.broadcast %broadcast_in_dim3A_215 : f32 to vector<16xf32>
    %swap3A_217 = arith.constant 448 : index
    %swap3A_218 = tpu.vector_load %arg5[%swap3A_217] {strides = array<i32>} : memref<640xf32, #tpu.memory_space<vmem>>, vector<16xf32>,
    %swap3A_219 = vector.shape_cast %swap3A_218 : vector<16xf32> to vector<16xf32>
    %swap3A_220 = vector.shape_cast %broadcast_in_dim3A_216 : vector<16xf32> to vector<16xf32>
    tpu.vector_store %arg5[%swap3A_217], %swap3A_220 {strides = array<i32>} : memref<640xf32, #tpu.memory_space<vmem>>, vector<16xf32>,
    %broadcast_in_dim3A_221 = arith.constant 0.000000e+00 : f32
    %broadcast_in_dim3A_222 = vector.broadcast %broadcast_in_dim3A_221 : f32 to vector<16xf32>
    %swap3A_223 = arith.constant 464 : index
    %swap3A_224 = tpu.vector_load %arg5[%swap3A_223] {strides = array<i32>} : memref<640xf32, #tpu.memory_space<vmem>>, vector<16xf32>,
    %swap3A_225 = vector.shape_cast %swap3A_224 : vector<16xf32> to vector<16xf32>
    %swap3A_226 = vector.shape_cast %broadcast_in_dim3A_222 : vector<16xf32> to vector<16xf32>
    tpu.vector_store %arg5[%swap3A_223], %swap3A_226 {strides = array<i32>} : memref<640xf32, #tpu.memory_space<vmem>>, vector<16xf32>,
    %broadcast_in_dim3A_227 = arith.constant 0.000000e+00 : f32
    %broadcast_in_dim3A_228 = vector.broadcast %broadcast_in_dim3A_227 : f32 to vector<16xf32>
    %swap3A_229 = arith.constant 480 : index
    %swap3A_230 = tpu.vector_load %arg5[%swap3A_229] {strides = array<i32>} : memref<640xf32, #tpu.memory_space<vmem>>, vector<16xf32>,
    %swap3A_231 = vector.shape_cast %swap3A_230 : vector<16xf32> to vector<16xf32>
    %swap3A_232 = vector.shape_cast %broadcast_in_dim3A_228 : vector<16xf32> to vector<16xf32>
    tpu.vector_store %arg5[%swap3A_229], %swap3A_232 {strides = array<i32>} : memref<640xf32, #tpu.memory_space<vmem>>, vector<16xf32>,
    %broadcast_in_dim3A_233 = arith.constant 0.000000e+00 : f32
    %broadcast_in_dim3A_234 = vector.broadcast %broadcast_in_dim3A_233 : f32 to vector<16xf32>
    %swap3A_235 = arith.constant 496 : index
    %swap3A_236 = tpu.vector_load %arg5[%swap3A_235] {strides = array<i32>} : memref<640xf32, #tpu.memory_space<vmem>>, vector<16xf32>,
    %swap3A_237 = vector.shape_cast %swap3A_236 : vector<16xf32> to vector<16xf32>
    %swap3A_238 = vector.shape_cast %broadcast_in_dim3A_234 : vector<16xf32> to vector<16xf32>
    tpu.vector_store %arg5[%swap3A_235], %swap3A_238 {strides = array<i32>} : memref<640xf32, #tpu.memory_space<vmem>>, vector<16xf32>,
    %broadcast_in_dim3A_239 = arith.constant 0.000000e+00 : f32
    %broadcast_in_dim3A_240 = vector.broadcast %broadcast_in_dim3A_239 : f32 to vector<16xf32>
    %swap3A_241 = arith.constant 512 : index
    %swap3A_242 = tpu.vector_load %arg5[%swap3A_241] {strides = array<i32>} : memref<640xf32, #tpu.memory_space<vmem>>, vector<16xf32>,
    %swap3A_243 = vector.shape_cast %swap3A_242 : vector<16xf32> to vector<16xf32>
    %swap3A_244 = vector.shape_cast %broadcast_in_dim3A_240 : vector<16xf32> to vector<16xf32>
    tpu.vector_store %arg5[%swap3A_241], %swap3A_244 {strides = array<i32>} : memref<640xf32, #tpu.memory_space<vmem>>, vector<16xf32>,
    %broadcast_in_dim3A_245 = arith.constant 0.000000e+00 : f32
    %broadcast_in_dim3A_246 = vector.broadcast %broadcast_in_dim3A_245 : f32 to vector<16xf32>
    %swap3A_247 = arith.constant 528 : index
    %swap3A_248 = tpu.vector_load %arg5[%swap3A_247] {strides = array<i32>} : memref<640xf32, #tpu.memory_space<vmem>>, vector<16xf32>,
    %swap3A_249 = vector.shape_cast %swap3A_248 : vector<16xf32> to vector<16xf32>
    %swap3A_250 = vector.shape_cast %broadcast_in_dim3A_246 : vector<16xf32> to vector<16xf32>
    tpu.vector_store %arg5[%swap3A_247], %swap3A_250 {strides = array<i32>} : memref<640xf32, #tpu.memory_space<vmem>>, vector<16xf32>,
    %broadcast_in_dim3A_251 = arith.constant 0.000000e+00 : f32
    %broadcast_in_dim3A_252 = vector.broadcast %broadcast_in_dim3A_251 : f32 to vector<16xf32>
    %swap3A_253 = arith.constant 544 : index
    %swap3A_254 = tpu.vector_load %arg5[%swap3A_253] {strides = array<i32>} : memref<640xf32, #tpu.memory_space<vmem>>, vector<16xf32>,
    %swap3A_255 = vector.shape_cast %swap3A_254 : vector<16xf32> to vector<16xf32>
    %swap3A_256 = vector.shape_cast %broadcast_in_dim3A_252 : vector<16xf32> to vector<16xf32>
    tpu.vector_store %arg5[%swap3A_253], %swap3A_256 {strides = array<i32>} : memref<640xf32, #tpu.memory_space<vmem>>, vector<16xf32>,
    %broadcast_in_dim3A_257 = arith.constant 0.000000e+00 : f32
    %broadcast_in_dim3A_258 = vector.broadcast %broadcast_in_dim3A_257 : f32 to vector<16xf32>
    %swap3A_259 = arith.constant 560 : index
    %swap3A_260 = tpu.vector_load %arg5[%swap3A_259] {strides = array<i32>} : memref<640xf32, #tpu.memory_space<vmem>>, vector<16xf32>,
    %swap3A_261 = vector.shape_cast %swap3A_260 : vector<16xf32> to vector<16xf32>
    %swap3A_262 = vector.shape_cast %broadcast_in_dim3A_258 : vector<16xf32> to vector<16xf32>
    tpu.vector_store %arg5[%swap3A_259], %swap3A_262 {strides = array<i32>} : memref<640xf32, #tpu.memory_space<vmem>>, vector<16xf32>,
    %broadcast_in_dim3A_263 = arith.constant 0.000000e+00 : f32
    %broadcast_in_dim3A_264 = vector.broadcast %broadcast_in_dim3A_263 : f32 to vector<16xf32>
    %swap3A_265 = arith.constant 576 : index
    %swap3A_266 = tpu.vector_load %arg5[%swap3A_265] {strides = array<i32>} : memref<640xf32, #tpu.memory_space<vmem>>, vector<16xf32>,
    %swap3A_267 = vector.shape_cast %swap3A_266 : vector<16xf32> to vector<16xf32>
    %swap3A_268 = vector.shape_cast %broadcast_in_dim3A_264 : vector<16xf32> to vector<16xf32>
    tpu.vector_store %arg5[%swap3A_265], %swap3A_268 {strides = array<i32>} : memref<640xf32, #tpu.memory_space<vmem>>, vector<16xf32>,
    %broadcast_in_dim3A_269 = arith.constant 0.000000e+00 : f32
    %broadcast_in_dim3A_270 = vector.broadcast %broadcast_in_dim3A_269 : f32 to vector<16xf32>
    %swap3A_271 = arith.constant 592 : index
    %swap3A_272 = tpu.vector_load %arg5[%swap3A_271] {strides = array<i32>} : memref<640xf32, #tpu.memory_space<vmem>>, vector<16xf32>,
    %swap3A_273 = vector.shape_cast %swap3A_272 : vector<16xf32> to vector<16xf32>
    %swap3A_274 = vector.shape_cast %broadcast_in_dim3A_270 : vector<16xf32> to vector<16xf32>
    tpu.vector_store %arg5[%swap3A_271], %swap3A_274 {strides = array<i32>} : memref<640xf32, #tpu.memory_space<vmem>>, vector<16xf32>,
    %broadcast_in_dim3A_275 = arith.constant 0.000000e+00 : f32
    %broadcast_in_dim3A_276 = vector.broadcast %broadcast_in_dim3A_275 : f32 to vector<16xf32>
    %swap3A_277 = arith.constant 608 : index
    %swap3A_278 = tpu.vector_load %arg5[%swap3A_277] {strides = array<i32>} : memref<640xf32, #tpu.memory_space<vmem>>, vector<16xf32>,
    %swap3A_279 = vector.shape_cast %swap3A_278 : vector<16xf32> to vector<16xf32>
    %swap3A_280 = vector.shape_cast %broadcast_in_dim3A_276 : vector<16xf32> to vector<16xf32>
    tpu.vector_store %arg5[%swap3A_277], %swap3A_280 {strides = array<i32>} : memref<640xf32, #tpu.memory_space<vmem>>, vector<16xf32>,
    %broadcast_in_dim3A_281 = arith.constant 0.000000e+00 : f32
    %broadcast_in_dim3A_282 = vector.broadcast %broadcast_in_dim3A_281 : f32 to vector<16xf32>
    %swap3A_283 = arith.constant 624 : index
    %swap3A_284 = tpu.vector_load %arg5[%swap3A_283] {strides = array<i32>} : memref<640xf32, #tpu.memory_space<vmem>>, vector<16xf32>,
    %swap3A_285 = vector.shape_cast %swap3A_284 : vector<16xf32> to vector<16xf32>
    %swap3A_286 = vector.shape_cast %broadcast_in_dim3A_282 : vector<16xf32> to vector<16xf32>
    tpu.vector_store %arg5[%swap3A_283], %swap3A_286 {strides = array<i32>} : memref<640xf32, #tpu.memory_space<vmem>>, vector<16xf32>,
    %mul3A_287 = arith.constant 632 : i32
    %mul3A_288 = arith.muli %arg1, %mul3A_287 : i32
    "tpu.region"() ({
      %run_scoped3A = tpu.sem_alloc : memref<!tpu.dma_semaphore, #tpu.memory_space<semaphore_mem>>
      %dma_start3A = arith.constant 0 : i32
      %dma_start3A_302 = tpu.memref_slice %arg5[%dma_start3A] : memref<640xf32, #tpu.memory_space<vmem>> -> memref<632xf32, #tpu.memory_space<vmem>>
      %dma_start3A_303 = tpu.memref_slice %arg7[%mul3A_288] : memref<10112xf32, #tpu.memory_space<vmem_shared>> -> memref<632xf32, #tpu.memory_space<vmem_shared>>
      %dma_start3A_304 = tpu.memref_slice %arg7[%mul3A_288] : memref<10112xf32, #tpu.memory_space<vmem_shared>> -> memref<632xf32, #tpu.memory_space<vmem_shared>>
      %dma_start3A_305 = arith.constant 0 : i32
      %dma_start3A_306 = tpu.memref_slice %arg5[%dma_start3A_305] : memref<640xf32, #tpu.memory_space<vmem>> -> memref<632xf32, #tpu.memory_space<vmem>>
      tpu.enqueue_dma source(%dma_start3A_306 : memref<632xf32, #tpu.memory_space<vmem>>) target(%dma_start3A_304 : memref<632xf32, #tpu.memory_space<vmem_shared>>) target_semaphore(%run_scoped3A : memref<!tpu.dma_semaphore, #tpu.memory_space<semaphore_mem>>)
      %dma_wait3A = arith.constant 0 : i32
      %dma_wait3A_307 = tpu.memref_slice %arg5[%dma_wait3A] : memref<640xf32, #tpu.memory_space<vmem>> -> memref<632xf32, #tpu.memory_space<vmem>>
      %dma_wait3A_308 = tpu.memref_slice %arg7[%mul3A_288] : memref<10112xf32, #tpu.memory_space<vmem_shared>> -> memref<632xf32, #tpu.memory_space<vmem_shared>>
      %dma_wait3A_309 = tpu.memref_slice %arg7[%mul3A_288] : memref<10112xf32, #tpu.memory_space<vmem_shared>> -> memref<632xf32, #tpu.memory_space<vmem_shared>>
      %dma_wait3A_310 = arith.constant 0 : i32
      %dma_wait3A_311 = tpu.memref_slice %arg5[%dma_wait3A_310] : memref<640xf32, #tpu.memory_space<vmem>> -> memref<632xf32, #tpu.memory_space<vmem>>
      tpu.wait_dma2 semaphore(%run_scoped3A : memref<!tpu.dma_semaphore, #tpu.memory_space<semaphore_mem>>) src(%dma_wait3A_311 : memref<632xf32, #tpu.memory_space<vmem>>) dst(%dma_wait3A_309 : memref<632xf32, #tpu.memory_space<vmem_shared>>)
      tpu.yield
    }) : () -> ()
    %barrier3A = arith.constant 0 : index
    tpu.barrier barrier_id(%barrier3A)
    %scan3A = arith.constant 0 : i32
    %scan3A_289 = arith.constant 0 : i32
    %scan3A_290 = arith.constant 79 : i32
    %scan3A_291 = arith.addi %scan3A_289, %scan3A_290 : i32
    %scan3A_292 = arith.constant 1 : i32
    scf.for %scan3A_302 = %scan3A_289 to %scan3A_291 step %scan3A_292  : i32 {
      %mul3A_303 = arith.constant 10112 : i32
      %mul3A_304 = arith.muli %add3A, %mul3A_303 : i32
      %mul3A_305 = arith.constant 128 : i32
      %mul3A_306 = arith.muli %scan3A_302, %mul3A_305 : i32
      %add3A_307 = arith.addi %mul3A_304, %mul3A_306 : i32
      "tpu.region"() ({
        %run_scoped3A = tpu.sem_alloc : memref<!tpu.dma_semaphore, #tpu.memory_space<semaphore_mem>>
        %dma_start3A = tpu.memref_slice %arg2[%add3A_307] : memref<323584xi32, #tpu.memory_space<hbm>> -> memref<128xi32, #tpu.memory_space<hbm>>
        %dma_start3A_308 = tpu.memref_slice %arg2[%add3A_307] : memref<323584xi32, #tpu.memory_space<hbm>> -> memref<128xi32, #tpu.memory_space<hbm>>
        tpu.enqueue_dma source(%dma_start3A_308 : memref<128xi32, #tpu.memory_space<hbm>>) target(%arg6 : memref<128xi32, #tpu.memory_space<vmem>>) target_semaphore(%run_scoped3A : memref<!tpu.dma_semaphore, #tpu.memory_space<semaphore_mem>>)
        %dma_wait3A = tpu.memref_slice %arg2[%add3A_307] : memref<323584xi32, #tpu.memory_space<hbm>> -> memref<128xi32, #tpu.memory_space<hbm>>
        %dma_wait3A_309 = tpu.memref_slice %arg2[%add3A_307] : memref<323584xi32, #tpu.memory_space<hbm>> -> memref<128xi32, #tpu.memory_space<hbm>>
        tpu.wait_dma2 semaphore(%run_scoped3A : memref<!tpu.dma_semaphore, #tpu.memory_space<semaphore_mem>>) src(%dma_wait3A_309 : memref<128xi32, #tpu.memory_space<hbm>>) dst(%arg6 : memref<128xi32, #tpu.memory_space<vmem>>)
        tpu.yield
      }) : () -> ()
      "tpu.region"() ({
        %run_scoped3A = tpu.sem_alloc : memref<!tpu.dma_semaphore, #tpu.memory_space<semaphore_mem>>
        %dma_start3A = arith.constant 0 : i32
        %dma_start3A_308 = tpu.memref_slice %arg7[%dma_start3A] : memref<10112xf32, #tpu.memory_space<vmem_shared>> -> memref<10112xf32, #tpu.memory_space<vmem_shared>>
        tpu.enqueue_indirect_dma source(%arg4 : memref<128xf32, #tpu.memory_space<vmem>>) target(%dma_start3A_308 : memref<10112xf32, #tpu.memory_space<vmem_shared>>) offsets(%arg6 : memref<128xi32, #tpu.memory_space<vmem>>) semaphore(%run_scoped3A : memref<!tpu.dma_semaphore, #tpu.memory_space<semaphore_mem>>) {add = true}
        %dma_wait3A = arith.constant 0 : i32
        %dma_wait3A_309 = tpu.memref_slice %arg7[%dma_wait3A] : memref<10112xf32, #tpu.memory_space<vmem_shared>> -> memref<10112xf32, #tpu.memory_space<vmem_shared>>
        tpu.wait_indirect_dma semaphore(%run_scoped3A : memref<!tpu.dma_semaphore, #tpu.memory_space<semaphore_mem>>) src(%arg4 : memref<128xf32, #tpu.memory_space<vmem>>) dst(%dma_wait3A_309 : memref<10112xf32, #tpu.memory_space<vmem_shared>>)
        tpu.yield
      }) : () -> ()
    }
    %scan3A_293 = arith.constant 79 : i32
    %barrier3A_294 = arith.constant 0 : index
    tpu.barrier barrier_id(%barrier3A_294)
    %mul3A_295 = arith.constant 632 : i32
    %mul3A_296 = arith.muli %arg1, %mul3A_295 : i32
    "tpu.region"() ({
      %run_scoped3A = tpu.sem_alloc : memref<!tpu.dma_semaphore, #tpu.memory_space<semaphore_mem>>
      %dma_start3A = arith.constant 0 : i32
      %dma_start3A_302 = tpu.memref_slice %arg5[%dma_start3A] : memref<640xf32, #tpu.memory_space<vmem>> -> memref<632xf32, #tpu.memory_space<vmem>>
      %dma_start3A_303 = tpu.memref_slice %arg7[%mul3A_296] : memref<10112xf32, #tpu.memory_space<vmem_shared>> -> memref<632xf32, #tpu.memory_space<vmem_shared>>
      %dma_start3A_304 = arith.constant 0 : i32
      %dma_start3A_305 = tpu.memref_slice %arg5[%dma_start3A_304] : memref<640xf32, #tpu.memory_space<vmem>> -> memref<632xf32, #tpu.memory_space<vmem>>
      %dma_start3A_306 = tpu.memref_slice %arg7[%mul3A_296] : memref<10112xf32, #tpu.memory_space<vmem_shared>> -> memref<632xf32, #tpu.memory_space<vmem_shared>>
      tpu.enqueue_dma source(%dma_start3A_306 : memref<632xf32, #tpu.memory_space<vmem_shared>>) target(%dma_start3A_305 : memref<632xf32, #tpu.memory_space<vmem>>) target_semaphore(%run_scoped3A : memref<!tpu.dma_semaphore, #tpu.memory_space<semaphore_mem>>)
      %dma_wait3A = arith.constant 0 : i32
      %dma_wait3A_307 = tpu.memref_slice %arg5[%dma_wait3A] : memref<640xf32, #tpu.memory_space<vmem>> -> memref<632xf32, #tpu.memory_space<vmem>>
      %dma_wait3A_308 = tpu.memref_slice %arg7[%mul3A_296] : memref<10112xf32, #tpu.memory_space<vmem_shared>> -> memref<632xf32, #tpu.memory_space<vmem_shared>>
      %dma_wait3A_309 = arith.constant 0 : i32
      %dma_wait3A_310 = tpu.memref_slice %arg5[%dma_wait3A_309] : memref<640xf32, #tpu.memory_space<vmem>> -> memref<632xf32, #tpu.memory_space<vmem>>
      %dma_wait3A_311 = tpu.memref_slice %arg7[%mul3A_296] : memref<10112xf32, #tpu.memory_space<vmem_shared>> -> memref<632xf32, #tpu.memory_space<vmem_shared>>
      tpu.wait_dma2 semaphore(%run_scoped3A : memref<!tpu.dma_semaphore, #tpu.memory_space<semaphore_mem>>) src(%dma_wait3A_311 : memref<632xf32, #tpu.memory_space<vmem_shared>>) dst(%dma_wait3A_310 : memref<632xf32, #tpu.memory_space<vmem>>)
      tpu.yield
    }) : () -> ()
    %mul3A_297 = arith.constant 10112 : i32
    %mul3A_298 = arith.muli %arg0, %mul3A_297 : i32
    %mul3A_299 = arith.constant 632 : i32
    %mul3A_300 = arith.muli %arg1, %mul3A_299 : i32
    %add3A_301 = arith.addi %mul3A_298, %mul3A_300 : i32
    "tpu.region"() ({
      %run_scoped3A = tpu.sem_alloc : memref<!tpu.dma_semaphore, #tpu.memory_space<semaphore_mem>>
      %dma_start3A = arith.constant 0 : i32
      %dma_start3A_302 = tpu.memref_slice %arg5[%dma_start3A] : memref<640xf32, #tpu.memory_space<vmem>> -> memref<632xf32, #tpu.memory_space<vmem>>
      %dma_start3A_303 = tpu.memref_slice %arg3[%add3A_301] : memref<20224xf32, #tpu.memory_space<hbm>> -> memref<632xf32, #tpu.memory_space<hbm>>
      %dma_start3A_304 = tpu.memref_slice %arg3[%add3A_301] : memref<20224xf32, #tpu.memory_space<hbm>> -> memref<632xf32, #tpu.memory_space<hbm>>
      %dma_start3A_305 = arith.constant 0 : i32
      %dma_start3A_306 = tpu.memref_slice %arg5[%dma_start3A_305] : memref<640xf32, #tpu.memory_space<vmem>> -> memref<632xf32, #tpu.memory_space<vmem>>
      tpu.enqueue_dma source(%dma_start3A_306 : memref<632xf32, #tpu.memory_space<vmem>>) target(%dma_start3A_304 : memref<632xf32, #tpu.memory_space<hbm>>) target_semaphore(%run_scoped3A : memref<!tpu.dma_semaphore, #tpu.memory_space<semaphore_mem>>)
      %dma_wait3A = arith.constant 0 : i32
      %dma_wait3A_307 = tpu.memref_slice %arg5[%dma_wait3A] : memref<640xf32, #tpu.memory_space<vmem>> -> memref<632xf32, #tpu.memory_space<vmem>>
      %dma_wait3A_308 = tpu.memref_slice %arg3[%add3A_301] : memref<20224xf32, #tpu.memory_space<hbm>> -> memref<632xf32, #tpu.memory_space<hbm>>
      %dma_wait3A_309 = tpu.memref_slice %arg3[%add3A_301] : memref<20224xf32, #tpu.memory_space<hbm>> -> memref<632xf32, #tpu.memory_space<hbm>>
      %dma_wait3A_310 = arith.constant 0 : i32
      %dma_wait3A_311 = tpu.memref_slice %arg5[%dma_wait3A_310] : memref<640xf32, #tpu.memory_space<vmem>> -> memref<632xf32, #tpu.memory_space<vmem>>
      tpu.wait_dma2 semaphore(%run_scoped3A : memref<!tpu.dma_semaphore, #tpu.memory_space<semaphore_mem>>) src(%dma_wait3A_311 : memref<632xf32, #tpu.memory_space<vmem>>) dst(%dma_wait3A_309 : memref<632xf32, #tpu.memory_space<hbm>>)
      tpu.yield
    }) : () -> ()
    return
  }
}

#map = affine_map<(d0, d1) -> (0, 0)>
#map1 = affine_map<(d0, d1) -> (0)>
#map2 = affine_map<(d0, d1) -> (0, 0, 0)>
module attributes {stable_mosaic.version = 14 : i64} {
  func.func @scatter_kernel(%arg0: i32, %arg1: i32, %arg2: memref<10112x128xf32, #tpu.memory_space<hbm>>, %arg3: memref<323584xi32, #tpu.memory_space<hbm>>, %arg4: memref<323584xi32, #tpu.memory_space<hbm>>, %arg5: memref<2x10112x128xf32, #tpu.memory_space<hbm>>, %arg6: memref<128xi32, #tpu.memory_space<vmem>>, %arg7: memref<128xi32, #tpu.memory_space<vmem>>, %arg8: memref<128x128xf32, #tpu.memory_space<vmem>>, %arg9: memref<128x128xf32, #tpu.memory_space<vmem>>, %arg10: memref<10112x128xf32, #tpu.memory_space<vmem_shared>>, %arg11: memref<!tpu.dma_semaphore, #tpu.memory_space<semaphore_mem>>, %arg12: memref<!tpu.dma_semaphore, #tpu.memory_space<semaphore_mem>>) attributes {dimension_semantics = [#tpu.dimension_semantics<core_parallel>, #tpu.dimension_semantics<subcore_parallel>], iteration_bounds = array<i64: 2, 16>, scalar_prefetch = 0 : i64, scratch_operands = 7 : i64, tpu.core_type = #tpu.core_type<sc_vector_subcore>, window_params = [{transform_indices = #map}, {transform_indices = #map1}, {transform_indices = #map1}, {transform_indices = #map2}]} {
    %mul3A = arith.constant 16 : i32
    %mul3A_0 = arith.muli %arg0, %mul3A : i32
    %add3A = arith.addi %mul3A_0, %arg1 : i32
    %scan3A = arith.constant 0 : i32
    %scan3A_1 = arith.constant 0 : i32
    %scan3A_2 = arith.constant 128 : i32
    %scan3A_3 = arith.addi %scan3A_1, %scan3A_2 : i32
    %scan3A_4 = arith.constant 1 : i32
    scf.for %scan3A_343 = %scan3A_1 to %scan3A_3 step %scan3A_4  : i32 {
      %broadcast_in_dim3A = arith.constant 0.000000e+00 : f32
      %broadcast_in_dim3A_344 = vector.broadcast %broadcast_in_dim3A : f32 to vector<16xf32>
      %swap3A = arith.index_cast %scan3A_343 : i32 to index
      %swap3A_345 = arith.constant 0 : index
      %swap3A_346 = tpu.vector_load %arg8[%swap3A, %swap3A_345] {strides = array<i32>} : memref<128x128xf32, #tpu.memory_space<vmem>>, vector<1x16xf32>,
      %swap3A_347 = vector.shape_cast %swap3A_346 : vector<1x16xf32> to vector<16xf32>
      %swap3A_348 = vector.shape_cast %broadcast_in_dim3A_344 : vector<16xf32> to vector<1x16xf32>
      tpu.vector_store %arg8[%swap3A, %swap3A_345], %swap3A_348 {strides = array<i32>} : memref<128x128xf32, #tpu.memory_space<vmem>>, vector<1x16xf32>,
      %broadcast_in_dim3A_349 = arith.constant 0.000000e+00 : f32
      %broadcast_in_dim3A_350 = vector.broadcast %broadcast_in_dim3A_349 : f32 to vector<16xf32>
      %swap3A_351 = arith.index_cast %scan3A_343 : i32 to index
      %swap3A_352 = arith.constant 16 : index
      %swap3A_353 = tpu.vector_load %arg8[%swap3A_351, %swap3A_352] {strides = array<i32>} : memref<128x128xf32, #tpu.memory_space<vmem>>, vector<1x16xf32>,
      %swap3A_354 = vector.shape_cast %swap3A_353 : vector<1x16xf32> to vector<16xf32>
      %swap3A_355 = vector.shape_cast %broadcast_in_dim3A_350 : vector<16xf32> to vector<1x16xf32>
      tpu.vector_store %arg8[%swap3A_351, %swap3A_352], %swap3A_355 {strides = array<i32>} : memref<128x128xf32, #tpu.memory_space<vmem>>, vector<1x16xf32>,
      %broadcast_in_dim3A_356 = arith.constant 0.000000e+00 : f32
      %broadcast_in_dim3A_357 = vector.broadcast %broadcast_in_dim3A_356 : f32 to vector<16xf32>
      %swap3A_358 = arith.index_cast %scan3A_343 : i32 to index
      %swap3A_359 = arith.constant 32 : index
      %swap3A_360 = tpu.vector_load %arg8[%swap3A_358, %swap3A_359] {strides = array<i32>} : memref<128x128xf32, #tpu.memory_space<vmem>>, vector<1x16xf32>,
      %swap3A_361 = vector.shape_cast %swap3A_360 : vector<1x16xf32> to vector<16xf32>
      %swap3A_362 = vector.shape_cast %broadcast_in_dim3A_357 : vector<16xf32> to vector<1x16xf32>
      tpu.vector_store %arg8[%swap3A_358, %swap3A_359], %swap3A_362 {strides = array<i32>} : memref<128x128xf32, #tpu.memory_space<vmem>>, vector<1x16xf32>,
      %broadcast_in_dim3A_363 = arith.constant 0.000000e+00 : f32
      %broadcast_in_dim3A_364 = vector.broadcast %broadcast_in_dim3A_363 : f32 to vector<16xf32>
      %swap3A_365 = arith.index_cast %scan3A_343 : i32 to index
      %swap3A_366 = arith.constant 48 : index
      %swap3A_367 = tpu.vector_load %arg8[%swap3A_365, %swap3A_366] {strides = array<i32>} : memref<128x128xf32, #tpu.memory_space<vmem>>, vector<1x16xf32>,
      %swap3A_368 = vector.shape_cast %swap3A_367 : vector<1x16xf32> to vector<16xf32>
      %swap3A_369 = vector.shape_cast %broadcast_in_dim3A_364 : vector<16xf32> to vector<1x16xf32>
      tpu.vector_store %arg8[%swap3A_365, %swap3A_366], %swap3A_369 {strides = array<i32>} : memref<128x128xf32, #tpu.memory_space<vmem>>, vector<1x16xf32>,
      %broadcast_in_dim3A_370 = arith.constant 0.000000e+00 : f32
      %broadcast_in_dim3A_371 = vector.broadcast %broadcast_in_dim3A_370 : f32 to vector<16xf32>
      %swap3A_372 = arith.index_cast %scan3A_343 : i32 to index
      %swap3A_373 = arith.constant 64 : index
      %swap3A_374 = tpu.vector_load %arg8[%swap3A_372, %swap3A_373] {strides = array<i32>} : memref<128x128xf32, #tpu.memory_space<vmem>>, vector<1x16xf32>,
      %swap3A_375 = vector.shape_cast %swap3A_374 : vector<1x16xf32> to vector<16xf32>
      %swap3A_376 = vector.shape_cast %broadcast_in_dim3A_371 : vector<16xf32> to vector<1x16xf32>
      tpu.vector_store %arg8[%swap3A_372, %swap3A_373], %swap3A_376 {strides = array<i32>} : memref<128x128xf32, #tpu.memory_space<vmem>>, vector<1x16xf32>,
      %broadcast_in_dim3A_377 = arith.constant 0.000000e+00 : f32
      %broadcast_in_dim3A_378 = vector.broadcast %broadcast_in_dim3A_377 : f32 to vector<16xf32>
      %swap3A_379 = arith.index_cast %scan3A_343 : i32 to index
      %swap3A_380 = arith.constant 80 : index
      %swap3A_381 = tpu.vector_load %arg8[%swap3A_379, %swap3A_380] {strides = array<i32>} : memref<128x128xf32, #tpu.memory_space<vmem>>, vector<1x16xf32>,
      %swap3A_382 = vector.shape_cast %swap3A_381 : vector<1x16xf32> to vector<16xf32>
      %swap3A_383 = vector.shape_cast %broadcast_in_dim3A_378 : vector<16xf32> to vector<1x16xf32>
      tpu.vector_store %arg8[%swap3A_379, %swap3A_380], %swap3A_383 {strides = array<i32>} : memref<128x128xf32, #tpu.memory_space<vmem>>, vector<1x16xf32>,
      %broadcast_in_dim3A_384 = arith.constant 0.000000e+00 : f32
      %broadcast_in_dim3A_385 = vector.broadcast %broadcast_in_dim3A_384 : f32 to vector<16xf32>
      %swap3A_386 = arith.index_cast %scan3A_343 : i32 to index
      %swap3A_387 = arith.constant 96 : index
      %swap3A_388 = tpu.vector_load %arg8[%swap3A_386, %swap3A_387] {strides = array<i32>} : memref<128x128xf32, #tpu.memory_space<vmem>>, vector<1x16xf32>,
      %swap3A_389 = vector.shape_cast %swap3A_388 : vector<1x16xf32> to vector<16xf32>
      %swap3A_390 = vector.shape_cast %broadcast_in_dim3A_385 : vector<16xf32> to vector<1x16xf32>
      tpu.vector_store %arg8[%swap3A_386, %swap3A_387], %swap3A_390 {strides = array<i32>} : memref<128x128xf32, #tpu.memory_space<vmem>>, vector<1x16xf32>,
      %broadcast_in_dim3A_391 = arith.constant 0.000000e+00 : f32
      %broadcast_in_dim3A_392 = vector.broadcast %broadcast_in_dim3A_391 : f32 to vector<16xf32>
      %swap3A_393 = arith.index_cast %scan3A_343 : i32 to index
      %swap3A_394 = arith.constant 112 : index
      %swap3A_395 = tpu.vector_load %arg8[%swap3A_393, %swap3A_394] {strides = array<i32>} : memref<128x128xf32, #tpu.memory_space<vmem>>, vector<1x16xf32>,
      %swap3A_396 = vector.shape_cast %swap3A_395 : vector<1x16xf32> to vector<16xf32>
      %swap3A_397 = vector.shape_cast %broadcast_in_dim3A_392 : vector<16xf32> to vector<1x16xf32>
      tpu.vector_store %arg8[%swap3A_393, %swap3A_394], %swap3A_397 {strides = array<i32>} : memref<128x128xf32, #tpu.memory_space<vmem>>, vector<1x16xf32>,
    }
    %scan3A_5 = arith.constant 128 : i32
    %mul3A_6 = arith.constant 632 : i32
    %mul3A_7 = arith.muli %arg1, %mul3A_6 : i32
    %add3A_8 = arith.constant 0 : i32
    %add3A_9 = arith.addi %mul3A_7, %add3A_8 : i32
    %dma_start3A = arith.constant 0 : i32
    %dma_start3A_10 = tpu.memref_slice %arg10[%add3A_9, %dma_start3A] : memref<10112x128xf32, #tpu.memory_space<vmem_shared>> -> memref<128x128xf32, #tpu.memory_space<vmem_shared>>
    %dma_start3A_11 = arith.constant 0 : i32
    %dma_start3A_12 = tpu.memref_slice %arg10[%add3A_9, %dma_start3A_11] : memref<10112x128xf32, #tpu.memory_space<vmem_shared>> -> memref<128x128xf32, #tpu.memory_space<vmem_shared>>
    tpu.enqueue_dma source(%arg8 : memref<128x128xf32, #tpu.memory_space<vmem>>) target(%dma_start3A_12 : memref<128x128xf32, #tpu.memory_space<vmem_shared>>) target_semaphore(%arg11 : memref<!tpu.dma_semaphore, #tpu.memory_space<semaphore_mem>>)
    %mul3A_13 = arith.constant 632 : i32
    %mul3A_14 = arith.muli %arg1, %mul3A_13 : i32
    %add3A_15 = arith.constant 128 : i32
    %add3A_16 = arith.addi %mul3A_14, %add3A_15 : i32
    %dma_start3A_17 = arith.constant 0 : i32
    %dma_start3A_18 = tpu.memref_slice %arg10[%add3A_16, %dma_start3A_17] : memref<10112x128xf32, #tpu.memory_space<vmem_shared>> -> memref<128x128xf32, #tpu.memory_space<vmem_shared>>
    %dma_start3A_19 = arith.constant 0 : i32
    %dma_start3A_20 = tpu.memref_slice %arg10[%add3A_16, %dma_start3A_19] : memref<10112x128xf32, #tpu.memory_space<vmem_shared>> -> memref<128x128xf32, #tpu.memory_space<vmem_shared>>
    tpu.enqueue_dma source(%arg8 : memref<128x128xf32, #tpu.memory_space<vmem>>) target(%dma_start3A_20 : memref<128x128xf32, #tpu.memory_space<vmem_shared>>) target_semaphore(%arg11 : memref<!tpu.dma_semaphore, #tpu.memory_space<semaphore_mem>>)
    %mul3A_21 = arith.constant 632 : i32
    %mul3A_22 = arith.muli %arg1, %mul3A_21 : i32
    %add3A_23 = arith.constant 256 : i32
    %add3A_24 = arith.addi %mul3A_22, %add3A_23 : i32
    %dma_start3A_25 = arith.constant 0 : i32
    %dma_start3A_26 = tpu.memref_slice %arg10[%add3A_24, %dma_start3A_25] : memref<10112x128xf32, #tpu.memory_space<vmem_shared>> -> memref<128x128xf32, #tpu.memory_space<vmem_shared>>
    %dma_start3A_27 = arith.constant 0 : i32
    %dma_start3A_28 = tpu.memref_slice %arg10[%add3A_24, %dma_start3A_27] : memref<10112x128xf32, #tpu.memory_space<vmem_shared>> -> memref<128x128xf32, #tpu.memory_space<vmem_shared>>
    tpu.enqueue_dma source(%arg8 : memref<128x128xf32, #tpu.memory_space<vmem>>) target(%dma_start3A_28 : memref<128x128xf32, #tpu.memory_space<vmem_shared>>) target_semaphore(%arg11 : memref<!tpu.dma_semaphore, #tpu.memory_space<semaphore_mem>>)
    %mul3A_29 = arith.constant 632 : i32
    %mul3A_30 = arith.muli %arg1, %mul3A_29 : i32
    %add3A_31 = arith.constant 384 : i32
    %add3A_32 = arith.addi %mul3A_30, %add3A_31 : i32
    %dma_start3A_33 = arith.constant 0 : i32
    %dma_start3A_34 = tpu.memref_slice %arg10[%add3A_32, %dma_start3A_33] : memref<10112x128xf32, #tpu.memory_space<vmem_shared>> -> memref<128x128xf32, #tpu.memory_space<vmem_shared>>
    %dma_start3A_35 = arith.constant 0 : i32
    %dma_start3A_36 = tpu.memref_slice %arg10[%add3A_32, %dma_start3A_35] : memref<10112x128xf32, #tpu.memory_space<vmem_shared>> -> memref<128x128xf32, #tpu.memory_space<vmem_shared>>
    tpu.enqueue_dma source(%arg8 : memref<128x128xf32, #tpu.memory_space<vmem>>) target(%dma_start3A_36 : memref<128x128xf32, #tpu.memory_space<vmem_shared>>) target_semaphore(%arg11 : memref<!tpu.dma_semaphore, #tpu.memory_space<semaphore_mem>>)
    %mul3A_37 = arith.constant 632 : i32
    %mul3A_38 = arith.muli %arg1, %mul3A_37 : i32
    %add3A_39 = arith.constant 512 : i32
    %add3A_40 = arith.addi %mul3A_38, %add3A_39 : i32
    %dma_start3A_41 = arith.constant 0 : i32
    %dma_start3A_42 = arith.constant 0 : i32
    %dma_start3A_43 = tpu.memref_slice %arg8[%dma_start3A_41, %dma_start3A_42] : memref<128x128xf32, #tpu.memory_space<vmem>> -> memref<120x128xf32, #tpu.memory_space<vmem>>
    %dma_start3A_44 = arith.constant 0 : i32
    %dma_start3A_45 = tpu.memref_slice %arg10[%add3A_40, %dma_start3A_44] : memref<10112x128xf32, #tpu.memory_space<vmem_shared>> -> memref<120x128xf32, #tpu.memory_space<vmem_shared>>
    %dma_start3A_46 = arith.constant 0 : i32
    %dma_start3A_47 = tpu.memref_slice %arg10[%add3A_40, %dma_start3A_46] : memref<10112x128xf32, #tpu.memory_space<vmem_shared>> -> memref<120x128xf32, #tpu.memory_space<vmem_shared>>
    %dma_start3A_48 = arith.constant 0 : i32
    %dma_start3A_49 = arith.constant 0 : i32
    %dma_start3A_50 = tpu.memref_slice %arg8[%dma_start3A_48, %dma_start3A_49] : memref<128x128xf32, #tpu.memory_space<vmem>> -> memref<120x128xf32, #tpu.memory_space<vmem>>
    tpu.enqueue_dma source(%dma_start3A_50 : memref<120x128xf32, #tpu.memory_space<vmem>>) target(%dma_start3A_47 : memref<120x128xf32, #tpu.memory_space<vmem_shared>>) target_semaphore(%arg11 : memref<!tpu.dma_semaphore, #tpu.memory_space<semaphore_mem>>)
    %dma_wait3A = arith.constant 0 : i32
    %dma_wait3A_51 = tpu.memref_slice %arg10[%add3A_9, %dma_wait3A] : memref<10112x128xf32, #tpu.memory_space<vmem_shared>> -> memref<128x128xf32, #tpu.memory_space<vmem_shared>>
    %dma_wait3A_52 = arith.constant 0 : i32
    %dma_wait3A_53 = tpu.memref_slice %arg10[%add3A_9, %dma_wait3A_52] : memref<10112x128xf32, #tpu.memory_space<vmem_shared>> -> memref<128x128xf32, #tpu.memory_space<vmem_shared>>
    tpu.wait_dma2 semaphore(%arg11 : memref<!tpu.dma_semaphore, #tpu.memory_space<semaphore_mem>>) src(%arg8 : memref<128x128xf32, #tpu.memory_space<vmem>>) dst(%dma_wait3A_53 : memref<128x128xf32, #tpu.memory_space<vmem_shared>>)
    %dma_wait3A_54 = arith.constant 0 : i32
    %dma_wait3A_55 = tpu.memref_slice %arg10[%add3A_16, %dma_wait3A_54] : memref<10112x128xf32, #tpu.memory_space<vmem_shared>> -> memref<128x128xf32, #tpu.memory_space<vmem_shared>>
    %dma_wait3A_56 = arith.constant 0 : i32
    %dma_wait3A_57 = tpu.memref_slice %arg10[%add3A_16, %dma_wait3A_56] : memref<10112x128xf32, #tpu.memory_space<vmem_shared>> -> memref<128x128xf32, #tpu.memory_space<vmem_shared>>
    tpu.wait_dma2 semaphore(%arg11 : memref<!tpu.dma_semaphore, #tpu.memory_space<semaphore_mem>>) src(%arg8 : memref<128x128xf32, #tpu.memory_space<vmem>>) dst(%dma_wait3A_57 : memref<128x128xf32, #tpu.memory_space<vmem_shared>>)
    %dma_wait3A_58 = arith.constant 0 : i32
    %dma_wait3A_59 = tpu.memref_slice %arg10[%add3A_24, %dma_wait3A_58] : memref<10112x128xf32, #tpu.memory_space<vmem_shared>> -> memref<128x128xf32, #tpu.memory_space<vmem_shared>>
    %dma_wait3A_60 = arith.constant 0 : i32
    %dma_wait3A_61 = tpu.memref_slice %arg10[%add3A_24, %dma_wait3A_60] : memref<10112x128xf32, #tpu.memory_space<vmem_shared>> -> memref<128x128xf32, #tpu.memory_space<vmem_shared>>
    tpu.wait_dma2 semaphore(%arg11 : memref<!tpu.dma_semaphore, #tpu.memory_space<semaphore_mem>>) src(%arg8 : memref<128x128xf32, #tpu.memory_space<vmem>>) dst(%dma_wait3A_61 : memref<128x128xf32, #tpu.memory_space<vmem_shared>>)
    %dma_wait3A_62 = arith.constant 0 : i32
    %dma_wait3A_63 = tpu.memref_slice %arg10[%add3A_32, %dma_wait3A_62] : memref<10112x128xf32, #tpu.memory_space<vmem_shared>> -> memref<128x128xf32, #tpu.memory_space<vmem_shared>>
    %dma_wait3A_64 = arith.constant 0 : i32
    %dma_wait3A_65 = tpu.memref_slice %arg10[%add3A_32, %dma_wait3A_64] : memref<10112x128xf32, #tpu.memory_space<vmem_shared>> -> memref<128x128xf32, #tpu.memory_space<vmem_shared>>
    tpu.wait_dma2 semaphore(%arg11 : memref<!tpu.dma_semaphore, #tpu.memory_space<semaphore_mem>>) src(%arg8 : memref<128x128xf32, #tpu.memory_space<vmem>>) dst(%dma_wait3A_65 : memref<128x128xf32, #tpu.memory_space<vmem_shared>>)
    %dma_wait3A_66 = arith.constant 0 : i32
    %dma_wait3A_67 = arith.constant 0 : i32
    %dma_wait3A_68 = tpu.memref_slice %arg8[%dma_wait3A_66, %dma_wait3A_67] : memref<128x128xf32, #tpu.memory_space<vmem>> -> memref<120x128xf32, #tpu.memory_space<vmem>>
    %dma_wait3A_69 = arith.constant 0 : i32
    %dma_wait3A_70 = tpu.memref_slice %arg10[%add3A_40, %dma_wait3A_69] : memref<10112x128xf32, #tpu.memory_space<vmem_shared>> -> memref<120x128xf32, #tpu.memory_space<vmem_shared>>
    %dma_wait3A_71 = arith.constant 0 : i32
    %dma_wait3A_72 = tpu.memref_slice %arg10[%add3A_40, %dma_wait3A_71] : memref<10112x128xf32, #tpu.memory_space<vmem_shared>> -> memref<120x128xf32, #tpu.memory_space<vmem_shared>>
    %dma_wait3A_73 = arith.constant 0 : i32
    %dma_wait3A_74 = arith.constant 0 : i32
    %dma_wait3A_75 = tpu.memref_slice %arg8[%dma_wait3A_73, %dma_wait3A_74] : memref<128x128xf32, #tpu.memory_space<vmem>> -> memref<120x128xf32, #tpu.memory_space<vmem>>
    tpu.wait_dma2 semaphore(%arg11 : memref<!tpu.dma_semaphore, #tpu.memory_space<semaphore_mem>>) src(%dma_wait3A_75 : memref<120x128xf32, #tpu.memory_space<vmem>>) dst(%dma_wait3A_72 : memref<120x128xf32, #tpu.memory_space<vmem_shared>>)
    %barrier3A = arith.constant 0 : index
    tpu.barrier barrier_id(%barrier3A)
    %scan3A_76 = arith.constant 0 : i32
    %scan3A_77 = arith.constant 0 : i32
    %scan3A_78 = arith.constant 79 : i32
    %scan3A_79 = arith.addi %scan3A_77, %scan3A_78 : i32
    %scan3A_80 = arith.constant 1 : i32
    scf.for %scan3A_343 = %scan3A_77 to %scan3A_79 step %scan3A_80  : i32 {
      %mul3A_344 = arith.constant 10112 : i32
      %mul3A_345 = arith.muli %add3A, %mul3A_344 : i32
      %mul3A_346 = arith.constant 128 : i32
      %mul3A_347 = arith.muli %scan3A_343, %mul3A_346 : i32
      %add3A_348 = arith.addi %mul3A_345, %mul3A_347 : i32
      "tpu.region"() ({
        %run_scoped3A = tpu.sem_alloc : memref<!tpu.dma_semaphore, #tpu.memory_space<semaphore_mem>>
        %dma_start3A_355 = tpu.memref_slice %arg3[%add3A_348] : memref<323584xi32, #tpu.memory_space<hbm>> -> memref<128xi32, #tpu.memory_space<hbm>>
        %dma_start3A_356 = tpu.memref_slice %arg3[%add3A_348] : memref<323584xi32, #tpu.memory_space<hbm>> -> memref<128xi32, #tpu.memory_space<hbm>>
        tpu.enqueue_dma source(%dma_start3A_356 : memref<128xi32, #tpu.memory_space<hbm>>) target(%arg6 : memref<128xi32, #tpu.memory_space<vmem>>) target_semaphore(%run_scoped3A : memref<!tpu.dma_semaphore, #tpu.memory_space<semaphore_mem>>)
        %dma_wait3A_357 = tpu.memref_slice %arg3[%add3A_348] : memref<323584xi32, #tpu.memory_space<hbm>> -> memref<128xi32, #tpu.memory_space<hbm>>
        %dma_wait3A_358 = tpu.memref_slice %arg3[%add3A_348] : memref<323584xi32, #tpu.memory_space<hbm>> -> memref<128xi32, #tpu.memory_space<hbm>>
        tpu.wait_dma2 semaphore(%run_scoped3A : memref<!tpu.dma_semaphore, #tpu.memory_space<semaphore_mem>>) src(%dma_wait3A_358 : memref<128xi32, #tpu.memory_space<hbm>>) dst(%arg6 : memref<128xi32, #tpu.memory_space<vmem>>)
        tpu.yield
      }) : () -> ()
      "tpu.region"() ({
        %run_scoped3A = tpu.sem_alloc : memref<!tpu.dma_semaphore, #tpu.memory_space<semaphore_mem>>
        %dma_start3A_355 = tpu.memref_slice %arg4[%add3A_348] : memref<323584xi32, #tpu.memory_space<hbm>> -> memref<128xi32, #tpu.memory_space<hbm>>
        %dma_start3A_356 = tpu.memref_slice %arg4[%add3A_348] : memref<323584xi32, #tpu.memory_space<hbm>> -> memref<128xi32, #tpu.memory_space<hbm>>
        tpu.enqueue_dma source(%dma_start3A_356 : memref<128xi32, #tpu.memory_space<hbm>>) target(%arg7 : memref<128xi32, #tpu.memory_space<vmem>>) target_semaphore(%run_scoped3A : memref<!tpu.dma_semaphore, #tpu.memory_space<semaphore_mem>>)
        %dma_wait3A_357 = tpu.memref_slice %arg4[%add3A_348] : memref<323584xi32, #tpu.memory_space<hbm>> -> memref<128xi32, #tpu.memory_space<hbm>>
        %dma_wait3A_358 = tpu.memref_slice %arg4[%add3A_348] : memref<323584xi32, #tpu.memory_space<hbm>> -> memref<128xi32, #tpu.memory_space<hbm>>
        tpu.wait_dma2 semaphore(%run_scoped3A : memref<!tpu.dma_semaphore, #tpu.memory_space<semaphore_mem>>) src(%dma_wait3A_358 : memref<128xi32, #tpu.memory_space<hbm>>) dst(%arg7 : memref<128xi32, #tpu.memory_space<vmem>>)
        tpu.yield
      }) : () -> ()
      %dma_start3A_349 = arith.constant 0 : i32
      %dma_start3A_350 = arith.constant 0 : i32
      %dma_start3A_351 = tpu.memref_slice %arg2[%dma_start3A_349, %dma_start3A_350] : memref<10112x128xf32, #tpu.memory_space<hbm>> -> memref<10112x128xf32, #tpu.memory_space<hbm>>
      tpu.enqueue_indirect_dma source(%dma_start3A_351 : memref<10112x128xf32, #tpu.memory_space<hbm>>) target(%arg8 : memref<128x128xf32, #tpu.memory_space<vmem>>) offsets(%arg6 : memref<128xi32, #tpu.memory_space<vmem>>) semaphore(%arg11 : memref<!tpu.dma_semaphore, #tpu.memory_space<semaphore_mem>>)
      %dma_wait3A_352 = arith.constant 0 : i32
      %dma_wait3A_353 = arith.constant 0 : i32
      %dma_wait3A_354 = tpu.memref_slice %arg2[%dma_wait3A_352, %dma_wait3A_353] : memref<10112x128xf32, #tpu.memory_space<hbm>> -> memref<10112x128xf32, #tpu.memory_space<hbm>>
      tpu.wait_indirect_dma semaphore(%arg11 : memref<!tpu.dma_semaphore, #tpu.memory_space<semaphore_mem>>) src(%dma_wait3A_354 : memref<10112x128xf32, #tpu.memory_space<hbm>>) dst(%arg8 : memref<128x128xf32, #tpu.memory_space<vmem>>)
      "tpu.region"() ({
        %run_scoped3A = tpu.sem_alloc : memref<!tpu.dma_semaphore, #tpu.memory_space<semaphore_mem>>
        %dma_start3A_355 = arith.constant 0 : i32
        %dma_start3A_356 = arith.constant 0 : i32
        %dma_start3A_357 = tpu.memref_slice %arg10[%dma_start3A_355, %dma_start3A_356] : memref<10112x128xf32, #tpu.memory_space<vmem_shared>> -> memref<10112x128xf32, #tpu.memory_space<vmem_shared>>
        tpu.enqueue_indirect_dma source(%arg8 : memref<128x128xf32, #tpu.memory_space<vmem>>) target(%dma_start3A_357 : memref<10112x128xf32, #tpu.memory_space<vmem_shared>>) offsets(%arg7 : memref<128xi32, #tpu.memory_space<vmem>>) semaphore(%run_scoped3A : memref<!tpu.dma_semaphore, #tpu.memory_space<semaphore_mem>>) {add = true}
        %dma_wait3A_358 = arith.constant 0 : i32
        %dma_wait3A_359 = arith.constant 0 : i32
        %dma_wait3A_360 = tpu.memref_slice %arg10[%dma_wait3A_358, %dma_wait3A_359] : memref<10112x128xf32, #tpu.memory_space<vmem_shared>> -> memref<10112x128xf32, #tpu.memory_space<vmem_shared>>
        tpu.wait_indirect_dma semaphore(%run_scoped3A : memref<!tpu.dma_semaphore, #tpu.memory_space<semaphore_mem>>) src(%arg8 : memref<128x128xf32, #tpu.memory_space<vmem>>) dst(%dma_wait3A_360 : memref<10112x128xf32, #tpu.memory_space<vmem_shared>>)
        tpu.yield
      }) : () -> ()
    }
    %scan3A_81 = arith.constant 79 : i32
    %barrier3A_82 = arith.constant 0 : index
    tpu.barrier barrier_id(%barrier3A_82)
    %mul3A_83 = arith.constant 632 : i32
    %mul3A_84 = arith.muli %arg1, %mul3A_83 : i32
    %add3A_85 = arith.constant 0 : i32
    %add3A_86 = arith.addi %mul3A_84, %add3A_85 : i32
    %dma_start3A_87 = arith.constant 0 : i32
    %dma_start3A_88 = arith.constant 0 : i32
    %dma_start3A_89 = tpu.memref_slice %arg8[%dma_start3A_87, %dma_start3A_88] : memref<128x128xf32, #tpu.memory_space<vmem>> -> memref<128x128xf32, #tpu.memory_space<vmem>>
    %dma_start3A_90 = arith.constant 0 : i32
    %dma_start3A_91 = tpu.memref_slice %arg10[%add3A_86, %dma_start3A_90] : memref<10112x128xf32, #tpu.memory_space<vmem_shared>> -> memref<128x128xf32, #tpu.memory_space<vmem_shared>>
    %dma_start3A_92 = arith.constant 0 : i32
    %dma_start3A_93 = arith.constant 0 : i32
    %dma_start3A_94 = tpu.memref_slice %arg8[%dma_start3A_92, %dma_start3A_93] : memref<128x128xf32, #tpu.memory_space<vmem>> -> memref<128x128xf32, #tpu.memory_space<vmem>>
    %dma_start3A_95 = arith.constant 0 : i32
    %dma_start3A_96 = tpu.memref_slice %arg10[%add3A_86, %dma_start3A_95] : memref<10112x128xf32, #tpu.memory_space<vmem_shared>> -> memref<128x128xf32, #tpu.memory_space<vmem_shared>>
    tpu.enqueue_dma source(%dma_start3A_96 : memref<128x128xf32, #tpu.memory_space<vmem_shared>>) target(%dma_start3A_94 : memref<128x128xf32, #tpu.memory_space<vmem>>) target_semaphore(%arg11 : memref<!tpu.dma_semaphore, #tpu.memory_space<semaphore_mem>>)
    %dma_wait3A_97 = arith.constant 0 : i32
    %dma_wait3A_98 = arith.constant 0 : i32
    %dma_wait3A_99 = tpu.memref_slice %arg8[%dma_wait3A_97, %dma_wait3A_98] : memref<128x128xf32, #tpu.memory_space<vmem>> -> memref<128x128xf32, #tpu.memory_space<vmem>>
    %dma_wait3A_100 = arith.constant 0 : i32
    %dma_wait3A_101 = tpu.memref_slice %arg10[%add3A_86, %dma_wait3A_100] : memref<10112x128xf32, #tpu.memory_space<vmem_shared>> -> memref<128x128xf32, #tpu.memory_space<vmem_shared>>
    %dma_wait3A_102 = arith.constant 0 : i32
    %dma_wait3A_103 = arith.constant 0 : i32
    %dma_wait3A_104 = tpu.memref_slice %arg8[%dma_wait3A_102, %dma_wait3A_103] : memref<128x128xf32, #tpu.memory_space<vmem>> -> memref<128x128xf32, #tpu.memory_space<vmem>>
    %dma_wait3A_105 = arith.constant 0 : i32
    %dma_wait3A_106 = tpu.memref_slice %arg10[%add3A_86, %dma_wait3A_105] : memref<10112x128xf32, #tpu.memory_space<vmem_shared>> -> memref<128x128xf32, #tpu.memory_space<vmem_shared>>
    tpu.wait_dma2 semaphore(%arg11 : memref<!tpu.dma_semaphore, #tpu.memory_space<semaphore_mem>>) src(%dma_wait3A_106 : memref<128x128xf32, #tpu.memory_space<vmem_shared>>) dst(%dma_wait3A_104 : memref<128x128xf32, #tpu.memory_space<vmem>>)
    %mul3A_107 = arith.constant 632 : i32
    %mul3A_108 = arith.muli %arg1, %mul3A_107 : i32
    %add3A_109 = arith.constant 0 : i32
    %add3A_110 = arith.addi %mul3A_108, %add3A_109 : i32
    %dma_start3A_111 = arith.constant 0 : i32
    %dma_start3A_112 = arith.constant 0 : i32
    %dma_start3A_113 = tpu.memref_slice %arg8[%dma_start3A_111, %dma_start3A_112] : memref<128x128xf32, #tpu.memory_space<vmem>> -> memref<128x128xf32, #tpu.memory_space<vmem>>
    %dma_start3A_114 = arith.constant 0 : i32
    %dma_start3A_115 = tpu.memref_slice %arg5[%arg0, %add3A_110, %dma_start3A_114] : memref<2x10112x128xf32, #tpu.memory_space<hbm>> -> memref<1x128x128xf32, #tpu.memory_space<hbm>>
    %dma_start3A_116 = tpu.memref_squeeze %dma_start3A_115 : memref<1x128x128xf32, #tpu.memory_space<hbm>> -> memref<128x128xf32, #tpu.memory_space<hbm>>
    %dma_start3A_117 = arith.constant 0 : i32
    %dma_start3A_118 = tpu.memref_slice %arg5[%arg0, %add3A_110, %dma_start3A_117] : memref<2x10112x128xf32, #tpu.memory_space<hbm>> -> memref<1x128x128xf32, #tpu.memory_space<hbm>>
    %dma_start3A_119 = tpu.memref_squeeze %dma_start3A_118 : memref<1x128x128xf32, #tpu.memory_space<hbm>> -> memref<128x128xf32, #tpu.memory_space<hbm>>
    %dma_start3A_120 = arith.constant 0 : i32
    %dma_start3A_121 = arith.constant 0 : i32
    %dma_start3A_122 = tpu.memref_slice %arg8[%dma_start3A_120, %dma_start3A_121] : memref<128x128xf32, #tpu.memory_space<vmem>> -> memref<128x128xf32, #tpu.memory_space<vmem>>
    tpu.enqueue_dma source(%dma_start3A_122 : memref<128x128xf32, #tpu.memory_space<vmem>>) target(%dma_start3A_119 : memref<128x128xf32, #tpu.memory_space<hbm>>) target_semaphore(%arg12 : memref<!tpu.dma_semaphore, #tpu.memory_space<semaphore_mem>>)
    %mul3A_123 = arith.constant 632 : i32
    %mul3A_124 = arith.muli %arg1, %mul3A_123 : i32
    %add3A_125 = arith.constant 128 : i32
    %add3A_126 = arith.addi %mul3A_124, %add3A_125 : i32
    %dma_start3A_127 = arith.constant 0 : i32
    %dma_start3A_128 = arith.constant 0 : i32
    %dma_start3A_129 = tpu.memref_slice %arg9[%dma_start3A_127, %dma_start3A_128] : memref<128x128xf32, #tpu.memory_space<vmem>> -> memref<128x128xf32, #tpu.memory_space<vmem>>
    %dma_start3A_130 = arith.constant 0 : i32
    %dma_start3A_131 = tpu.memref_slice %arg10[%add3A_126, %dma_start3A_130] : memref<10112x128xf32, #tpu.memory_space<vmem_shared>> -> memref<128x128xf32, #tpu.memory_space<vmem_shared>>
    %dma_start3A_132 = arith.constant 0 : i32
    %dma_start3A_133 = arith.constant 0 : i32
    %dma_start3A_134 = tpu.memref_slice %arg9[%dma_start3A_132, %dma_start3A_133] : memref<128x128xf32, #tpu.memory_space<vmem>> -> memref<128x128xf32, #tpu.memory_space<vmem>>
    %dma_start3A_135 = arith.constant 0 : i32
    %dma_start3A_136 = tpu.memref_slice %arg10[%add3A_126, %dma_start3A_135] : memref<10112x128xf32, #tpu.memory_space<vmem_shared>> -> memref<128x128xf32, #tpu.memory_space<vmem_shared>>
    tpu.enqueue_dma source(%dma_start3A_136 : memref<128x128xf32, #tpu.memory_space<vmem_shared>>) target(%dma_start3A_134 : memref<128x128xf32, #tpu.memory_space<vmem>>) target_semaphore(%arg11 : memref<!tpu.dma_semaphore, #tpu.memory_space<semaphore_mem>>)
    %dma_wait3A_137 = arith.constant 0 : i32
    %dma_wait3A_138 = arith.constant 0 : i32
    %dma_wait3A_139 = tpu.memref_slice %arg9[%dma_wait3A_137, %dma_wait3A_138] : memref<128x128xf32, #tpu.memory_space<vmem>> -> memref<128x128xf32, #tpu.memory_space<vmem>>
    %dma_wait3A_140 = arith.constant 0 : i32
    %dma_wait3A_141 = tpu.memref_slice %arg10[%add3A_126, %dma_wait3A_140] : memref<10112x128xf32, #tpu.memory_space<vmem_shared>> -> memref<128x128xf32, #tpu.memory_space<vmem_shared>>
    %dma_wait3A_142 = arith.constant 0 : i32
    %dma_wait3A_143 = arith.constant 0 : i32
    %dma_wait3A_144 = tpu.memref_slice %arg9[%dma_wait3A_142, %dma_wait3A_143] : memref<128x128xf32, #tpu.memory_space<vmem>> -> memref<128x128xf32, #tpu.memory_space<vmem>>
    %dma_wait3A_145 = arith.constant 0 : i32
    %dma_wait3A_146 = tpu.memref_slice %arg10[%add3A_126, %dma_wait3A_145] : memref<10112x128xf32, #tpu.memory_space<vmem_shared>> -> memref<128x128xf32, #tpu.memory_space<vmem_shared>>
    tpu.wait_dma2 semaphore(%arg11 : memref<!tpu.dma_semaphore, #tpu.memory_space<semaphore_mem>>) src(%dma_wait3A_146 : memref<128x128xf32, #tpu.memory_space<vmem_shared>>) dst(%dma_wait3A_144 : memref<128x128xf32, #tpu.memory_space<vmem>>)
    %mul3A_147 = arith.constant 632 : i32
    %mul3A_148 = arith.muli %arg1, %mul3A_147 : i32
    %add3A_149 = arith.constant 128 : i32
    %add3A_150 = arith.addi %mul3A_148, %add3A_149 : i32
    %dma_start3A_151 = arith.constant 0 : i32
    %dma_start3A_152 = arith.constant 0 : i32
    %dma_start3A_153 = tpu.memref_slice %arg9[%dma_start3A_151, %dma_start3A_152] : memref<128x128xf32, #tpu.memory_space<vmem>> -> memref<128x128xf32, #tpu.memory_space<vmem>>
    %dma_start3A_154 = arith.constant 0 : i32
    %dma_start3A_155 = tpu.memref_slice %arg5[%arg0, %add3A_150, %dma_start3A_154] : memref<2x10112x128xf32, #tpu.memory_space<hbm>> -> memref<1x128x128xf32, #tpu.memory_space<hbm>>
    %dma_start3A_156 = tpu.memref_squeeze %dma_start3A_155 : memref<1x128x128xf32, #tpu.memory_space<hbm>> -> memref<128x128xf32, #tpu.memory_space<hbm>>
    %dma_start3A_157 = arith.constant 0 : i32
    %dma_start3A_158 = tpu.memref_slice %arg5[%arg0, %add3A_150, %dma_start3A_157] : memref<2x10112x128xf32, #tpu.memory_space<hbm>> -> memref<1x128x128xf32, #tpu.memory_space<hbm>>
    %dma_start3A_159 = tpu.memref_squeeze %dma_start3A_158 : memref<1x128x128xf32, #tpu.memory_space<hbm>> -> memref<128x128xf32, #tpu.memory_space<hbm>>
    %dma_start3A_160 = arith.constant 0 : i32
    %dma_start3A_161 = arith.constant 0 : i32
    %dma_start3A_162 = tpu.memref_slice %arg9[%dma_start3A_160, %dma_start3A_161] : memref<128x128xf32, #tpu.memory_space<vmem>> -> memref<128x128xf32, #tpu.memory_space<vmem>>
    tpu.enqueue_dma source(%dma_start3A_162 : memref<128x128xf32, #tpu.memory_space<vmem>>) target(%dma_start3A_159 : memref<128x128xf32, #tpu.memory_space<hbm>>) target_semaphore(%arg12 : memref<!tpu.dma_semaphore, #tpu.memory_space<semaphore_mem>>)
    %dma_wait3A_163 = arith.constant 0 : i32
    %dma_wait3A_164 = arith.constant 0 : i32
    %dma_wait3A_165 = tpu.memref_slice %arg8[%dma_wait3A_163, %dma_wait3A_164] : memref<128x128xf32, #tpu.memory_space<vmem>> -> memref<128x128xf32, #tpu.memory_space<vmem>>
    %dma_wait3A_166 = arith.constant 0 : i32
    %dma_wait3A_167 = tpu.memref_slice %arg5[%arg0, %add3A_110, %dma_wait3A_166] : memref<2x10112x128xf32, #tpu.memory_space<hbm>> -> memref<1x128x128xf32, #tpu.memory_space<hbm>>
    %dma_wait3A_168 = tpu.memref_squeeze %dma_wait3A_167 : memref<1x128x128xf32, #tpu.memory_space<hbm>> -> memref<128x128xf32, #tpu.memory_space<hbm>>
    %dma_wait3A_169 = arith.constant 0 : i32
    %dma_wait3A_170 = tpu.memref_slice %arg5[%arg0, %add3A_110, %dma_wait3A_169] : memref<2x10112x128xf32, #tpu.memory_space<hbm>> -> memref<1x128x128xf32, #tpu.memory_space<hbm>>
    %dma_wait3A_171 = tpu.memref_squeeze %dma_wait3A_170 : memref<1x128x128xf32, #tpu.memory_space<hbm>> -> memref<128x128xf32, #tpu.memory_space<hbm>>
    %dma_wait3A_172 = arith.constant 0 : i32
    %dma_wait3A_173 = arith.constant 0 : i32
    %dma_wait3A_174 = tpu.memref_slice %arg8[%dma_wait3A_172, %dma_wait3A_173] : memref<128x128xf32, #tpu.memory_space<vmem>> -> memref<128x128xf32, #tpu.memory_space<vmem>>
    tpu.wait_dma2 semaphore(%arg12 : memref<!tpu.dma_semaphore, #tpu.memory_space<semaphore_mem>>) src(%dma_wait3A_174 : memref<128x128xf32, #tpu.memory_space<vmem>>) dst(%dma_wait3A_171 : memref<128x128xf32, #tpu.memory_space<hbm>>)
    %mul3A_175 = arith.constant 632 : i32
    %mul3A_176 = arith.muli %arg1, %mul3A_175 : i32
    %add3A_177 = arith.constant 256 : i32
    %add3A_178 = arith.addi %mul3A_176, %add3A_177 : i32
    %dma_start3A_179 = arith.constant 0 : i32
    %dma_start3A_180 = arith.constant 0 : i32
    %dma_start3A_181 = tpu.memref_slice %arg8[%dma_start3A_179, %dma_start3A_180] : memref<128x128xf32, #tpu.memory_space<vmem>> -> memref<128x128xf32, #tpu.memory_space<vmem>>
    %dma_start3A_182 = arith.constant 0 : i32
    %dma_start3A_183 = tpu.memref_slice %arg10[%add3A_178, %dma_start3A_182] : memref<10112x128xf32, #tpu.memory_space<vmem_shared>> -> memref<128x128xf32, #tpu.memory_space<vmem_shared>>
    %dma_start3A_184 = arith.constant 0 : i32
    %dma_start3A_185 = arith.constant 0 : i32
    %dma_start3A_186 = tpu.memref_slice %arg8[%dma_start3A_184, %dma_start3A_185] : memref<128x128xf32, #tpu.memory_space<vmem>> -> memref<128x128xf32, #tpu.memory_space<vmem>>
    %dma_start3A_187 = arith.constant 0 : i32
    %dma_start3A_188 = tpu.memref_slice %arg10[%add3A_178, %dma_start3A_187] : memref<10112x128xf32, #tpu.memory_space<vmem_shared>> -> memref<128x128xf32, #tpu.memory_space<vmem_shared>>
    tpu.enqueue_dma source(%dma_start3A_188 : memref<128x128xf32, #tpu.memory_space<vmem_shared>>) target(%dma_start3A_186 : memref<128x128xf32, #tpu.memory_space<vmem>>) target_semaphore(%arg11 : memref<!tpu.dma_semaphore, #tpu.memory_space<semaphore_mem>>)
    %dma_wait3A_189 = arith.constant 0 : i32
    %dma_wait3A_190 = arith.constant 0 : i32
    %dma_wait3A_191 = tpu.memref_slice %arg8[%dma_wait3A_189, %dma_wait3A_190] : memref<128x128xf32, #tpu.memory_space<vmem>> -> memref<128x128xf32, #tpu.memory_space<vmem>>
    %dma_wait3A_192 = arith.constant 0 : i32
    %dma_wait3A_193 = tpu.memref_slice %arg10[%add3A_178, %dma_wait3A_192] : memref<10112x128xf32, #tpu.memory_space<vmem_shared>> -> memref<128x128xf32, #tpu.memory_space<vmem_shared>>
    %dma_wait3A_194 = arith.constant 0 : i32
    %dma_wait3A_195 = arith.constant 0 : i32
    %dma_wait3A_196 = tpu.memref_slice %arg8[%dma_wait3A_194, %dma_wait3A_195] : memref<128x128xf32, #tpu.memory_space<vmem>> -> memref<128x128xf32, #tpu.memory_space<vmem>>
    %dma_wait3A_197 = arith.constant 0 : i32
    %dma_wait3A_198 = tpu.memref_slice %arg10[%add3A_178, %dma_wait3A_197] : memref<10112x128xf32, #tpu.memory_space<vmem_shared>> -> memref<128x128xf32, #tpu.memory_space<vmem_shared>>
    tpu.wait_dma2 semaphore(%arg11 : memref<!tpu.dma_semaphore, #tpu.memory_space<semaphore_mem>>) src(%dma_wait3A_198 : memref<128x128xf32, #tpu.memory_space<vmem_shared>>) dst(%dma_wait3A_196 : memref<128x128xf32, #tpu.memory_space<vmem>>)
    %mul3A_199 = arith.constant 632 : i32
    %mul3A_200 = arith.muli %arg1, %mul3A_199 : i32
    %add3A_201 = arith.constant 256 : i32
    %add3A_202 = arith.addi %mul3A_200, %add3A_201 : i32
    %dma_start3A_203 = arith.constant 0 : i32
    %dma_start3A_204 = arith.constant 0 : i32
    %dma_start3A_205 = tpu.memref_slice %arg8[%dma_start3A_203, %dma_start3A_204] : memref<128x128xf32, #tpu.memory_space<vmem>> -> memref<128x128xf32, #tpu.memory_space<vmem>>
    %dma_start3A_206 = arith.constant 0 : i32
    %dma_start3A_207 = tpu.memref_slice %arg5[%arg0, %add3A_202, %dma_start3A_206] : memref<2x10112x128xf32, #tpu.memory_space<hbm>> -> memref<1x128x128xf32, #tpu.memory_space<hbm>>
    %dma_start3A_208 = tpu.memref_squeeze %dma_start3A_207 : memref<1x128x128xf32, #tpu.memory_space<hbm>> -> memref<128x128xf32, #tpu.memory_space<hbm>>
    %dma_start3A_209 = arith.constant 0 : i32
    %dma_start3A_210 = tpu.memref_slice %arg5[%arg0, %add3A_202, %dma_start3A_209] : memref<2x10112x128xf32, #tpu.memory_space<hbm>> -> memref<1x128x128xf32, #tpu.memory_space<hbm>>
    %dma_start3A_211 = tpu.memref_squeeze %dma_start3A_210 : memref<1x128x128xf32, #tpu.memory_space<hbm>> -> memref<128x128xf32, #tpu.memory_space<hbm>>
    %dma_start3A_212 = arith.constant 0 : i32
    %dma_start3A_213 = arith.constant 0 : i32
    %dma_start3A_214 = tpu.memref_slice %arg8[%dma_start3A_212, %dma_start3A_213] : memref<128x128xf32, #tpu.memory_space<vmem>> -> memref<128x128xf32, #tpu.memory_space<vmem>>
    tpu.enqueue_dma source(%dma_start3A_214 : memref<128x128xf32, #tpu.memory_space<vmem>>) target(%dma_start3A_211 : memref<128x128xf32, #tpu.memory_space<hbm>>) target_semaphore(%arg12 : memref<!tpu.dma_semaphore, #tpu.memory_space<semaphore_mem>>)
    %dma_wait3A_215 = arith.constant 0 : i32
    %dma_wait3A_216 = arith.constant 0 : i32
    %dma_wait3A_217 = tpu.memref_slice %arg9[%dma_wait3A_215, %dma_wait3A_216] : memref<128x128xf32, #tpu.memory_space<vmem>> -> memref<128x128xf32, #tpu.memory_space<vmem>>
    %dma_wait3A_218 = arith.constant 0 : i32
    %dma_wait3A_219 = tpu.memref_slice %arg5[%arg0, %add3A_150, %dma_wait3A_218] : memref<2x10112x128xf32, #tpu.memory_space<hbm>> -> memref<1x128x128xf32, #tpu.memory_space<hbm>>
    %dma_wait3A_220 = tpu.memref_squeeze %dma_wait3A_219 : memref<1x128x128xf32, #tpu.memory_space<hbm>> -> memref<128x128xf32, #tpu.memory_space<hbm>>
    %dma_wait3A_221 = arith.constant 0 : i32
    %dma_wait3A_222 = tpu.memref_slice %arg5[%arg0, %add3A_150, %dma_wait3A_221] : memref<2x10112x128xf32, #tpu.memory_space<hbm>> -> memref<1x128x128xf32, #tpu.memory_space<hbm>>
    %dma_wait3A_223 = tpu.memref_squeeze %dma_wait3A_222 : memref<1x128x128xf32, #tpu.memory_space<hbm>> -> memref<128x128xf32, #tpu.memory_space<hbm>>
    %dma_wait3A_224 = arith.constant 0 : i32
    %dma_wait3A_225 = arith.constant 0 : i32
    %dma_wait3A_226 = tpu.memref_slice %arg9[%dma_wait3A_224, %dma_wait3A_225] : memref<128x128xf32, #tpu.memory_space<vmem>> -> memref<128x128xf32, #tpu.memory_space<vmem>>
    tpu.wait_dma2 semaphore(%arg12 : memref<!tpu.dma_semaphore, #tpu.memory_space<semaphore_mem>>) src(%dma_wait3A_226 : memref<128x128xf32, #tpu.memory_space<vmem>>) dst(%dma_wait3A_223 : memref<128x128xf32, #tpu.memory_space<hbm>>)
    %mul3A_227 = arith.constant 632 : i32
    %mul3A_228 = arith.muli %arg1, %mul3A_227 : i32
    %add3A_229 = arith.constant 384 : i32
    %add3A_230 = arith.addi %mul3A_228, %add3A_229 : i32
    %dma_start3A_231 = arith.constant 0 : i32
    %dma_start3A_232 = arith.constant 0 : i32
    %dma_start3A_233 = tpu.memref_slice %arg9[%dma_start3A_231, %dma_start3A_232] : memref<128x128xf32, #tpu.memory_space<vmem>> -> memref<128x128xf32, #tpu.memory_space<vmem>>
    %dma_start3A_234 = arith.constant 0 : i32
    %dma_start3A_235 = tpu.memref_slice %arg10[%add3A_230, %dma_start3A_234] : memref<10112x128xf32, #tpu.memory_space<vmem_shared>> -> memref<128x128xf32, #tpu.memory_space<vmem_shared>>
    %dma_start3A_236 = arith.constant 0 : i32
    %dma_start3A_237 = arith.constant 0 : i32
    %dma_start3A_238 = tpu.memref_slice %arg9[%dma_start3A_236, %dma_start3A_237] : memref<128x128xf32, #tpu.memory_space<vmem>> -> memref<128x128xf32, #tpu.memory_space<vmem>>
    %dma_start3A_239 = arith.constant 0 : i32
    %dma_start3A_240 = tpu.memref_slice %arg10[%add3A_230, %dma_start3A_239] : memref<10112x128xf32, #tpu.memory_space<vmem_shared>> -> memref<128x128xf32, #tpu.memory_space<vmem_shared>>
    tpu.enqueue_dma source(%dma_start3A_240 : memref<128x128xf32, #tpu.memory_space<vmem_shared>>) target(%dma_start3A_238 : memref<128x128xf32, #tpu.memory_space<vmem>>) target_semaphore(%arg11 : memref<!tpu.dma_semaphore, #tpu.memory_space<semaphore_mem>>)
    %dma_wait3A_241 = arith.constant 0 : i32
    %dma_wait3A_242 = arith.constant 0 : i32
    %dma_wait3A_243 = tpu.memref_slice %arg9[%dma_wait3A_241, %dma_wait3A_242] : memref<128x128xf32, #tpu.memory_space<vmem>> -> memref<128x128xf32, #tpu.memory_space<vmem>>
    %dma_wait3A_244 = arith.constant 0 : i32
    %dma_wait3A_245 = tpu.memref_slice %arg10[%add3A_230, %dma_wait3A_244] : memref<10112x128xf32, #tpu.memory_space<vmem_shared>> -> memref<128x128xf32, #tpu.memory_space<vmem_shared>>
    %dma_wait3A_246 = arith.constant 0 : i32
    %dma_wait3A_247 = arith.constant 0 : i32
    %dma_wait3A_248 = tpu.memref_slice %arg9[%dma_wait3A_246, %dma_wait3A_247] : memref<128x128xf32, #tpu.memory_space<vmem>> -> memref<128x128xf32, #tpu.memory_space<vmem>>
    %dma_wait3A_249 = arith.constant 0 : i32
    %dma_wait3A_250 = tpu.memref_slice %arg10[%add3A_230, %dma_wait3A_249] : memref<10112x128xf32, #tpu.memory_space<vmem_shared>> -> memref<128x128xf32, #tpu.memory_space<vmem_shared>>
    tpu.wait_dma2 semaphore(%arg11 : memref<!tpu.dma_semaphore, #tpu.memory_space<semaphore_mem>>) src(%dma_wait3A_250 : memref<128x128xf32, #tpu.memory_space<vmem_shared>>) dst(%dma_wait3A_248 : memref<128x128xf32, #tpu.memory_space<vmem>>)
    %mul3A_251 = arith.constant 632 : i32
    %mul3A_252 = arith.muli %arg1, %mul3A_251 : i32
    %add3A_253 = arith.constant 384 : i32
    %add3A_254 = arith.addi %mul3A_252, %add3A_253 : i32
    %dma_start3A_255 = arith.constant 0 : i32
    %dma_start3A_256 = arith.constant 0 : i32
    %dma_start3A_257 = tpu.memref_slice %arg9[%dma_start3A_255, %dma_start3A_256] : memref<128x128xf32, #tpu.memory_space<vmem>> -> memref<128x128xf32, #tpu.memory_space<vmem>>
    %dma_start3A_258 = arith.constant 0 : i32
    %dma_start3A_259 = tpu.memref_slice %arg5[%arg0, %add3A_254, %dma_start3A_258] : memref<2x10112x128xf32, #tpu.memory_space<hbm>> -> memref<1x128x128xf32, #tpu.memory_space<hbm>>
    %dma_start3A_260 = tpu.memref_squeeze %dma_start3A_259 : memref<1x128x128xf32, #tpu.memory_space<hbm>> -> memref<128x128xf32, #tpu.memory_space<hbm>>
    %dma_start3A_261 = arith.constant 0 : i32
    %dma_start3A_262 = tpu.memref_slice %arg5[%arg0, %add3A_254, %dma_start3A_261] : memref<2x10112x128xf32, #tpu.memory_space<hbm>> -> memref<1x128x128xf32, #tpu.memory_space<hbm>>
    %dma_start3A_263 = tpu.memref_squeeze %dma_start3A_262 : memref<1x128x128xf32, #tpu.memory_space<hbm>> -> memref<128x128xf32, #tpu.memory_space<hbm>>
    %dma_start3A_264 = arith.constant 0 : i32
    %dma_start3A_265 = arith.constant 0 : i32
    %dma_start3A_266 = tpu.memref_slice %arg9[%dma_start3A_264, %dma_start3A_265] : memref<128x128xf32, #tpu.memory_space<vmem>> -> memref<128x128xf32, #tpu.memory_space<vmem>>
    tpu.enqueue_dma source(%dma_start3A_266 : memref<128x128xf32, #tpu.memory_space<vmem>>) target(%dma_start3A_263 : memref<128x128xf32, #tpu.memory_space<hbm>>) target_semaphore(%arg12 : memref<!tpu.dma_semaphore, #tpu.memory_space<semaphore_mem>>)
    %dma_wait3A_267 = arith.constant 0 : i32
    %dma_wait3A_268 = arith.constant 0 : i32
    %dma_wait3A_269 = tpu.memref_slice %arg8[%dma_wait3A_267, %dma_wait3A_268] : memref<128x128xf32, #tpu.memory_space<vmem>> -> memref<128x128xf32, #tpu.memory_space<vmem>>
    %dma_wait3A_270 = arith.constant 0 : i32
    %dma_wait3A_271 = tpu.memref_slice %arg5[%arg0, %add3A_202, %dma_wait3A_270] : memref<2x10112x128xf32, #tpu.memory_space<hbm>> -> memref<1x128x128xf32, #tpu.memory_space<hbm>>
    %dma_wait3A_272 = tpu.memref_squeeze %dma_wait3A_271 : memref<1x128x128xf32, #tpu.memory_space<hbm>> -> memref<128x128xf32, #tpu.memory_space<hbm>>
    %dma_wait3A_273 = arith.constant 0 : i32
    %dma_wait3A_274 = tpu.memref_slice %arg5[%arg0, %add3A_202, %dma_wait3A_273] : memref<2x10112x128xf32, #tpu.memory_space<hbm>> -> memref<1x128x128xf32, #tpu.memory_space<hbm>>
    %dma_wait3A_275 = tpu.memref_squeeze %dma_wait3A_274 : memref<1x128x128xf32, #tpu.memory_space<hbm>> -> memref<128x128xf32, #tpu.memory_space<hbm>>
    %dma_wait3A_276 = arith.constant 0 : i32
    %dma_wait3A_277 = arith.constant 0 : i32
    %dma_wait3A_278 = tpu.memref_slice %arg8[%dma_wait3A_276, %dma_wait3A_277] : memref<128x128xf32, #tpu.memory_space<vmem>> -> memref<128x128xf32, #tpu.memory_space<vmem>>
    tpu.wait_dma2 semaphore(%arg12 : memref<!tpu.dma_semaphore, #tpu.memory_space<semaphore_mem>>) src(%dma_wait3A_278 : memref<128x128xf32, #tpu.memory_space<vmem>>) dst(%dma_wait3A_275 : memref<128x128xf32, #tpu.memory_space<hbm>>)
    %mul3A_279 = arith.constant 632 : i32
    %mul3A_280 = arith.muli %arg1, %mul3A_279 : i32
    %add3A_281 = arith.constant 512 : i32
    %add3A_282 = arith.addi %mul3A_280, %add3A_281 : i32
    %dma_start3A_283 = arith.constant 0 : i32
    %dma_start3A_284 = arith.constant 0 : i32
    %dma_start3A_285 = tpu.memref_slice %arg8[%dma_start3A_283, %dma_start3A_284] : memref<128x128xf32, #tpu.memory_space<vmem>> -> memref<120x128xf32, #tpu.memory_space<vmem>>
    %dma_start3A_286 = arith.constant 0 : i32
    %dma_start3A_287 = tpu.memref_slice %arg10[%add3A_282, %dma_start3A_286] : memref<10112x128xf32, #tpu.memory_space<vmem_shared>> -> memref<120x128xf32, #tpu.memory_space<vmem_shared>>
    %dma_start3A_288 = arith.constant 0 : i32
    %dma_start3A_289 = arith.constant 0 : i32
    %dma_start3A_290 = tpu.memref_slice %arg8[%dma_start3A_288, %dma_start3A_289] : memref<128x128xf32, #tpu.memory_space<vmem>> -> memref<120x128xf32, #tpu.memory_space<vmem>>
    %dma_start3A_291 = arith.constant 0 : i32
    %dma_start3A_292 = tpu.memref_slice %arg10[%add3A_282, %dma_start3A_291] : memref<10112x128xf32, #tpu.memory_space<vmem_shared>> -> memref<120x128xf32, #tpu.memory_space<vmem_shared>>
    tpu.enqueue_dma source(%dma_start3A_292 : memref<120x128xf32, #tpu.memory_space<vmem_shared>>) target(%dma_start3A_290 : memref<120x128xf32, #tpu.memory_space<vmem>>) target_semaphore(%arg11 : memref<!tpu.dma_semaphore, #tpu.memory_space<semaphore_mem>>)
    %dma_wait3A_293 = arith.constant 0 : i32
    %dma_wait3A_294 = arith.constant 0 : i32
    %dma_wait3A_295 = tpu.memref_slice %arg8[%dma_wait3A_293, %dma_wait3A_294] : memref<128x128xf32, #tpu.memory_space<vmem>> -> memref<120x128xf32, #tpu.memory_space<vmem>>
    %dma_wait3A_296 = arith.constant 0 : i32
    %dma_wait3A_297 = tpu.memref_slice %arg10[%add3A_282, %dma_wait3A_296] : memref<10112x128xf32, #tpu.memory_space<vmem_shared>> -> memref<120x128xf32, #tpu.memory_space<vmem_shared>>
    %dma_wait3A_298 = arith.constant 0 : i32
    %dma_wait3A_299 = arith.constant 0 : i32
    %dma_wait3A_300 = tpu.memref_slice %arg8[%dma_wait3A_298, %dma_wait3A_299] : memref<128x128xf32, #tpu.memory_space<vmem>> -> memref<120x128xf32, #tpu.memory_space<vmem>>
    %dma_wait3A_301 = arith.constant 0 : i32
    %dma_wait3A_302 = tpu.memref_slice %arg10[%add3A_282, %dma_wait3A_301] : memref<10112x128xf32, #tpu.memory_space<vmem_shared>> -> memref<120x128xf32, #tpu.memory_space<vmem_shared>>
    tpu.wait_dma2 semaphore(%arg11 : memref<!tpu.dma_semaphore, #tpu.memory_space<semaphore_mem>>) src(%dma_wait3A_302 : memref<120x128xf32, #tpu.memory_space<vmem_shared>>) dst(%dma_wait3A_300 : memref<120x128xf32, #tpu.memory_space<vmem>>)
    %mul3A_303 = arith.constant 632 : i32
    %mul3A_304 = arith.muli %arg1, %mul3A_303 : i32
    %add3A_305 = arith.constant 512 : i32
    %add3A_306 = arith.addi %mul3A_304, %add3A_305 : i32
    %dma_start3A_307 = arith.constant 0 : i32
    %dma_start3A_308 = arith.constant 0 : i32
    %dma_start3A_309 = tpu.memref_slice %arg8[%dma_start3A_307, %dma_start3A_308] : memref<128x128xf32, #tpu.memory_space<vmem>> -> memref<120x128xf32, #tpu.memory_space<vmem>>
    %dma_start3A_310 = arith.constant 0 : i32
    %dma_start3A_311 = tpu.memref_slice %arg5[%arg0, %add3A_306, %dma_start3A_310] : memref<2x10112x128xf32, #tpu.memory_space<hbm>> -> memref<1x120x128xf32, #tpu.memory_space<hbm>>
    %dma_start3A_312 = tpu.memref_squeeze %dma_start3A_311 : memref<1x120x128xf32, #tpu.memory_space<hbm>> -> memref<120x128xf32, #tpu.memory_space<hbm>>
    %dma_start3A_313 = arith.constant 0 : i32
    %dma_start3A_314 = tpu.memref_slice %arg5[%arg0, %add3A_306, %dma_start3A_313] : memref<2x10112x128xf32, #tpu.memory_space<hbm>> -> memref<1x120x128xf32, #tpu.memory_space<hbm>>
    %dma_start3A_315 = tpu.memref_squeeze %dma_start3A_314 : memref<1x120x128xf32, #tpu.memory_space<hbm>> -> memref<120x128xf32, #tpu.memory_space<hbm>>
    %dma_start3A_316 = arith.constant 0 : i32
    %dma_start3A_317 = arith.constant 0 : i32
    %dma_start3A_318 = tpu.memref_slice %arg8[%dma_start3A_316, %dma_start3A_317] : memref<128x128xf32, #tpu.memory_space<vmem>> -> memref<120x128xf32, #tpu.memory_space<vmem>>
    tpu.enqueue_dma source(%dma_start3A_318 : memref<120x128xf32, #tpu.memory_space<vmem>>) target(%dma_start3A_315 : memref<120x128xf32, #tpu.memory_space<hbm>>) target_semaphore(%arg12 : memref<!tpu.dma_semaphore, #tpu.memory_space<semaphore_mem>>)
    %dma_wait3A_319 = arith.constant 0 : i32
    %dma_wait3A_320 = arith.constant 0 : i32
    %dma_wait3A_321 = tpu.memref_slice %arg8[%dma_wait3A_319, %dma_wait3A_320] : memref<128x128xf32, #tpu.memory_space<vmem>> -> memref<120x128xf32, #tpu.memory_space<vmem>>
    %dma_wait3A_322 = arith.constant 0 : i32
    %dma_wait3A_323 = tpu.memref_slice %arg5[%arg0, %add3A_306, %dma_wait3A_322] : memref<2x10112x128xf32, #tpu.memory_space<hbm>> -> memref<1x120x128xf32, #tpu.memory_space<hbm>>
    %dma_wait3A_324 = tpu.memref_squeeze %dma_wait3A_323 : memref<1x120x128xf32, #tpu.memory_space<hbm>> -> memref<120x128xf32, #tpu.memory_space<hbm>>
    %dma_wait3A_325 = arith.constant 0 : i32
    %dma_wait3A_326 = tpu.memref_slice %arg5[%arg0, %add3A_306, %dma_wait3A_325] : memref<2x10112x128xf32, #tpu.memory_space<hbm>> -> memref<1x120x128xf32, #tpu.memory_space<hbm>>
    %dma_wait3A_327 = tpu.memref_squeeze %dma_wait3A_326 : memref<1x120x128xf32, #tpu.memory_space<hbm>> -> memref<120x128xf32, #tpu.memory_space<hbm>>
    %dma_wait3A_328 = arith.constant 0 : i32
    %dma_wait3A_329 = arith.constant 0 : i32
    %dma_wait3A_330 = tpu.memref_slice %arg8[%dma_wait3A_328, %dma_wait3A_329] : memref<128x128xf32, #tpu.memory_space<vmem>> -> memref<120x128xf32, #tpu.memory_space<vmem>>
    tpu.wait_dma2 semaphore(%arg12 : memref<!tpu.dma_semaphore, #tpu.memory_space<semaphore_mem>>) src(%dma_wait3A_330 : memref<120x128xf32, #tpu.memory_space<vmem>>) dst(%dma_wait3A_327 : memref<120x128xf32, #tpu.memory_space<hbm>>)
    %dma_wait3A_331 = arith.constant 0 : i32
    %dma_wait3A_332 = arith.constant 0 : i32
    %dma_wait3A_333 = tpu.memref_slice %arg9[%dma_wait3A_331, %dma_wait3A_332] : memref<128x128xf32, #tpu.memory_space<vmem>> -> memref<128x128xf32, #tpu.memory_space<vmem>>
    %dma_wait3A_334 = arith.constant 0 : i32
    %dma_wait3A_335 = tpu.memref_slice %arg5[%arg0, %add3A_254, %dma_wait3A_334] : memref<2x10112x128xf32, #tpu.memory_space<hbm>> -> memref<1x128x128xf32, #tpu.memory_space<hbm>>
    %dma_wait3A_336 = tpu.memref_squeeze %dma_wait3A_335 : memref<1x128x128xf32, #tpu.memory_space<hbm>> -> memref<128x128xf32, #tpu.memory_space<hbm>>
    %dma_wait3A_337 = arith.constant 0 : i32
    %dma_wait3A_338 = tpu.memref_slice %arg5[%arg0, %add3A_254, %dma_wait3A_337] : memref<2x10112x128xf32, #tpu.memory_space<hbm>> -> memref<1x128x128xf32, #tpu.memory_space<hbm>>
    %dma_wait3A_339 = tpu.memref_squeeze %dma_wait3A_338 : memref<1x128x128xf32, #tpu.memory_space<hbm>> -> memref<128x128xf32, #tpu.memory_space<hbm>>
    %dma_wait3A_340 = arith.constant 0 : i32
    %dma_wait3A_341 = arith.constant 0 : i32
    %dma_wait3A_342 = tpu.memref_slice %arg9[%dma_wait3A_340, %dma_wait3A_341] : memref<128x128xf32, #tpu.memory_space<vmem>> -> memref<128x128xf32, #tpu.memory_space<vmem>>
    tpu.wait_dma2 semaphore(%arg12 : memref<!tpu.dma_semaphore, #tpu.memory_space<semaphore_mem>>) src(%dma_wait3A_342 : memref<128x128xf32, #tpu.memory_space<vmem>>) dst(%dma_wait3A_339 : memref<128x128xf32, #tpu.memory_space<hbm>>)
    return
  }
}

module attributes {stable_mosaic.version = 14 : i64} {
  func.func @_prep_body(%arg0: memref<10112x128xf32, #tpu.memory_space<vmem>>, %arg1: memref<128x128xf32, #tpu.memory_space<vmem>>, %arg2: memref<128xf32, #tpu.memory_space<vmem>>, %arg3: memref<2x10112xf32, #tpu.memory_space<vmem>>, %arg4: memref<10112x128xf32, #tpu.memory_space<vmem>>, %arg5: memref<10112x128xf32, #tpu.memory_space<vmem>>) attributes {dimension_semantics = [], scalar_prefetch = 0 : i64, scratch_operands = 0 : i64, tpu.core_type = #tpu.core_type<tc>} {
    %get3A = arith.constant 0 : index
    %get3A_0 = arith.constant 0 : index
    %get3A_1 = vector.load %arg3[%get3A, %get3A_0] : memref<2x10112xf32, #tpu.memory_space<vmem>>, vector<1x10112xf32>
    %get3A_2 = vector.shape_cast %get3A_1 : vector<1x10112xf32> to vector<10112xf32>
    %add3A = arith.constant 1.000000e+00 : f32
    %add3A_3 = vector.broadcast %add3A : f32 to vector<10112xf32>
    %add3A_4 = arith.addf %add3A_3, %get3A_2 : vector<10112xf32>
    %get3A_5 = arith.constant 1 : index
    %get3A_6 = arith.constant 0 : index
    %get3A_7 = vector.load %arg3[%get3A_5, %get3A_6] : memref<2x10112xf32, #tpu.memory_space<vmem>>, vector<1x10112xf32>
    %get3A_8 = vector.shape_cast %get3A_7 : vector<1x10112xf32> to vector<10112xf32>
    %add3A_9 = arith.addf %add3A_4, %get3A_8 : vector<10112xf32>
    %rsqrt3A = math.rsqrt %add3A_9 : vector<10112xf32>
    %get3A_10 = arith.constant 0 : index
    %get3A_11 = arith.constant 0 : index
    %get3A_12 = vector.load %arg0[%get3A_10, %get3A_11] : memref<10112x128xf32, #tpu.memory_space<vmem>>, vector<10112x128xf32>
    %get3A_13 = arith.constant 0 : index
    %get3A_14 = arith.constant 0 : index
    %get3A_15 = vector.load %arg1[%get3A_13, %get3A_14] : memref<128x128xf32, #tpu.memory_space<vmem>>, vector<128x128xf32>
    %dot_general3A = arith.constant dense<0.000000e+00> : vector<10112x128xf32>
    %dot_general3A_16 = tpu.matmul %get3A_12, %get3A_15, %dot_general3A {dimension_numbers = #tpu.dot_dimension_numbers<[1], [0], [0], [1], [0, 0, 1, 1], [], []>, transpose_lhs_hint = false} : vector<10112x128xf32>, vector<128x128xf32>, vector<10112x128xf32> -> vector<10112x128xf32>
    %broadcast_in_dim3A = vector.shape_cast %rsqrt3A : vector<10112xf32> to vector<10112x1xf32>
    %mul3A = vector.broadcast %broadcast_in_dim3A : vector<10112x1xf32> to vector<10112x128xf32>
    %mul3A_17 = arith.mulf %dot_general3A_16, %mul3A : vector<10112x128xf32>
    %swap3A = arith.constant 0 : index
    %swap3A_18 = arith.constant 0 : index
    %swap3A_19 = vector.load %arg4[%swap3A, %swap3A_18] : memref<10112x128xf32, #tpu.memory_space<vmem>>, vector<10112x128xf32>
    tpu.vector_store %arg4[%swap3A, %swap3A_18], %mul3A_17 {strides = array<i32>} : memref<10112x128xf32, #tpu.memory_space<vmem>>, vector<10112x128xf32>,
    %div3A = arith.constant 1.000000e+00 : f32
    %div3A_20 = vector.broadcast %div3A : f32 to vector<10112xf32>
    %div3A_21 = arith.divf %div3A_20, %add3A_9 : vector<10112xf32>
    %broadcast_in_dim3A_22 = vector.shape_cast %div3A_21 : vector<10112xf32> to vector<10112x1xf32>
    %mul3A_23 = vector.broadcast %broadcast_in_dim3A_22 : vector<10112x1xf32> to vector<10112x128xf32>
    %mul3A_24 = arith.mulf %dot_general3A_16, %mul3A_23 : vector<10112x128xf32>
    %get3A_25 = arith.constant 0 : index
    %get3A_26 = vector.load %arg2[%get3A_25] : memref<128xf32, #tpu.memory_space<vmem>>, vector<128xf32>
    %broadcast_in_dim3A_27 = vector.shape_cast %get3A_26 : vector<128xf32> to vector<1x128xf32>
    %add3A_28 = vector.broadcast %broadcast_in_dim3A_27 : vector<1x128xf32> to vector<10112x128xf32>
    %add3A_29 = arith.addf %mul3A_24, %add3A_28 : vector<10112x128xf32>
    %swap3A_30 = arith.constant 0 : index
    %swap3A_31 = arith.constant 0 : index
    %swap3A_32 = vector.load %arg5[%swap3A_30, %swap3A_31] : memref<10112x128xf32, #tpu.memory_space<vmem>>, vector<10112x128xf32>
    tpu.vector_store %arg5[%swap3A_30, %swap3A_31], %add3A_29 {strides = array<i32>} : memref<10112x128xf32, #tpu.memory_space<vmem>>, vector<10112x128xf32>,
    return
  }
}

module attributes {stable_mosaic.version = 14 : i64} {
  func.func @_mid_body(%arg0: memref<2x10112x128xf32, #tpu.memory_space<vmem>>, %arg1: memref<10112x128xf32, #tpu.memory_space<vmem>>, %arg2: memref<2x10112xf32, #tpu.memory_space<vmem>>, %arg3: memref<128x128xf32, #tpu.memory_space<vmem>>, %arg4: memref<128xf32, #tpu.memory_space<vmem>>, %arg5: memref<10112x128xf32, #tpu.memory_space<vmem>>, %arg6: memref<10112x128xf32, #tpu.memory_space<vmem>>) attributes {dimension_semantics = [], scalar_prefetch = 0 : i64, scratch_operands = 0 : i64, tpu.core_type = #tpu.core_type<tc>} {
    %get3A = arith.constant 0 : index
    %get3A_0 = arith.constant 0 : index
    %get3A_1 = vector.load %arg2[%get3A, %get3A_0] : memref<2x10112xf32, #tpu.memory_space<vmem>>, vector<1x10112xf32>
    %get3A_2 = vector.shape_cast %get3A_1 : vector<1x10112xf32> to vector<10112xf32>
    %add3A = arith.constant 1.000000e+00 : f32
    %add3A_3 = vector.broadcast %add3A : f32 to vector<10112xf32>
    %add3A_4 = arith.addf %add3A_3, %get3A_2 : vector<10112xf32>
    %get3A_5 = arith.constant 1 : index
    %get3A_6 = arith.constant 0 : index
    %get3A_7 = vector.load %arg2[%get3A_5, %get3A_6] : memref<2x10112xf32, #tpu.memory_space<vmem>>, vector<1x10112xf32>
    %get3A_8 = vector.shape_cast %get3A_7 : vector<1x10112xf32> to vector<10112xf32>
    %add3A_9 = arith.addf %add3A_4, %get3A_8 : vector<10112xf32>
    %rsqrt3A = math.rsqrt %add3A_9 : vector<10112xf32>
    %broadcast_in_dim3A = vector.shape_cast %rsqrt3A : vector<10112xf32> to vector<10112x1xf32>
    %get3A_10 = arith.constant 0 : index
    %get3A_11 = arith.constant 0 : index
    %get3A_12 = arith.constant 0 : index
    %get3A_13 = vector.load %arg0[%get3A_10, %get3A_11, %get3A_12] : memref<2x10112x128xf32, #tpu.memory_space<vmem>>, vector<1x10112x128xf32>
    %get3A_14 = vector.shape_cast %get3A_13 : vector<1x10112x128xf32> to vector<10112x128xf32>
    %get3A_15 = arith.constant 1 : index
    %get3A_16 = arith.constant 0 : index
    %get3A_17 = arith.constant 0 : index
    %get3A_18 = vector.load %arg0[%get3A_15, %get3A_16, %get3A_17] : memref<2x10112x128xf32, #tpu.memory_space<vmem>>, vector<1x10112x128xf32>
    %get3A_19 = vector.shape_cast %get3A_18 : vector<1x10112x128xf32> to vector<10112x128xf32>
    %add3A_20 = arith.addf %get3A_14, %get3A_19 : vector<10112x128xf32>
    %mul3A = vector.broadcast %broadcast_in_dim3A : vector<10112x1xf32> to vector<10112x128xf32>
    %mul3A_21 = arith.mulf %mul3A, %add3A_20 : vector<10112x128xf32>
    %get3A_22 = arith.constant 0 : index
    %get3A_23 = arith.constant 0 : index
    %get3A_24 = vector.load %arg1[%get3A_22, %get3A_23] : memref<10112x128xf32, #tpu.memory_space<vmem>>, vector<10112x128xf32>
    %add3A_25 = arith.addf %mul3A_21, %get3A_24 : vector<10112x128xf32>
    %max3A = arith.constant 0.000000e+00 : f32
    %max3A_26 = vector.broadcast %max3A : f32 to vector<10112x128xf32>
    %max3A_27 = arith.maximumf %add3A_25, %max3A_26 : vector<10112x128xf32>
    %get3A_28 = arith.constant 0 : index
    %get3A_29 = arith.constant 0 : index
    %get3A_30 = vector.load %arg3[%get3A_28, %get3A_29] : memref<128x128xf32, #tpu.memory_space<vmem>>, vector<128x128xf32>
    %dot_general3A = arith.constant dense<0.000000e+00> : vector<10112x128xf32>
    %dot_general3A_31 = tpu.matmul %max3A_27, %get3A_30, %dot_general3A {dimension_numbers = #tpu.dot_dimension_numbers<[1], [0], [0], [1], [0, 0, 1, 1], [], []>, transpose_lhs_hint = false} : vector<10112x128xf32>, vector<128x128xf32>, vector<10112x128xf32> -> vector<10112x128xf32>
    %broadcast_in_dim3A_32 = vector.shape_cast %rsqrt3A : vector<10112xf32> to vector<10112x1xf32>
    %mul3A_33 = vector.broadcast %broadcast_in_dim3A_32 : vector<10112x1xf32> to vector<10112x128xf32>
    %mul3A_34 = arith.mulf %dot_general3A_31, %mul3A_33 : vector<10112x128xf32>
    %swap3A = arith.constant 0 : index
    %swap3A_35 = arith.constant 0 : index
    %swap3A_36 = vector.load %arg5[%swap3A, %swap3A_35] : memref<10112x128xf32, #tpu.memory_space<vmem>>, vector<10112x128xf32>
    tpu.vector_store %arg5[%swap3A, %swap3A_35], %mul3A_34 {strides = array<i32>} : memref<10112x128xf32, #tpu.memory_space<vmem>>, vector<10112x128xf32>,
    %div3A = arith.constant 1.000000e+00 : f32
    %div3A_37 = vector.broadcast %div3A : f32 to vector<10112xf32>
    %div3A_38 = arith.divf %div3A_37, %add3A_9 : vector<10112xf32>
    %broadcast_in_dim3A_39 = vector.shape_cast %div3A_38 : vector<10112xf32> to vector<10112x1xf32>
    %mul3A_40 = vector.broadcast %broadcast_in_dim3A_39 : vector<10112x1xf32> to vector<10112x128xf32>
    %mul3A_41 = arith.mulf %dot_general3A_31, %mul3A_40 : vector<10112x128xf32>
    %get3A_42 = arith.constant 0 : index
    %get3A_43 = vector.load %arg4[%get3A_42] : memref<128xf32, #tpu.memory_space<vmem>>, vector<128xf32>
    %broadcast_in_dim3A_44 = vector.shape_cast %get3A_43 : vector<128xf32> to vector<1x128xf32>
    %add3A_45 = vector.broadcast %broadcast_in_dim3A_44 : vector<1x128xf32> to vector<10112x128xf32>
    %add3A_46 = arith.addf %mul3A_41, %add3A_45 : vector<10112x128xf32>
    %swap3A_47 = arith.constant 0 : index
    %swap3A_48 = arith.constant 0 : index
    %swap3A_49 = vector.load %arg6[%swap3A_47, %swap3A_48] : memref<10112x128xf32, #tpu.memory_space<vmem>>, vector<10112x128xf32>
    tpu.vector_store %arg6[%swap3A_47, %swap3A_48], %add3A_46 {strides = array<i32>} : memref<10112x128xf32, #tpu.memory_space<vmem>>, vector<10112x128xf32>,
    return
  }
}

module attributes {stable_mosaic.version = 14 : i64} {
  func.func @_final_body(%arg0: memref<2x10112x128xf32, #tpu.memory_space<vmem>>, %arg1: memref<10112x128xf32, #tpu.memory_space<vmem>>, %arg2: memref<2x10112xf32, #tpu.memory_space<vmem>>, %arg3: memref<10112x128xf32, #tpu.memory_space<vmem>>) attributes {dimension_semantics = [], scalar_prefetch = 0 : i64, scratch_operands = 0 : i64, tpu.core_type = #tpu.core_type<tc>} {
    %get3A = arith.constant 0 : index
    %get3A_0 = arith.constant 0 : index
    %get3A_1 = vector.load %arg2[%get3A, %get3A_0] : memref<2x10112xf32, #tpu.memory_space<vmem>>, vector<1x10112xf32>
    %get3A_2 = vector.shape_cast %get3A_1 : vector<1x10112xf32> to vector<10112xf32>
    %add3A = arith.constant 1.000000e+00 : f32
    %add3A_3 = vector.broadcast %add3A : f32 to vector<10112xf32>
    %add3A_4 = arith.addf %add3A_3, %get3A_2 : vector<10112xf32>
    %get3A_5 = arith.constant 1 : index
    %get3A_6 = arith.constant 0 : index
    %get3A_7 = vector.load %arg2[%get3A_5, %get3A_6] : memref<2x10112xf32, #tpu.memory_space<vmem>>, vector<1x10112xf32>
    %get3A_8 = vector.shape_cast %get3A_7 : vector<1x10112xf32> to vector<10112xf32>
    %add3A_9 = arith.addf %add3A_4, %get3A_8 : vector<10112xf32>
    %rsqrt3A = math.rsqrt %add3A_9 : vector<10112xf32>
    %broadcast_in_dim3A = vector.shape_cast %rsqrt3A : vector<10112xf32> to vector<10112x1xf32>
    %get3A_10 = arith.constant 0 : index
    %get3A_11 = arith.constant 0 : index
    %get3A_12 = arith.constant 0 : index
    %get3A_13 = vector.load %arg0[%get3A_10, %get3A_11, %get3A_12] : memref<2x10112x128xf32, #tpu.memory_space<vmem>>, vector<1x10112x128xf32>
    %get3A_14 = vector.shape_cast %get3A_13 : vector<1x10112x128xf32> to vector<10112x128xf32>
    %get3A_15 = arith.constant 1 : index
    %get3A_16 = arith.constant 0 : index
    %get3A_17 = arith.constant 0 : index
    %get3A_18 = vector.load %arg0[%get3A_15, %get3A_16, %get3A_17] : memref<2x10112x128xf32, #tpu.memory_space<vmem>>, vector<1x10112x128xf32>
    %get3A_19 = vector.shape_cast %get3A_18 : vector<1x10112x128xf32> to vector<10112x128xf32>
    %add3A_20 = arith.addf %get3A_14, %get3A_19 : vector<10112x128xf32>
    %mul3A = vector.broadcast %broadcast_in_dim3A : vector<10112x1xf32> to vector<10112x128xf32>
    %mul3A_21 = arith.mulf %mul3A, %add3A_20 : vector<10112x128xf32>
    %get3A_22 = arith.constant 0 : index
    %get3A_23 = arith.constant 0 : index
    %get3A_24 = vector.load %arg1[%get3A_22, %get3A_23] : memref<10112x128xf32, #tpu.memory_space<vmem>>, vector<10112x128xf32>
    %add3A_25 = arith.addf %mul3A_21, %get3A_24 : vector<10112x128xf32>
    %swap3A = arith.constant 0 : index
    %swap3A_26 = arith.constant 0 : index
    %swap3A_27 = vector.load %arg3[%swap3A, %swap3A_26] : memref<10112x128xf32, #tpu.memory_space<vmem>>, vector<10112x128xf32>
    tpu.vector_store %arg3[%swap3A, %swap3A_26], %add3A_25 {strides = array<i32>} : memref<10112x128xf32, #tpu.memory_space<vmem>>, vector<10112x128xf32>,
    return
  }
}

</mosaic_0001>

<sc_bundles>
// kernel: kernel.11.cloned.1.call-start
scs
__scs_entry_jumppad:
0x0: {  	(pc) =	sbr.rel $0x88, $3  }
0x1: {  	(tag) =	ssettag $0x0;
	lr =	simm.s32 $0x1  }
0x2: {  	[smem:$0x3F9B] =	sst lr;
	_ =	strace $0xD0000000  }
0x3: {  	_ = 	snop  }
0x4: {  	_ = 	snop  }
0x5: {  	_ = 	snop  }
0x6: {  	_ = 	snop  }
0x7: {  	_ = 	snop  }
__scs_overlays_trampoline_lowered:
0x8: {  	[smem:$0x3FAA] =	sst s0  }
0x9: {  	[smem:$0x3FAB] =	sst s1  }
0xa: {  	[smem:$0x3FAC] =	sst s2  }
0xb: {  	[smem:$0x3FAD] =	sst s3  }
0xc: {  	[smem:$0x3FAE] =	sst s4  }
0xd: {  	[smem:$0x3FAF] =	sst s5  }
0xe: {  	[smem:$0x3FB0] =	sst s6  }
0xf: {  	[smem:$0x3FB1] =	sst s7  }
0x10: {  	[smem:$0x3FB2] =	sst s8  }
0x11: {  	[smem:$0x3FB3] =	sst s9;
	s0 =	simm.s32 @!p0 $0x0  }
0x12: {  	s1 =	sld [smem:$0x3F99];
	s0 =	simm.s32 @p0 $0x1  }
0x13: {  	[smem:$0x3FB4] =	sst s0;
	s0 =	simm.s32 @!p1 $0x0  }
0x14: {  	s2 =	sld [smem:$0x3F98];
	s0 =	simm.s32 @p1 $0x1  }
0x15: {  	[smem:$0x3FB5] =	sst s0;
	s0 =	simm.s32 @!p2 $0x0  }
0x16: {  	s3 =	sld [smem:$0x3FDB];
	s0 =	simm.s32 @p2 $0x1  }
0x17: {  	s4 =	simm.s32 $0x1BF5;
	[smem:$0x3FB7] =	sst s0  }
0x18: {  	s0 =	sld [smem:$0x3F9A];
	_ =	swait.ge [sflag:s4], $0x0  }
0x19: {  	s7 =	sld [smem:$0x3F9B]  }
0x1a: {  	s8 =	sadd.s32 $0xFFFFE003, lr  }
0x1b: {  	s9 =	sadd.s32 $0xFFFFFEF7, lr;
	s5 =	simm.s32 $0xFFFFFFFF;
	p2 =	slt.u32 s8, $0xFFFFF086  }
0x1c: {  	p1 =	slt.u32 s9, $0xF7A;
	s5 =	simm.s32 @!p2 $0x0  }
0x1d: {  	s5 =	simm.s32 @p1 $0x1;
	p0 =	seq.s32 s7, s2  }
0x1e: {  	s7 =	smul.u32 @!p0 $0xF7A, s2;
	p2 =	seq.s32 @!p0 s5, $0x0  }
0x1f: {  	s9 =	smul.u32 $0xF7A, s1;
	s8 =	simm.s32 @!p0 $0x1BF5;
	p2 =	por !p2, p0  }
0x20: {  	[sflag:s8] =	ssyncset.s32 @!p0 $0xFFFFF086;
	s6 =	sadd.s32 @!p0 s3, s7;
	s7 =	simm.s32 @!p0 $0x108  }
0x21: {  	s3 =	sadd.s32 s3, s9;
	s6 =	sadd.s32 @!p0 $0x88, s6;
	s7 =	simm.s32 @p2 $0x1082  }
0x22: {  	[simem:s7], [sflag:s8] =	dma.local @!p0 [hbm:s6], $0xF7A  }
0x23: {  	s9 =	sor.u32 $0xD0000000, s2;
	s6 =	simm.s32 $0x108;
	_ =	swait.ge @!p0 [sflag:s8], $0x0  }
0x24: {  	s3 =	sadd.s32 $0x88, s3;
	s6 =	simm.s32 @!p1 $0x1082;
	[sflag:s4] =	ssyncset.s32 $0xFFFFF086  }
0x25: {  	[simem:s6], [sflag:s4] =	dma.local [hbm:s3], $0xF7A  }
0x26: {  	[smem:$0x3F9B] =	sst s1;
	(tag) =	ssettag s2;
	_ =	strace s9  }
0x27: {  	s1 =	sld [smem:$0x3FAB]  }
0x28: {  	s2 =	sld [smem:$0x3FAC]  }
0x29: {  	s4 =	sld [smem:$0x3FAE]  }
0x2a: {  	p0 =	seq.s32 s5, $0x0;
	s5 =	sld [smem:$0x3FAF]  }
0x2b: {  	s6 =	sld [smem:$0x3FB0]  }
0x2c: {  	s7 =	sld [smem:$0x3FB1]  }
0x2d: {  	s3 =	simm.s32 $0x108;
	s8 =	sld [smem:$0x3FB2]  }
0x2e: {  	s3 =	simm.s32 @!p0 $0x1082;
	s9 =	sld [smem:$0x3FB3]  }
0x2f: {  	lr =	sadd.s32 s0, s3;
	s0 =	sld [smem:$0x3FAA]  }
0x30: {  	s3 =	sld [smem:$0x3FAD]  }
0x31: {  	[smem:$0x3FB6] =	sst s10  }
0x32: {  	s10 =	sld [smem:$0x3FB4];
	_ =	sdelay $0x3  }
0x33: {  	p0 =	seq.s32 s10, $0x1;
	s10 =	sld [smem:$0x3FB6];
	_ =	sdelay $0x3  }
0x34: {  	[smem:$0x3FB6] =	sst s10  }
0x35: {  	s10 =	sld [smem:$0x3FB5];
	_ =	sdelay $0x3  }
0x36: {  	p1 =	seq.s32 s10, $0x1;
	s10 =	sld [smem:$0x3FB6];
	_ =	sdelay $0x3  }
0x37: {  	[smem:$0x3FB6] =	sst s10  }
0x38: {  	s10 =	sld [smem:$0x3FB7]  }
0x39: {  	_ = 	snop;
	(pc) =	sbr.ind lr, $3  }
0x3a: {  	_ = 	snop  }
0x3b: {  	_ = 	snop  }
0x3c: {  	p2 =	seq.s32 s10, $0x1;
	s10 =	sld [smem:$0x3FB6]  }
0x3d: {  	_ =	shalt  }
0x3e: {  	_ =	shalt  }
0x3f: {  	_ =	shalt  }
0x40: {  	_ =	shalt  }
0x41: {  	_ =	shalt  }
0x42: {  	_ =	shalt  }
0x43: {  	_ =	shalt  }
0x44: {  	_ =	shalt  }
0x45: {  	_ =	shalt  }
0x46: {  	_ =	shalt  }
0x47: {  	_ =	shalt  }
0x48: {  	_ =	shalt  }
0x49: {  	_ =	shalt  }
0x4a: {  	_ =	shalt  }
0x4b: {  	_ =	shalt  }
0x4c: {  	_ =	shalt  }
0x4d: {  	_ =	shalt  }
0x4e: {  	_ =	shalt  }
0x4f: {  	_ =	shalt  }
0x50: {  	_ =	shalt  }
0x51: {  	_ =	shalt  }
0x52: {  	_ =	shalt  }
0x53: {  	_ =	shalt  }
0x54: {  	_ =	shalt  }
0x55: {  	_ =	shalt  }
0x56: {  	_ =	shalt  }
0x57: {  	_ =	shalt  }
0x58: {  	_ =	shalt  }
0x59: {  	_ =	shalt  }
0x5a: {  	_ =	shalt  }
0x5b: {  	_ =	shalt  }
0x5c: {  	_ =	shalt  }
0x5d: {  	_ =	shalt  }
0x5e: {  	_ =	shalt  }
0x5f: {  	_ =	shalt  }
0x60: {  	_ =	shalt  }
0x61: {  	_ =	shalt  }
0x62: {  	_ =	shalt  }
0x63: {  	_ =	shalt  }
0x64: {  	_ =	shalt  }
0x65: {  	_ =	shalt  }
0x66: {  	_ =	shalt  }
0x67: {  	_ =	shalt  }
0x68: {  	_ =	shalt  }
0x69: {  	_ =	shalt  }
0x6a: {  	_ =	shalt  }
0x6b: {  	_ =	shalt  }
0x6c: {  	_ =	shalt  }
0x6d: {  	_ =	shalt  }
0x6e: {  	_ =	shalt  }
0x6f: {  	_ =	shalt  }
0x70: {  	_ =	shalt  }
0x71: {  	_ =	shalt  }
0x72: {  	_ =	shalt  }
0x73: {  	_ =	shalt  }
0x74: {  	_ =	shalt  }
0x75: {  	_ =	shalt  }
0x76: {  	_ =	shalt  }
0x77: {  	_ =	shalt  }
0x78: {  	_ =	shalt  }
0x79: {  	_ =	shalt  }
0x7a: {  	_ =	shalt  }
0x7b: {  	_ =	shalt  }
0x7c: {  	_ =	shalt  }
0x7d: {  	_ =	shalt  }
0x7e: {  	_ =	shalt  }
0x7f: {  	_ =	shalt  }
0x80: {  	_ =	shalt  }
0x81: {  	_ =	shalt  }
0x82: {  	_ =	shalt  }
0x83: {  	_ =	shalt  }
0x84: {  	_ =	shalt  }
0x85: {  	_ =	shalt  }
0x86: {  	_ =	shalt  }
0x87: {  	_ =	shalt  }
.Lfunc_end0:
.L_simem_size_0:
called_computation.1_lowered:
.L_overlay_start_0:
0x88: {  	s2 =	sld [smem:$0x3FD9]  }
0x89: {  	s3 =	sld [smem:$0x3FFE];
	_ =	sdelay $0x1  }
0x8a: {  	s1 =	srdreg.scid  }
0x8b: {  	s0 =	sand.u32 $0x1, s1  }
0x8c: {  	s17 =	sshll.u32 s0, $0xA;
	s2 =	sadd.s32 s3, s2  }
0x8d: {  	s2 =	sadd.s32 s2, s17  }
0x8e: {  	[smem:$0x3FC2] =	sst s2  }
0x8f: {  	_ = 	snop  }
0x90: {  	s2 =	sld [smem:$0x3FD0];
	(tm) =	ssettm $0x1  }
0x91: {  	s18 =	sld [smem:$0x3FFB];
	_ =	sdelay $0x3  }
0x92: {  	_ =	strace s18  }
0x93: {  	s3 =	sld [smem:$0x3FFC];
	_ =	sdelay $0x3  }
0x94: {  	_ =	strace s3  }
0x95: {  	s3 =	sld [smem:$0x3FFD];
	_ =	sdelay $0x3  }
0x96: {  	_ =	strace s3  }
0x97: {  	_ =	strace $0x8FFFFFFF  }
0x98: {  	s19 =	sld [smem:$0x3FDB];
	_ =	sdelay $0x1  }
0x99: {  	s4 =	simm.s32 $_scs_section_size  }
0x9a: {  	s5 =	simm.s32 $_size__tile_overlayer_lowered;
	s6 =	simm.s32 $_tile_overlayer_lowered  }
0x9b: {  	s22 =	simm.s32 $0x1BFF;
	s21 =	sshll.u32 s6, $0x1;
	s3 =	sadd.s32 s4, s19  }
0x9c: {  	s7 =	simm.s32 $0x0;
	s20 =	sshll.u32 s5, $0x1;
	s5 =	sadd.s32 s21, s3  }
0x9d: {  	[timem:s7], [sflag:s22] =	dma.local [hbm:s5], s20  }
0x9e: {  	_ =	swait.ge [sflag:s22], s20  }
0x9f: {  	s4 =	ssub.s32 $0x0, s20;
	[sflag:s22] =	ssyncset.done $0x0  }
0xa0: {  	[sflag:s22] =	ssyncadd.s32 s4;
	_ =	sdelay $0x1  }
0xa1: {  	s23 =	simm.s32 $0x1B8B  }
0xa2: {  	_ =	swait.ge [sflag:s23], $0x1  }
0xa3: {  	[sflag:s23] =	ssyncset.done $0x0  }
0xa4: {  	s25 =	simm.s32 $0x1B8E;
	s24 =	sld [smem:$0x3FFE];
	[sflag:s23] =	ssyncadd.s32 $0xFFFFFFFF  }
0xa5: {  	s26 =	simm.s32 $execute0_lowered;
	[smem:$0x3FD2] =	sst s25  }
0xa6: {  	s5 =	sshll.u32 s26, $0x1;
	_ =	strace $0x80000049;
	[dreg:$0x1] =	wrdreg $0xFFFFFFFF  }
0xa7: {  	s28 =	simm.s32 $_size_execute0_lowered;
	s3 =	sadd.s32 s3, s5;
	[dreg:$0x0] =	wrdreg $0x0  }
0xa8: {  	s5 =	sshll.u32 s28, $0x1;
	[dreg:$0x2] =	wrdreg s3  }
0xa9: {  	[dreg:$0x3] =	wrdreg s5  }
0xaa: {  	[dreg:$0x4] =	wrdreg $0xC0  }
0xab: {  	_ =	task [dreg:s7], $0x5FFFF  }
0xac: {  	[dreg:$0x1] =	wrdreg $0xFFFFFFFF  }
0xad: {  	[dreg:$0x0] =	wrdreg $0x60  }
0xae: {  	[dreg:$0x2] =	wrdreg s24  }
0xaf: {  	[dreg:$0x3] =	wrdreg s2  }
0xb0: {  	[dreg:$0x4] =	wrdreg $0x81000  }
0xb1: {  	[dreg:$0x5] =	wrdreg $0x9  }
0xb2: {  	_ =	task.clear_ibuf [dreg:s7], $0x6FFFF;
	_ =	strace $0x90000049  }
0xb3: {  	s29 =	simm.s32 $0x9;
	_ =	strace $0x8000004B  }
0xb4: {  	_ =	swait.ge [sflag:s29], $0x1  }
0xb5: {  	[sflag:s29] =	ssyncadd.s32 $0xFFFFFFFF  }
0xb6: {  	_ =	strace $0x9000004B  }
0xb7: {  	_ =	sfence  }
0xb8: {  	s30 =	sld [smem:$0x0];
	_ =	sdelay $0x2  }
0xb9: {  	s31 =	sshll.u32 s1, $0xD;
	s1 =	sshrl.u32 s1, $0x2  }
0xba: {  	s3 =	sand.u32 $0x4000, s31;
	s1 =	sadd.s32 s1, s30  }
0xbb: {  	s0 =	sor.u32 s3, s0;
	s1 =	sshll.u32 s1, $0x11  }
0xbc: {  	s0 =	sor.u32 s1, s0  }
0xbd: {  	s0 =	sadd.s32 $0x8F2B, s0  }
0xbe: {  	[sflag:s0] =	ssyncadd.remote.s32 $0x1  }
0xbf: {  	_ =	sfence.sel $0xFFFF  }
0xc0: {  	[dreg:$0x0] =	wrdreg $0xFFFFFFFF;
	(pc) =	sbr.abs _section_cstart, $3  }
0xc1: {  	[dreg:$0x1] =	wrdreg $0xFFFFFFFF  }
0xc2: {  	_ =	task.clear_ibuf [dreg:s7], $0x2FFFF;
	_ =	strace $0x9FFFFFFF  }
0xc3: {  	(tm) =	ssettm $0x7FFFFFFF  }
tec
execute0_lowered:
.L_overlay_start_1:
0x0: {  	(tag) =	ssettag $0x1  }
0x1: {  	s5 =	rddreg [dreg:$0x0]  }
0x2: {  	s16 =	rddreg [dreg:$0x1]  }
0x3: {  	s1 =	rddreg [dreg:$0x2];
	s3 =	srdreg.scid  }
0x4: {  	s0 =	rddreg [dreg:$0x3];
	s2 =	simm.s32 $0x0;
	s6 =	sand.u32 $0x1, s3  }
0x5: {  	s22 =	simm.s32 $0x4100;
	s3 =	stileid.u32;
	s17 =	smul.u32 $0x4F00, s6  }
0x6: {  	s23 =	simm.s32 $0x2;
	s24 =	simm.s32 $0x0;
	s7 =	smul.u32 $0x4F000, s3  }
0x7: {  	[smem:$0x7FF] =	sst s2;
	s4 =	sadd.s32 $0xC600, s5;
	s9 =	smul.u32 $0x13C00, s3  }
0x8: {  	s14 =	sadd.s32 $0x33E00, s5;
	s8 =	ssub.s32 $0x2, s6;
	s19 =	smul.u32 $0x13C000, s6  }
0x9: {  	_ =	strace $0x8000004A;
	s30 =	smul.u32 $0x4F0, s3;
	s29 =	sshrl.u32 s8, $0x1  }
0xa: {  	s18 =	sadd.s32 s17, s5;
	s7 =	sshrl.u32 s7, $0x2;
	s15 =	ssub.s32 s8, s29  }
0xb: {  	s10 =	sadd.s32 $0x4000, s9;
	s12 =	sadd.s32 $0x8000, s9;
	s13 =	sadd.s32 $0xC000, s9  }
0xc: {  	s20 =	sadd.s32 $0x10000, s9;
	s11 =	sadd.s32 s9, s19;
	s16 =	sadd.s32 s17, s16  }
0xd: {  	s5 =	sadd.s32 s7, s1;
	s6 =	sadd.s32 s10, s1;
	s7 =	sadd.s32 s12, s1  }
0xe: {  	s8 =	sadd.s32 s13, s1;
	s10 =	sadd.s32 s19, s10;
	s9 =	sadd.s32 s20, s1  }
0xf: {  	s11 =	sshrl.u32 s11, $0x3;
	s12 =	sadd.s32 s19, s12;
	s13 =	sadd.s32 s19, s13  }
0x10: {  	s19 =	sadd.s32 s19, s20;
	s15 =	smax.u32 s15, $0x1;
	s31 =	sadd.s32 s30, s18  }
0x11: {  	s16 =	sadd.s32 s30, s16;
	s18 =	simm.s32 $0x100;
	s20 =	simm.s32 $0x3  }
0x12: {  	s21 =	sshrl.u32 s10, $0x3;
	s10 =	sadd.s32 s14, s11;
	s12 =	sshrl.u32 s12, $0x3  }
0x13: {  	s13 =	sshrl.u32 s13, $0x3;
	s19 =	sshrl.u32 s19, $0x3;
	s17 =	sadd.s32 $0x2800, s31  }
0x14: {  	s11 =	sadd.s32 s14, s21;
	s12 =	sadd.s32 s14, s12;
	s13 =	sadd.s32 s14, s13  }
0x15: {  	v0 =	vimm.f32 $0.0e+00;
	s14 =	sadd.s32 s14, s19;
	s19 =	simm.s32 $0x1;
	s21 =	simm.s32 $0x80  }
.LBB2_1:
0x16: {  	s25 =	simm.s32 $0x0;
	s26 =	simm.s32 $0x200  }
.LBB2_2:
0x17: {  	p0 =	sne.s32 s26, $0xFE00;
	[tilespmem:s25+$0x170] =	vst v0  }
0x18: {  	[tilespmem:s25+$0x100] =	vst v0  }
0x19: {  	[tilespmem:s25+$0x110] =	vst v0  }
.Ltmp0:
0x1a: {  	[tilespmem:s25+$0x120] =	vst v0;
	(pc) =	sbr.rel @p0 .LBB2_2-.Ltmp0, $4  }
0x1b: {  	[tilespmem:s25+$0x130] =	vst v0  }
0x1c: {  	[tilespmem:s25+$0x140] =	vst v0  }
0x1d: {  	[tilespmem:s25+$0x150] =	vst v0  }
0x1e: {  	[tilespmem:s25+$0x160] =	vst v0;
	s25 =	sshra.s32 s26, $0x2;
	s26 =	sadd.s32 $0x200, s26  }
0x1f: {  	[tilespmem:s25+$0x170] =	vst v0  }
0x20: {  	[tilespmem:s25+$0x100] =	vst v0  }
0x21: {  	[tilespmem:s25+$0x110] =	vst v0  }
0x22: {  	[tilespmem:s25+$0x120] =	vst v0  }
0x23: {  	[tilespmem:s25+$0x130] =	vst v0  }
0x24: {  	[tilespmem:s25+$0x140] =	vst v0  }
0x25: {  	[tilespmem:s25+$0x150] =	vst v0  }
0x26: {  	[tilespmem:s25+$0x160] =	vst v0  }
0x27: {  	[spmem:s5] =	stream.linear.scatter [tilespmem:s18], [sflag:$0x1], $0x4000, $0x38;
	[tilespmem:$0x1BD00] =	vst v63  }
0x28: {  	_ = 	snop  }
0x29: {  	[spmem:s6] =	stream.linear.scatter [tilespmem:s18], [sflag:$0x1], $0x4000, $0x38;
	[tilespmem:$0x1BD00] =	vst v63  }
0x2a: {  	_ = 	snop  }
0x2b: {  	[spmem:s7] =	stream.linear.scatter [tilespmem:s18], [sflag:$0x1], $0x4000, $0x38;
	[tilespmem:$0x1BD00] =	vst v63  }
0x2c: {  	_ = 	snop  }
0x2d: {  	[spmem:s8] =	stream.linear.scatter [tilespmem:s18], [sflag:$0x1], $0x4000, $0x38;
	[tilespmem:$0x1BD00] =	vst v63  }
0x2e: {  	_ = 	snop  }
0x2f: {  	[spmem:s9] =	stream.linear.scatter [tilespmem:s18], [sflag:$0x1], $0x3C00, $0x38;
	[tilespmem:$0x1BD00] =	vst v63  }
0x30: {  	_ =	swait.ge [sflag:s19], $0x4000  }
0x31: {  	[sflag:s19] =	ssyncset.done $0x0  }
0x32: {  	[sflag:s19] =	ssyncadd.s32 $0xFFFFC000  }
0x33: {  	_ =	swait.ge [sflag:s19], $0x4000  }
0x34: {  	[sflag:s19] =	ssyncset.done $0x0  }
0x35: {  	[sflag:s19] =	ssyncadd.s32 $0xFFFFC000  }
0x36: {  	_ =	swait.ge [sflag:s19], $0x4000  }
0x37: {  	[sflag:s19] =	ssyncset.done $0x0  }
0x38: {  	[sflag:s19] =	ssyncadd.s32 $0xFFFFC000  }
0x39: {  	_ =	swait.ge [sflag:s19], $0x4000  }
0x3a: {  	[sflag:s19] =	ssyncset.done $0x0  }
0x3b: {  	[sflag:s19] =	ssyncadd.s32 $0xFFFFC000  }
0x3c: {  	_ =	swait.ge [sflag:s19], $0x3C00  }
0x3d: {  	[sflag:s19] =	ssyncset.done $0x0  }
0x3e: {  	[sflag:s19] =	ssyncadd.s32 $0xFFFFC400  }
0x3f: {  	s30 =	sadd.s32 $0x0, s17;
	[bflag:$0x0] =	sbarrier.arrive $0xFFFF  }
0x40: {  	[tilespmem:s2], [sflag:$0x3] =	stream.linear.gather [hbm4b:s30+s2], $0x80, $0x38;
	[tilespmem:$0x1BD00] =	vst v63  }
0x41: {  	_ =	swait.ge [sflag:s20], $0x80  }
0x42: {  	[sflag:s20] =	ssyncset.done $0x0  }
0x43: {  	s31 =	sadd.s32 $0x0, s16;
	[sflag:s20] =	ssyncadd.s32 $0xFFFFFF80  }
0x44: {  	[tilespmem:s21], [sflag:$0x3] =	stream.linear.gather [hbm4b:s31+s2], $0x80, $0x38;
	[tilespmem:$0x1BD00] =	vst v63  }
0x45: {  	_ =	swait.ge [sflag:s20], $0x80  }
0x46: {  	[sflag:s20] =	ssyncset.done $0x0  }
0x47: {  	[sflag:s20] =	ssyncadd.s32 $0xFFFFFF80  }
0x48: {  	[tilespmem:s18], [sflag:$0x1] =	stream.indirect.gather [hbm4b:s4+s21], $0x80, s2, s21, $0xb8;
	[tilespmem:$0x1BD00] =	vst v63  }
0x49: {  	_ =	swait.ge [sflag:s19], $0x4000  }
0x4a: {  	[sflag:s19] =	ssyncset.done $0x0  }
0x4b: {  	[sflag:s19] =	ssyncadd.s32 $0xFFFFC000  }
0x4c: {  	[spmem:s1] =	stream.indirect.scatter.add.f32 [tilespmem:s18], [sflag:$0x3], $0x80, s21, s21, $0xb8;
	[tilespmem:$0x1BD00] =	vst v63  }
0x4d: {  	_ =	swait.ge [sflag:s20], $0x4000  }
0x4e: {  	s25 =	simm.s32 $0x10;
	s26 =	simm.s32 $0x20;
	[sflag:s20] =	ssyncset.done $0x0  }
.LBB2_4:
0x4f: {  	s28 =	sadd.s32 s25, s17  }
0x50: {  	[sflag:s20] =	ssyncadd.s32 $0xFFFFC000;
	s29 =	smov.u32 s26;
	s30 =	sadd.s32 $0x10, s26  }
0x51: {  	[tilespmem:s2], [sflag:$0x3] =	stream.linear.gather [hbm4b:s28+s2], $0x80, $0x38;
	[tilespmem:$0x1BD00] =	vst v63  }
0x52: {  	p0 =	sne.s32 s26, $0x4E0;
	_ =	swait.ge [sflag:s20], $0x80  }
0x53: {  	[sflag:s20] =	ssyncset.done $0x0  }
0x54: {  	s26 =	sadd.s32 s25, s16;
	s25 =	smov.u32 s29;
	[sflag:s20] =	ssyncadd.s32 $0xFFFFFF80  }
0x55: {  	[tilespmem:s21], [sflag:$0x3] =	stream.linear.gather [hbm4b:s26+s2], $0x80, $0x38;
	[tilespmem:$0x1BD00] =	vst v63  }
0x56: {  	_ =	swait.ge [sflag:s20], $0x80  }
0x57: {  	[sflag:s20] =	ssyncset.done $0x0  }
0x58: {  	[sflag:s20] =	ssyncadd.s32 $0xFFFFFF80  }
0x59: {  	[tilespmem:s18], [sflag:$0x1] =	stream.indirect.gather [hbm4b:s4+s21], $0x80, s2, s21, $0xb8;
	[tilespmem:$0x1BD00] =	vst v63  }
0x5a: {  	_ =	swait.ge [sflag:s19], $0x4000  }
.Ltmp1:
0x5b: {  	[sflag:s19] =	ssyncset.done $0x0;
	(pc) =	sbr.rel @p0 .LBB2_4-.Ltmp1, $4  }
0x5c: {  	[sflag:s19] =	ssyncadd.s32 $0xFFFFC000  }
0x5d: {  	[spmem:s1] =	stream.indirect.scatter.add.f32 [tilespmem:s18], [sflag:$0x3], $0x80, s21, s21, $0xb8;
	[tilespmem:$0x1BD00] =	vst v63  }
0x5e: {  	_ =	swait.ge [sflag:s20], $0x4000  }
0x5f: {  	s26 =	smov.u32 s30;
	[sflag:s20] =	ssyncset.done $0x0  }
0x60: {  	s26 =	sadd.s32 s25, s17;
	[sflag:s20] =	ssyncadd.s32 $0xFFFFC000  }
0x61: {  	[tilespmem:s2], [sflag:$0x3] =	stream.linear.gather [hbm4b:s26+s2], $0x80, $0x38;
	[tilespmem:$0x1BD00] =	vst v63  }
0x62: {  	_ =	swait.ge [sflag:s20], $0x80  }
0x63: {  	[sflag:s20] =	ssyncset.done $0x0  }
0x64: {  	s31 =	sadd.s32 s25, s16;
	[sflag:s20] =	ssyncadd.s32 $0xFFFFFF80  }
0x65: {  	[tilespmem:s21], [sflag:$0x3] =	stream.linear.gather [hbm4b:s31+s2], $0x80, $0x38;
	[tilespmem:$0x1BD00] =	vst v63  }
0x66: {  	_ =	swait.ge [sflag:s20], $0x80  }
0x67: {  	[sflag:s20] =	ssyncset.done $0x0  }
0x68: {  	[sflag:s20] =	ssyncadd.s32 $0xFFFFFF80  }
0x69: {  	[tilespmem:s18], [sflag:$0x1] =	stream.indirect.gather [hbm4b:s4+s21], $0x80, s2, s21, $0xb8;
	[tilespmem:$0x1BD00] =	vst v63  }
0x6a: {  	_ =	swait.ge [sflag:s19], $0x4000  }
0x6b: {  	[sflag:s19] =	ssyncset.done $0x0  }
0x6c: {  	[sflag:s19] =	ssyncadd.s32 $0xFFFFC000  }
0x6d: {  	[spmem:s1] =	stream.indirect.scatter.add.f32 [tilespmem:s18], [sflag:$0x3], $0x80, s21, s21, $0xb8;
	[tilespmem:$0x1BD00] =	vst v63  }
0x6e: {  	_ =	swait.ge [sflag:s20], $0x4000  }
0x6f: {  	[sflag:s20] =	ssyncset.done $0x0  }
0x70: {  	[sflag:s20] =	ssyncadd.s32 $0xFFFFC000  }
0x71: {  	[bflag:$0x0] =	sbarrier.arrive $0xFFFF  }
0x72: {  	[tilespmem:s18], [sflag:$0x1] =	stream.linear.gather [spmem:s5], $0x4000, $0x38;
	[tilespmem:$0x1BD00] =	vst v63  }
0x73: {  	_ =	swait.ge [sflag:s19], $0x4000  }
0x74: {  	[sflag:s19] =	ssyncset.done $0x0  }
0x75: {  	[sflag:s19] =	ssyncadd.s32 $0xFFFFC000  }
0x76: {  	[hbm4b:s10+s2] =	stream.linear.scatter [tilespmem:s18], [sflag:$0x2], $0x4000, $0x38;
	[tilespmem:$0x1BD00] =	vst v63  }
0x77: {  	_ = 	snop  }
0x78: {  	[tilespmem:s22], [sflag:$0x1] =	stream.linear.gather [spmem:s6], $0x4000, $0x38;
	[tilespmem:$0x1BD00] =	vst v63  }
0x79: {  	_ =	swait.ge [sflag:s19], $0x4000  }
0x7a: {  	[sflag:s19] =	ssyncset.done $0x0  }
0x7b: {  	[sflag:s19] =	ssyncadd.s32 $0xFFFFC000  }
0x7c: {  	[hbm4b:s11+s2] =	stream.linear.scatter [tilespmem:s22], [sflag:$0x2], $0x4000, $0x38;
	[tilespmem:$0x1BD00] =	vst v63  }
0x7d: {  	_ =	swait.ge [sflag:s23], $0x4000  }
0x7e: {  	[sflag:s23] =	ssyncset.done $0x0  }
0x7f: {  	[sflag:s23] =	ssyncadd.s32 $0xFFFFC000  }
0x80: {  	[tilespmem:s18], [sflag:$0x1] =	stream.linear.gather [spmem:s7], $0x4000, $0x38;
	[tilespmem:$0x1BD00] =	vst v63  }
0x81: {  	_ =	swait.ge [sflag:s19], $0x4000  }
0x82: {  	[sflag:s19] =	ssyncset.done $0x0  }
0x83: {  	[sflag:s19] =	ssyncadd.s32 $0xFFFFC000  }
0x84: {  	[hbm4b:s12+s2] =	stream.linear.scatter [tilespmem:s18], [sflag:$0x2], $0x4000, $0x38;
	[tilespmem:$0x1BD00] =	vst v63  }
0x85: {  	_ =	swait.ge [sflag:s23], $0x4000  }
0x86: {  	[sflag:s23] =	ssyncset.done $0x0  }
0x87: {  	[sflag:s23] =	ssyncadd.s32 $0xFFFFC000  }
0x88: {  	[tilespmem:s22], [sflag:$0x1] =	stream.linear.gather [spmem:s8], $0x4000, $0x38;
	[tilespmem:$0x1BD00] =	vst v63  }
0x89: {  	_ =	swait.ge [sflag:s19], $0x4000  }
0x8a: {  	[sflag:s19] =	ssyncset.done $0x0  }
0x8b: {  	[sflag:s19] =	ssyncadd.s32 $0xFFFFC000  }
0x8c: {  	[hbm4b:s13+s2] =	stream.linear.scatter [tilespmem:s22], [sflag:$0x2], $0x4000, $0x38;
	[tilespmem:$0x1BD00] =	vst v63  }
0x8d: {  	_ =	swait.ge [sflag:s23], $0x4000  }
0x8e: {  	[sflag:s23] =	ssyncset.done $0x0  }
0x8f: {  	[sflag:s23] =	ssyncadd.s32 $0xFFFFC000  }
0x90: {  	[tilespmem:s18], [sflag:$0x1] =	stream.linear.gather [spmem:s9], $0x3C00, $0x38;
	[tilespmem:$0x1BD00] =	vst v63  }
0x91: {  	_ =	swait.ge [sflag:s19], $0x3C00  }
0x92: {  	[sflag:s19] =	ssyncset.done $0x0  }
0x93: {  	s24 =	sadd.s32 $0x1, s24;
	[sflag:s19] =	ssyncadd.s32 $0xFFFFC400  }
0x94: {  	[hbm4b:s14+s2] =	stream.linear.scatter [tilespmem:s18], [sflag:$0x2], $0x3C00, $0x38;
	[tilespmem:$0x1BD00] =	vst v63  }
0x95: {  	p0 =	sne.s32 s24, s15;
	_ =	swait.ge [sflag:s23], $0x3C00  }
.Ltmp2:
0x96: {  	[sflag:s23] =	ssyncset.done $0x0;
	(pc) =	sbr.rel @p0 .LBB2_1-.Ltmp2, $4  }
0x97: {  	[sflag:s23] =	ssyncadd.s32 $0xFFFFC400  }
0x98: {  	_ =	swait.ge [sflag:s23], $0x4000  }
0x99: {  	[sflag:s23] =	ssyncset.done $0x0  }
0x9a: {  	[sflag:s23] =	ssyncadd.s32 $0xFFFFC000  }
0x9b: {  	_ =	sfence.sel $0x180000  }
0x9c: {  	[bflag:$0x0] =	sbarrier.arrive $0xFFFF  }
0x9d: {  	p0 =	sne.s32 s3, $0x0;
	_ =	strace $0x9000004A  }
0x9e: {  	s0 =	sadd.s32 @!p0 $0x100000, s0;
	[bflag:$0x2] =	sbarrier.arrive $0xFFFF  }
0x9f: {  	[sflag:s0] =	ssyncadd.tile.s32 @!p0 $0x1;
	_ =	shalt  }
.Lfunc_end2:
_tile_overlayer_lowered:
.L_overlay_start_2:
0xa0: {  	(tag) =	ssettag $0x2  }
0xa1: {  	s0 =	rddreg [dreg:$0x0];
	s2 =	stileid.u32  }
0xa2: {  	s1 =	rddreg [dreg:$0x1];
	p0 =	sne.s32 s2, $0x0  }
0xa3: {  	s3 =	rddreg [dreg:$0x2];
	[bflag:$0x3] =	sbarrier.arrive $0xFFFF;
	s2 =	simm.s32 @!p0 $0x1C03  }
0xa4: {  	[timem:s3], [sflag:s2] =	dma.local @!p0 [hbm:s0], s1  }
0xa5: {  	s0 =	simm.s32 @!p0 $0x3  }
0xa6: {  	_ =	swait.ge @!p0 [sflag:s0], s1  }
0xa7: {  	s1 =	ssub.s32 @!p0 $0x0, s1;
	[sflag:s0] =	ssyncset.done @!p0 $0x0  }
0xa8: {  	[sflag:s0] =	ssyncadd.s32 @!p0 s1  }
0xa9: {  	[bflag:$0x3] =	sbarrier.arrive $0xFFFF  }
0xaa: {  	_ =	shalt  }

// kernel: kernel.14.cloned.1.call-start
scs
__scs_entry_jumppad:
0x0: {  	(pc) =	sbr.rel $0x88, $3  }
0x1: {  	(tag) =	ssettag $0x0;
	lr =	simm.s32 $0x1  }
0x2: {  	[smem:$0x3F9B] =	sst lr;
	_ =	strace $0xD0000000  }
0x3: {  	_ = 	snop  }
0x4: {  	_ = 	snop  }
0x5: {  	_ = 	snop  }
0x6: {  	_ = 	snop  }
0x7: {  	_ = 	snop  }
__scs_overlays_trampoline_lowered:
0x8: {  	[smem:$0x3FAA] =	sst s0  }
0x9: {  	[smem:$0x3FAB] =	sst s1  }
0xa: {  	[smem:$0x3FAC] =	sst s2  }
0xb: {  	[smem:$0x3FAD] =	sst s3  }
0xc: {  	[smem:$0x3FAE] =	sst s4  }
0xd: {  	[smem:$0x3FAF] =	sst s5  }
0xe: {  	[smem:$0x3FB0] =	sst s6  }
0xf: {  	[smem:$0x3FB1] =	sst s7  }
0x10: {  	[smem:$0x3FB2] =	sst s8  }
0x11: {  	[smem:$0x3FB3] =	sst s9;
	s0 =	simm.s32 @!p0 $0x0  }
0x12: {  	s1 =	sld [smem:$0x3F99];
	s0 =	simm.s32 @p0 $0x1  }
0x13: {  	[smem:$0x3FB4] =	sst s0;
	s0 =	simm.s32 @!p1 $0x0  }
0x14: {  	s2 =	sld [smem:$0x3F98];
	s0 =	simm.s32 @p1 $0x1  }
0x15: {  	[smem:$0x3FB5] =	sst s0;
	s0 =	simm.s32 @!p2 $0x0  }
0x16: {  	s3 =	sld [smem:$0x3FDB];
	s0 =	simm.s32 @p2 $0x1  }
0x17: {  	s4 =	simm.s32 $0x1BF5;
	[smem:$0x3FB7] =	sst s0  }
0x18: {  	s0 =	sld [smem:$0x3F9A];
	_ =	swait.ge [sflag:s4], $0x0  }
0x19: {  	s7 =	sld [smem:$0x3F9B]  }
0x1a: {  	s8 =	sadd.s32 $0xFFFFE003, lr  }
0x1b: {  	s9 =	sadd.s32 $0xFFFFFEF7, lr;
	s5 =	simm.s32 $0xFFFFFFFF;
	p2 =	slt.u32 s8, $0xFFFFF086  }
0x1c: {  	p1 =	slt.u32 s9, $0xF7A;
	s5 =	simm.s32 @!p2 $0x0  }
0x1d: {  	s5 =	simm.s32 @p1 $0x1;
	p0 =	seq.s32 s7, s2  }
0x1e: {  	s7 =	smul.u32 @!p0 $0xF7A, s2;
	p2 =	seq.s32 @!p0 s5, $0x0  }
0x1f: {  	s9 =	smul.u32 $0xF7A, s1;
	s8 =	simm.s32 @!p0 $0x1BF5;
	p2 =	por !p2, p0  }
0x20: {  	[sflag:s8] =	ssyncset.s32 @!p0 $0xFFFFF086;
	s6 =	sadd.s32 @!p0 s3, s7;
	s7 =	simm.s32 @!p0 $0x108  }
0x21: {  	s3 =	sadd.s32 s3, s9;
	s6 =	sadd.s32 @!p0 $0x88, s6;
	s7 =	simm.s32 @p2 $0x1082  }
0x22: {  	[simem:s7], [sflag:s8] =	dma.local @!p0 [hbm:s6], $0xF7A  }
0x23: {  	s9 =	sor.u32 $0xD0000000, s2;
	s6 =	simm.s32 $0x108;
	_ =	swait.ge @!p0 [sflag:s8], $0x0  }
0x24: {  	s3 =	sadd.s32 $0x88, s3;
	s6 =	simm.s32 @!p1 $0x1082;
	[sflag:s4] =	ssyncset.s32 $0xFFFFF086  }
0x25: {  	[simem:s6], [sflag:s4] =	dma.local [hbm:s3], $0xF7A  }
0x26: {  	[smem:$0x3F9B] =	sst s1;
	(tag) =	ssettag s2;
	_ =	strace s9  }
0x27: {  	s1 =	sld [smem:$0x3FAB]  }
0x28: {  	s2 =	sld [smem:$0x3FAC]  }
0x29: {  	s4 =	sld [smem:$0x3FAE]  }
0x2a: {  	p0 =	seq.s32 s5, $0x0;
	s5 =	sld [smem:$0x3FAF]  }
0x2b: {  	s6 =	sld [smem:$0x3FB0]  }
0x2c: {  	s7 =	sld [smem:$0x3FB1]  }
0x2d: {  	s3 =	simm.s32 $0x108;
	s8 =	sld [smem:$0x3FB2]  }
0x2e: {  	s3 =	simm.s32 @!p0 $0x1082;
	s9 =	sld [smem:$0x3FB3]  }
0x2f: {  	lr =	sadd.s32 s0, s3;
	s0 =	sld [smem:$0x3FAA]  }
0x30: {  	s3 =	sld [smem:$0x3FAD]  }
0x31: {  	[smem:$0x3FB6] =	sst s10  }
0x32: {  	s10 =	sld [smem:$0x3FB4];
	_ =	sdelay $0x3  }
0x33: {  	p0 =	seq.s32 s10, $0x1;
	s10 =	sld [smem:$0x3FB6];
	_ =	sdelay $0x3  }
0x34: {  	[smem:$0x3FB6] =	sst s10  }
0x35: {  	s10 =	sld [smem:$0x3FB5];
	_ =	sdelay $0x3  }
0x36: {  	p1 =	seq.s32 s10, $0x1;
	s10 =	sld [smem:$0x3FB6];
	_ =	sdelay $0x3  }
0x37: {  	[smem:$0x3FB6] =	sst s10  }
0x38: {  	s10 =	sld [smem:$0x3FB7]  }
0x39: {  	_ = 	snop;
	(pc) =	sbr.ind lr, $3  }
0x3a: {  	_ = 	snop  }
0x3b: {  	_ = 	snop  }
0x3c: {  	p2 =	seq.s32 s10, $0x1;
	s10 =	sld [smem:$0x3FB6]  }
0x3d: {  	_ =	shalt  }
0x3e: {  	_ =	shalt  }
0x3f: {  	_ =	shalt  }
0x40: {  	_ =	shalt  }
0x41: {  	_ =	shalt  }
0x42: {  	_ =	shalt  }
0x43: {  	_ =	shalt  }
0x44: {  	_ =	shalt  }
0x45: {  	_ =	shalt  }
0x46: {  	_ =	shalt  }
0x47: {  	_ =	shalt  }
0x48: {  	_ =	shalt  }
0x49: {  	_ =	shalt  }
0x4a: {  	_ =	shalt  }
0x4b: {  	_ =	shalt  }
0x4c: {  	_ =	shalt  }
0x4d: {  	_ =	shalt  }
0x4e: {  	_ =	shalt  }
0x4f: {  	_ =	shalt  }
0x50: {  	_ =	shalt  }
0x51: {  	_ =	shalt  }
0x52: {  	_ =	shalt  }
0x53: {  	_ =	shalt  }
0x54: {  	_ =	shalt  }
0x55: {  	_ =	shalt  }
0x56: {  	_ =	shalt  }
0x57: {  	_ =	shalt  }
0x58: {  	_ =	shalt  }
0x59: {  	_ =	shalt  }
0x5a: {  	_ =	shalt  }
0x5b: {  	_ =	shalt  }
0x5c: {  	_ =	shalt  }
0x5d: {  	_ =	shalt  }
0x5e: {  	_ =	shalt  }
0x5f: {  	_ =	shalt  }
0x60: {  	_ =	shalt  }
0x61: {  	_ =	shalt  }
0x62: {  	_ =	shalt  }
0x63: {  	_ =	shalt  }
0x64: {  	_ =	shalt  }
0x65: {  	_ =	shalt  }
0x66: {  	_ =	shalt  }
0x67: {  	_ =	shalt  }
0x68: {  	_ =	shalt  }
0x69: {  	_ =	shalt  }
0x6a: {  	_ =	shalt  }
0x6b: {  	_ =	shalt  }
0x6c: {  	_ =	shalt  }
0x6d: {  	_ =	shalt  }
0x6e: {  	_ =	shalt  }
0x6f: {  	_ =	shalt  }
0x70: {  	_ =	shalt  }
0x71: {  	_ =	shalt  }
0x72: {  	_ =	shalt  }
0x73: {  	_ =	shalt  }
0x74: {  	_ =	shalt  }
0x75: {  	_ =	shalt  }
0x76: {  	_ =	shalt  }
0x77: {  	_ =	shalt  }
0x78: {  	_ =	shalt  }
0x79: {  	_ =	shalt  }
0x7a: {  	_ =	shalt  }
0x7b: {  	_ =	shalt  }
0x7c: {  	_ =	shalt  }
0x7d: {  	_ =	shalt  }
0x7e: {  	_ =	shalt  }
0x7f: {  	_ =	shalt  }
0x80: {  	_ =	shalt  }
0x81: {  	_ =	shalt  }
0x82: {  	_ =	shalt  }
0x83: {  	_ =	shalt  }
0x84: {  	_ =	shalt  }
0x85: {  	_ =	shalt  }
0x86: {  	_ =	shalt  }
0x87: {  	_ =	shalt  }
.Lfunc_end0:
.L_simem_size_0:
called_computation.2_lowered:
.L_overlay_start_0:
0x88: {  	s2 =	sld [smem:$0x3FD9]  }
0x89: {  	s3 =	sld [smem:$0x3FFE];
	_ =	sdelay $0x1  }
0x8a: {  	s1 =	srdreg.scid  }
0x8b: {  	s0 =	sand.u32 $0x1, s1  }
0x8c: {  	s17 =	sshll.u32 s0, $0xA;
	s2 =	sadd.s32 s3, s2  }
0x8d: {  	s2 =	sadd.s32 s2, s17  }
0x8e: {  	[smem:$0x3FC2] =	sst s2  }
0x8f: {  	_ = 	snop  }
0x90: {  	s2 =	sld [smem:$0x3FD0];
	(tm) =	ssettm $0x1  }
0x91: {  	s18 =	sld [smem:$0x3FFB];
	_ =	sdelay $0x3  }
0x92: {  	_ =	strace s18  }
0x93: {  	s3 =	sld [smem:$0x3FFC];
	_ =	sdelay $0x3  }
0x94: {  	_ =	strace s3  }
0x95: {  	s3 =	sld [smem:$0x3FFD];
	_ =	sdelay $0x3  }
0x96: {  	_ =	strace s3  }
0x97: {  	_ =	strace $0x8FFFFFFF  }
0x98: {  	s19 =	sld [smem:$0x3FDB];
	_ =	sdelay $0x1  }
0x99: {  	s4 =	simm.s32 $_scs_section_size  }
0x9a: {  	s5 =	simm.s32 $_size__tile_overlayer_lowered;
	s6 =	simm.s32 $_tile_overlayer_lowered  }
0x9b: {  	s22 =	simm.s32 $0x1BFF;
	s21 =	sshll.u32 s6, $0x1;
	s3 =	sadd.s32 s4, s19  }
0x9c: {  	s7 =	simm.s32 $0x0;
	s20 =	sshll.u32 s5, $0x1;
	s5 =	sadd.s32 s21, s3  }
0x9d: {  	[timem:s7], [sflag:s22] =	dma.local [hbm:s5], s20  }
0x9e: {  	_ =	swait.ge [sflag:s22], s20  }
0x9f: {  	s4 =	ssub.s32 $0x0, s20;
	[sflag:s22] =	ssyncset.done $0x0  }
0xa0: {  	[sflag:s22] =	ssyncadd.s32 s4;
	_ =	sdelay $0x1  }
0xa1: {  	s23 =	simm.s32 $0x1B8B  }
0xa2: {  	_ =	swait.ge [sflag:s23], $0x1  }
0xa3: {  	[sflag:s23] =	ssyncset.done $0x0  }
0xa4: {  	s25 =	simm.s32 $0x1B8E;
	s24 =	sld [smem:$0x3FFE];
	[sflag:s23] =	ssyncadd.s32 $0xFFFFFFFF  }
0xa5: {  	s26 =	simm.s32 $execute0_lowered;
	[smem:$0x3FD2] =	sst s25  }
0xa6: {  	s5 =	sshll.u32 s26, $0x1;
	_ =	strace $0x8000004C;
	[dreg:$0x1] =	wrdreg $0xFFFFFFFF  }
0xa7: {  	s28 =	simm.s32 $_size_execute0_lowered;
	s3 =	sadd.s32 s3, s5;
	[dreg:$0x0] =	wrdreg $0x0  }
0xa8: {  	s5 =	sshll.u32 s28, $0x1;
	[dreg:$0x2] =	wrdreg s3  }
0xa9: {  	[dreg:$0x3] =	wrdreg s5  }
0xaa: {  	[dreg:$0x4] =	wrdreg $0xC0  }
0xab: {  	_ =	task [dreg:s7], $0x5FFFF  }
0xac: {  	[dreg:$0x1] =	wrdreg $0xFFFFFFFF  }
0xad: {  	[dreg:$0x0] =	wrdreg $0x60  }
0xae: {  	[dreg:$0x2] =	wrdreg s24  }
0xaf: {  	[dreg:$0x3] =	wrdreg s2  }
0xb0: {  	[dreg:$0x4] =	wrdreg $0x81000  }
0xb1: {  	[dreg:$0x5] =	wrdreg $0x9  }
0xb2: {  	_ =	task.clear_ibuf [dreg:s7], $0x6FFFF;
	_ =	strace $0x9000004C  }
0xb3: {  	s29 =	simm.s32 $0x9;
	_ =	strace $0x8000004E  }
0xb4: {  	_ =	swait.ge [sflag:s29], $0x1  }
0xb5: {  	[sflag:s29] =	ssyncadd.s32 $0xFFFFFFFF  }
0xb6: {  	_ =	strace $0x9000004E  }
0xb7: {  	_ =	sfence  }
0xb8: {  	s30 =	sld [smem:$0x0];
	_ =	sdelay $0x2  }
0xb9: {  	s31 =	sshll.u32 s1, $0xD;
	s1 =	sshrl.u32 s1, $0x2  }
0xba: {  	s3 =	sand.u32 $0x4000, s31;
	s1 =	sadd.s32 s1, s30  }
0xbb: {  	s0 =	sor.u32 s3, s0;
	s1 =	sshll.u32 s1, $0x11  }
0xbc: {  	s0 =	sor.u32 s1, s0  }
0xbd: {  	s0 =	sadd.s32 $0x8F2B, s0  }
0xbe: {  	[sflag:s0] =	ssyncadd.remote.s32 $0x1  }
0xbf: {  	_ =	sfence.sel $0xFFFF  }
0xc0: {  	[dreg:$0x0] =	wrdreg $0xFFFFFFFF;
	(pc) =	sbr.abs _section_cstart, $3  }
0xc1: {  	[dreg:$0x1] =	wrdreg $0xFFFFFFFF  }
0xc2: {  	_ =	task.clear_ibuf [dreg:s7], $0x2FFFF;
	_ =	strace $0x9FFFFFFF  }
0xc3: {  	(tm) =	ssettm $0x7FFFFFFF  }
tec
execute0_lowered:
.L_overlay_start_1:
0x0: {  	(tag) =	ssettag $0x1  }
0x1: {  	s5 =	rddreg [dreg:$0x0]  }
0x2: {  	s16 =	rddreg [dreg:$0x1]  }
0x3: {  	s1 =	rddreg [dreg:$0x2];
	s3 =	srdreg.scid  }
0x4: {  	s0 =	rddreg [dreg:$0x3];
	s2 =	simm.s32 $0x0;
	s6 =	sand.u32 $0x1, s3  }
0x5: {  	s22 =	simm.s32 $0x4100;
	s3 =	stileid.u32;
	s17 =	smul.u32 $0x4F00, s6  }
0x6: {  	s23 =	simm.s32 $0x2;
	s24 =	simm.s32 $0x0;
	s7 =	smul.u32 $0x4F000, s3  }
0x7: {  	[smem:$0x7FF] =	sst s2;
	s4 =	sadd.s32 $0xC600, s5;
	s9 =	smul.u32 $0x13C00, s3  }
0x8: {  	s14 =	sadd.s32 $0x33E00, s5;
	s8 =	ssub.s32 $0x2, s6;
	s19 =	smul.u32 $0x13C000, s6  }
0x9: {  	_ =	strace $0x8000004D;
	s30 =	smul.u32 $0x4F0, s3;
	s29 =	sshrl.u32 s8, $0x1  }
0xa: {  	s18 =	sadd.s32 s17, s5;
	s7 =	sshrl.u32 s7, $0x2;
	s15 =	ssub.s32 s8, s29  }
0xb: {  	s10 =	sadd.s32 $0x4000, s9;
	s12 =	sadd.s32 $0x8000, s9;
	s13 =	sadd.s32 $0xC000, s9  }
0xc: {  	s20 =	sadd.s32 $0x10000, s9;
	s11 =	sadd.s32 s9, s19;
	s16 =	sadd.s32 s17, s16  }
0xd: {  	s5 =	sadd.s32 s7, s1;
	s6 =	sadd.s32 s10, s1;
	s7 =	sadd.s32 s12, s1  }
0xe: {  	s8 =	sadd.s32 s13, s1;
	s10 =	sadd.s32 s19, s10;
	s9 =	sadd.s32 s20, s1  }
0xf: {  	s11 =	sshrl.u32 s11, $0x3;
	s12 =	sadd.s32 s19, s12;
	s13 =	sadd.s32 s19, s13  }
0x10: {  	s19 =	sadd.s32 s19, s20;
	s15 =	smax.u32 s15, $0x1;
	s31 =	sadd.s32 s30, s18  }
0x11: {  	s16 =	sadd.s32 s30, s16;
	s18 =	simm.s32 $0x100;
	s20 =	simm.s32 $0x3  }
0x12: {  	s21 =	sshrl.u32 s10, $0x3;
	s10 =	sadd.s32 s14, s11;
	s12 =	sshrl.u32 s12, $0x3  }
0x13: {  	s13 =	sshrl.u32 s13, $0x3;
	s19 =	sshrl.u32 s19, $0x3;
	s17 =	sadd.s32 $0x2800, s31  }
0x14: {  	s11 =	sadd.s32 s14, s21;
	s12 =	sadd.s32 s14, s12;
	s13 =	sadd.s32 s14, s13  }
0x15: {  	v0 =	vimm.f32 $0.0e+00;
	s14 =	sadd.s32 s14, s19;
	s19 =	simm.s32 $0x1;
	s21 =	simm.s32 $0x80  }
.LBB2_1:
0x16: {  	s25 =	simm.s32 $0x0;
	s26 =	simm.s32 $0x200  }
.LBB2_2:
0x17: {  	p0 =	sne.s32 s26, $0xFE00;
	[tilespmem:s25+$0x170] =	vst v0  }
0x18: {  	[tilespmem:s25+$0x100] =	vst v0  }
0x19: {  	[tilespmem:s25+$0x110] =	vst v0  }
.Ltmp0:
0x1a: {  	[tilespmem:s25+$0x120] =	vst v0;
	(pc) =	sbr.rel @p0 .LBB2_2-.Ltmp0, $4  }
0x1b: {  	[tilespmem:s25+$0x130] =	vst v0  }
0x1c: {  	[tilespmem:s25+$0x140] =	vst v0  }
0x1d: {  	[tilespmem:s25+$0x150] =	vst v0  }
0x1e: {  	[tilespmem:s25+$0x160] =	vst v0;
	s25 =	sshra.s32 s26, $0x2;
	s26 =	sadd.s32 $0x200, s26  }
0x1f: {  	[tilespmem:s25+$0x170] =	vst v0  }
0x20: {  	[tilespmem:s25+$0x100] =	vst v0  }
0x21: {  	[tilespmem:s25+$0x110] =	vst v0  }
0x22: {  	[tilespmem:s25+$0x120] =	vst v0  }
0x23: {  	[tilespmem:s25+$0x130] =	vst v0  }
0x24: {  	[tilespmem:s25+$0x140] =	vst v0  }
0x25: {  	[tilespmem:s25+$0x150] =	vst v0  }
0x26: {  	[tilespmem:s25+$0x160] =	vst v0  }
0x27: {  	[spmem:s5] =	stream.linear.scatter [tilespmem:s18], [sflag:$0x1], $0x4000, $0x38;
	[tilespmem:$0x1BD00] =	vst v63  }
0x28: {  	_ = 	snop  }
0x29: {  	[spmem:s6] =	stream.linear.scatter [tilespmem:s18], [sflag:$0x1], $0x4000, $0x38;
	[tilespmem:$0x1BD00] =	vst v63  }
0x2a: {  	_ = 	snop  }
0x2b: {  	[spmem:s7] =	stream.linear.scatter [tilespmem:s18], [sflag:$0x1], $0x4000, $0x38;
	[tilespmem:$0x1BD00] =	vst v63  }
0x2c: {  	_ = 	snop  }
0x2d: {  	[spmem:s8] =	stream.linear.scatter [tilespmem:s18], [sflag:$0x1], $0x4000, $0x38;
	[tilespmem:$0x1BD00] =	vst v63  }
0x2e: {  	_ = 	snop  }
0x2f: {  	[spmem:s9] =	stream.linear.scatter [tilespmem:s18], [sflag:$0x1], $0x3C00, $0x38;
	[tilespmem:$0x1BD00] =	vst v63  }
0x30: {  	_ =	swait.ge [sflag:s19], $0x4000  }
0x31: {  	[sflag:s19] =	ssyncset.done $0x0  }
0x32: {  	[sflag:s19] =	ssyncadd.s32 $0xFFFFC000  }
0x33: {  	_ =	swait.ge [sflag:s19], $0x4000  }
0x34: {  	[sflag:s19] =	ssyncset.done $0x0  }
0x35: {  	[sflag:s19] =	ssyncadd.s32 $0xFFFFC000  }
0x36: {  	_ =	swait.ge [sflag:s19], $0x4000  }
0x37: {  	[sflag:s19] =	ssyncset.done $0x0  }
0x38: {  	[sflag:s19] =	ssyncadd.s32 $0xFFFFC000  }
0x39: {  	_ =	swait.ge [sflag:s19], $0x4000  }
0x3a: {  	[sflag:s19] =	ssyncset.done $0x0  }
0x3b: {  	[sflag:s19] =	ssyncadd.s32 $0xFFFFC000  }
0x3c: {  	_ =	swait.ge [sflag:s19], $0x3C00  }
0x3d: {  	[sflag:s19] =	ssyncset.done $0x0  }
0x3e: {  	[sflag:s19] =	ssyncadd.s32 $0xFFFFC400  }
0x3f: {  	s30 =	sadd.s32 $0x0, s17;
	[bflag:$0x0] =	sbarrier.arrive $0xFFFF  }
0x40: {  	[tilespmem:s2], [sflag:$0x3] =	stream.linear.gather [hbm4b:s30+s2], $0x80, $0x38;
	[tilespmem:$0x1BD00] =	vst v63  }
0x41: {  	_ =	swait.ge [sflag:s20], $0x80  }
0x42: {  	[sflag:s20] =	ssyncset.done $0x0  }
0x43: {  	s31 =	sadd.s32 $0x0, s16;
	[sflag:s20] =	ssyncadd.s32 $0xFFFFFF80  }
0x44: {  	[tilespmem:s21], [sflag:$0x3] =	stream.linear.gather [hbm4b:s31+s2], $0x80, $0x38;
	[tilespmem:$0x1BD00] =	vst v63  }
0x45: {  	_ =	swait.ge [sflag:s20], $0x80  }
0x46: {  	[sflag:s20] =	ssyncset.done $0x0  }
0x47: {  	[sflag:s20] =	ssyncadd.s32 $0xFFFFFF80  }
0x48: {  	[tilespmem:s18], [sflag:$0x1] =	stream.indirect.gather [hbm4b:s4+s21], $0x80, s2, s21, $0xb8;
	[tilespmem:$0x1BD00] =	vst v63  }
0x49: {  	_ =	swait.ge [sflag:s19], $0x4000  }
0x4a: {  	[sflag:s19] =	ssyncset.done $0x0  }
0x4b: {  	[sflag:s19] =	ssyncadd.s32 $0xFFFFC000  }
0x4c: {  	[spmem:s1] =	stream.indirect.scatter.add.f32 [tilespmem:s18], [sflag:$0x3], $0x80, s21, s21, $0xb8;
	[tilespmem:$0x1BD00] =	vst v63  }
0x4d: {  	_ =	swait.ge [sflag:s20], $0x4000  }
0x4e: {  	s25 =	simm.s32 $0x10;
	s26 =	simm.s32 $0x20;
	[sflag:s20] =	ssyncset.done $0x0  }
.LBB2_4:
0x4f: {  	s28 =	sadd.s32 s25, s17  }
0x50: {  	[sflag:s20] =	ssyncadd.s32 $0xFFFFC000;
	s29 =	smov.u32 s26;
	s30 =	sadd.s32 $0x10, s26  }
0x51: {  	[tilespmem:s2], [sflag:$0x3] =	stream.linear.gather [hbm4b:s28+s2], $0x80, $0x38;
	[tilespmem:$0x1BD00] =	vst v63  }
0x52: {  	p0 =	sne.s32 s26, $0x4E0;
	_ =	swait.ge [sflag:s20], $0x80  }
0x53: {  	[sflag:s20] =	ssyncset.done $0x0  }
0x54: {  	s26 =	sadd.s32 s25, s16;
	s25 =	smov.u32 s29;
	[sflag:s20] =	ssyncadd.s32 $0xFFFFFF80  }
0x55: {  	[tilespmem:s21], [sflag:$0x3] =	stream.linear.gather [hbm4b:s26+s2], $0x80, $0x38;
	[tilespmem:$0x1BD00] =	vst v63  }
0x56: {  	_ =	swait.ge [sflag:s20], $0x80  }
0x57: {  	[sflag:s20] =	ssyncset.done $0x0  }
0x58: {  	[sflag:s20] =	ssyncadd.s32 $0xFFFFFF80  }
0x59: {  	[tilespmem:s18], [sflag:$0x1] =	stream.indirect.gather [hbm4b:s4+s21], $0x80, s2, s21, $0xb8;
	[tilespmem:$0x1BD00] =	vst v63  }
0x5a: {  	_ =	swait.ge [sflag:s19], $0x4000  }
.Ltmp1:
0x5b: {  	[sflag:s19] =	ssyncset.done $0x0;
	(pc) =	sbr.rel @p0 .LBB2_4-.Ltmp1, $4  }
0x5c: {  	[sflag:s19] =	ssyncadd.s32 $0xFFFFC000  }
0x5d: {  	[spmem:s1] =	stream.indirect.scatter.add.f32 [tilespmem:s18], [sflag:$0x3], $0x80, s21, s21, $0xb8;
	[tilespmem:$0x1BD00] =	vst v63  }
0x5e: {  	_ =	swait.ge [sflag:s20], $0x4000  }
0x5f: {  	s26 =	smov.u32 s30;
	[sflag:s20] =	ssyncset.done $0x0  }
0x60: {  	s26 =	sadd.s32 s25, s17;
	[sflag:s20] =	ssyncadd.s32 $0xFFFFC000  }
0x61: {  	[tilespmem:s2], [sflag:$0x3] =	stream.linear.gather [hbm4b:s26+s2], $0x80, $0x38;
	[tilespmem:$0x1BD00] =	vst v63  }
0x62: {  	_ =	swait.ge [sflag:s20], $0x80  }
0x63: {  	[sflag:s20] =	ssyncset.done $0x0  }
0x64: {  	s31 =	sadd.s32 s25, s16;
	[sflag:s20] =	ssyncadd.s32 $0xFFFFFF80  }
0x65: {  	[tilespmem:s21], [sflag:$0x3] =	stream.linear.gather [hbm4b:s31+s2], $0x80, $0x38;
	[tilespmem:$0x1BD00] =	vst v63  }
0x66: {  	_ =	swait.ge [sflag:s20], $0x80  }
0x67: {  	[sflag:s20] =	ssyncset.done $0x0  }
0x68: {  	[sflag:s20] =	ssyncadd.s32 $0xFFFFFF80  }
0x69: {  	[tilespmem:s18], [sflag:$0x1] =	stream.indirect.gather [hbm4b:s4+s21], $0x80, s2, s21, $0xb8;
	[tilespmem:$0x1BD00] =	vst v63  }
0x6a: {  	_ =	swait.ge [sflag:s19], $0x4000  }
0x6b: {  	[sflag:s19] =	ssyncset.done $0x0  }
0x6c: {  	[sflag:s19] =	ssyncadd.s32 $0xFFFFC000  }
0x6d: {  	[spmem:s1] =	stream.indirect.scatter.add.f32 [tilespmem:s18], [sflag:$0x3], $0x80, s21, s21, $0xb8;
	[tilespmem:$0x1BD00] =	vst v63  }
0x6e: {  	_ =	swait.ge [sflag:s20], $0x4000  }
0x6f: {  	[sflag:s20] =	ssyncset.done $0x0  }
0x70: {  	[sflag:s20] =	ssyncadd.s32 $0xFFFFC000  }
0x71: {  	[bflag:$0x0] =	sbarrier.arrive $0xFFFF  }
0x72: {  	[tilespmem:s18], [sflag:$0x1] =	stream.linear.gather [spmem:s5], $0x4000, $0x38;
	[tilespmem:$0x1BD00] =	vst v63  }
0x73: {  	_ =	swait.ge [sflag:s19], $0x4000  }
0x74: {  	[sflag:s19] =	ssyncset.done $0x0  }
0x75: {  	[sflag:s19] =	ssyncadd.s32 $0xFFFFC000  }
0x76: {  	[hbm4b:s10+s2] =	stream.linear.scatter [tilespmem:s18], [sflag:$0x2], $0x4000, $0x38;
	[tilespmem:$0x1BD00] =	vst v63  }
0x77: {  	_ = 	snop  }
0x78: {  	[tilespmem:s22], [sflag:$0x1] =	stream.linear.gather [spmem:s6], $0x4000, $0x38;
	[tilespmem:$0x1BD00] =	vst v63  }
0x79: {  	_ =	swait.ge [sflag:s19], $0x4000  }
0x7a: {  	[sflag:s19] =	ssyncset.done $0x0  }
0x7b: {  	[sflag:s19] =	ssyncadd.s32 $0xFFFFC000  }
0x7c: {  	[hbm4b:s11+s2] =	stream.linear.scatter [tilespmem:s22], [sflag:$0x2], $0x4000, $0x38;
	[tilespmem:$0x1BD00] =	vst v63  }
0x7d: {  	_ =	swait.ge [sflag:s23], $0x4000  }
0x7e: {  	[sflag:s23] =	ssyncset.done $0x0  }
0x7f: {  	[sflag:s23] =	ssyncadd.s32 $0xFFFFC000  }
0x80: {  	[tilespmem:s18], [sflag:$0x1] =	stream.linear.gather [spmem:s7], $0x4000, $0x38;
	[tilespmem:$0x1BD00] =	vst v63  }
0x81: {  	_ =	swait.ge [sflag:s19], $0x4000  }
0x82: {  	[sflag:s19] =	ssyncset.done $0x0  }
0x83: {  	[sflag:s19] =	ssyncadd.s32 $0xFFFFC000  }
0x84: {  	[hbm4b:s12+s2] =	stream.linear.scatter [tilespmem:s18], [sflag:$0x2], $0x4000, $0x38;
	[tilespmem:$0x1BD00] =	vst v63  }
0x85: {  	_ =	swait.ge [sflag:s23], $0x4000  }
0x86: {  	[sflag:s23] =	ssyncset.done $0x0  }
0x87: {  	[sflag:s23] =	ssyncadd.s32 $0xFFFFC000  }
0x88: {  	[tilespmem:s22], [sflag:$0x1] =	stream.linear.gather [spmem:s8], $0x4000, $0x38;
	[tilespmem:$0x1BD00] =	vst v63  }
0x89: {  	_ =	swait.ge [sflag:s19], $0x4000  }
0x8a: {  	[sflag:s19] =	ssyncset.done $0x0  }
0x8b: {  	[sflag:s19] =	ssyncadd.s32 $0xFFFFC000  }
0x8c: {  	[hbm4b:s13+s2] =	stream.linear.scatter [tilespmem:s22], [sflag:$0x2], $0x4000, $0x38;
	[tilespmem:$0x1BD00] =	vst v63  }
0x8d: {  	_ =	swait.ge [sflag:s23], $0x4000  }
0x8e: {  	[sflag:s23] =	ssyncset.done $0x0  }
0x8f: {  	[sflag:s23] =	ssyncadd.s32 $0xFFFFC000  }
0x90: {  	[tilespmem:s18], [sflag:$0x1] =	stream.linear.gather [spmem:s9], $0x3C00, $0x38;
	[tilespmem:$0x1BD00] =	vst v63  }
0x91: {  	_ =	swait.ge [sflag:s19], $0x3C00  }
0x92: {  	[sflag:s19] =	ssyncset.done $0x0  }
0x93: {  	s24 =	sadd.s32 $0x1, s24;
	[sflag:s19] =	ssyncadd.s32 $0xFFFFC400  }
0x94: {  	[hbm4b:s14+s2] =	stream.linear.scatter [tilespmem:s18], [sflag:$0x2], $0x3C00, $0x38;
	[tilespmem:$0x1BD00] =	vst v63  }
0x95: {  	p0 =	sne.s32 s24, s15;
	_ =	swait.ge [sflag:s23], $0x3C00  }
.Ltmp2:
0x96: {  	[sflag:s23] =	ssyncset.done $0x0;
	(pc) =	sbr.rel @p0 .LBB2_1-.Ltmp2, $4  }
0x97: {  	[sflag:s23] =	ssyncadd.s32 $0xFFFFC400  }
0x98: {  	_ =	swait.ge [sflag:s23], $0x4000  }
0x99: {  	[sflag:s23] =	ssyncset.done $0x0  }
0x9a: {  	[sflag:s23] =	ssyncadd.s32 $0xFFFFC000  }
0x9b: {  	_ =	sfence.sel $0x180000  }
0x9c: {  	[bflag:$0x0] =	sbarrier.arrive $0xFFFF  }
0x9d: {  	p0 =	sne.s32 s3, $0x0;
	_ =	strace $0x9000004D  }
0x9e: {  	s0 =	sadd.s32 @!p0 $0x100000, s0;
	[bflag:$0x2] =	sbarrier.arrive $0xFFFF  }
0x9f: {  	[sflag:s0] =	ssyncadd.tile.s32 @!p0 $0x1;
	_ =	shalt  }
.Lfunc_end2:
_tile_overlayer_lowered:
.L_overlay_start_2:
0xa0: {  	(tag) =	ssettag $0x2  }
0xa1: {  	s0 =	rddreg [dreg:$0x0];
	s2 =	stileid.u32  }
0xa2: {  	s1 =	rddreg [dreg:$0x1];
	p0 =	sne.s32 s2, $0x0  }
0xa3: {  	s3 =	rddreg [dreg:$0x2];
	[bflag:$0x3] =	sbarrier.arrive $0xFFFF;
	s2 =	simm.s32 @!p0 $0x1C03  }
0xa4: {  	[timem:s3], [sflag:s2] =	dma.local @!p0 [hbm:s0], s1  }
0xa5: {  	s0 =	simm.s32 @!p0 $0x3  }
0xa6: {  	_ =	swait.ge @!p0 [sflag:s0], s1  }
0xa7: {  	s1 =	ssub.s32 @!p0 $0x0, s1;
	[sflag:s0] =	ssyncset.done @!p0 $0x0  }
0xa8: {  	[sflag:s0] =	ssyncadd.s32 @!p0 s1  }
0xa9: {  	[bflag:$0x3] =	sbarrier.arrive $0xFFFF  }
0xaa: {  	_ =	shalt  }

// kernel: kernel.8.cloned.1.call-start
scs
__scs_entry_jumppad:
0x0: {  	(pc) =	sbr.rel $0x88, $3  }
0x1: {  	(tag) =	ssettag $0x0;
	lr =	simm.s32 $0x1  }
0x2: {  	[smem:$0x3F9B] =	sst lr;
	_ =	strace $0xD0000000  }
0x3: {  	_ = 	snop  }
0x4: {  	_ = 	snop  }
0x5: {  	_ = 	snop  }
0x6: {  	_ = 	snop  }
0x7: {  	_ = 	snop  }
__scs_overlays_trampoline_lowered:
0x8: {  	[smem:$0x3FAA] =	sst s0  }
0x9: {  	[smem:$0x3FAB] =	sst s1  }
0xa: {  	[smem:$0x3FAC] =	sst s2  }
0xb: {  	[smem:$0x3FAD] =	sst s3  }
0xc: {  	[smem:$0x3FAE] =	sst s4  }
0xd: {  	[smem:$0x3FAF] =	sst s5  }
0xe: {  	[smem:$0x3FB0] =	sst s6  }
0xf: {  	[smem:$0x3FB1] =	sst s7  }
0x10: {  	[smem:$0x3FB2] =	sst s8  }
0x11: {  	[smem:$0x3FB3] =	sst s9;
	s0 =	simm.s32 @!p0 $0x0  }
0x12: {  	s1 =	sld [smem:$0x3F99];
	s0 =	simm.s32 @p0 $0x1  }
0x13: {  	[smem:$0x3FB4] =	sst s0;
	s0 =	simm.s32 @!p1 $0x0  }
0x14: {  	s2 =	sld [smem:$0x3F98];
	s0 =	simm.s32 @p1 $0x1  }
0x15: {  	[smem:$0x3FB5] =	sst s0;
	s0 =	simm.s32 @!p2 $0x0  }
0x16: {  	s3 =	sld [smem:$0x3FDB];
	s0 =	simm.s32 @p2 $0x1  }
0x17: {  	s4 =	simm.s32 $0x1BF5;
	[smem:$0x3FB7] =	sst s0  }
0x18: {  	s0 =	sld [smem:$0x3F9A];
	_ =	swait.ge [sflag:s4], $0x0  }
0x19: {  	s7 =	sld [smem:$0x3F9B]  }
0x1a: {  	s8 =	sadd.s32 $0xFFFFE003, lr  }
0x1b: {  	s9 =	sadd.s32 $0xFFFFFEF7, lr;
	s5 =	simm.s32 $0xFFFFFFFF;
	p2 =	slt.u32 s8, $0xFFFFF086  }
0x1c: {  	p1 =	slt.u32 s9, $0xF7A;
	s5 =	simm.s32 @!p2 $0x0  }
0x1d: {  	s5 =	simm.s32 @p1 $0x1;
	p0 =	seq.s32 s7, s2  }
0x1e: {  	s7 =	smul.u32 @!p0 $0xF7A, s2;
	p2 =	seq.s32 @!p0 s5, $0x0  }
0x1f: {  	s9 =	smul.u32 $0xF7A, s1;
	s8 =	simm.s32 @!p0 $0x1BF5;
	p2 =	por !p2, p0  }
0x20: {  	[sflag:s8] =	ssyncset.s32 @!p0 $0xFFFFF086;
	s6 =	sadd.s32 @!p0 s3, s7;
	s7 =	simm.s32 @!p0 $0x108  }
0x21: {  	s3 =	sadd.s32 s3, s9;
	s6 =	sadd.s32 @!p0 $0x88, s6;
	s7 =	simm.s32 @p2 $0x1082  }
0x22: {  	[simem:s7], [sflag:s8] =	dma.local @!p0 [hbm:s6], $0xF7A  }
0x23: {  	s9 =	sor.u32 $0xD0000000, s2;
	s6 =	simm.s32 $0x108;
	_ =	swait.ge @!p0 [sflag:s8], $0x0  }
0x24: {  	s3 =	sadd.s32 $0x88, s3;
	s6 =	simm.s32 @!p1 $0x1082;
	[sflag:s4] =	ssyncset.s32 $0xFFFFF086  }
0x25: {  	[simem:s6], [sflag:s4] =	dma.local [hbm:s3], $0xF7A  }
0x26: {  	[smem:$0x3F9B] =	sst s1;
	(tag) =	ssettag s2;
	_ =	strace s9  }
0x27: {  	s1 =	sld [smem:$0x3FAB]  }
0x28: {  	s2 =	sld [smem:$0x3FAC]  }
0x29: {  	s4 =	sld [smem:$0x3FAE]  }
0x2a: {  	p0 =	seq.s32 s5, $0x0;
	s5 =	sld [smem:$0x3FAF]  }
0x2b: {  	s6 =	sld [smem:$0x3FB0]  }
0x2c: {  	s7 =	sld [smem:$0x3FB1]  }
0x2d: {  	s3 =	simm.s32 $0x108;
	s8 =	sld [smem:$0x3FB2]  }
0x2e: {  	s3 =	simm.s32 @!p0 $0x1082;
	s9 =	sld [smem:$0x3FB3]  }
0x2f: {  	lr =	sadd.s32 s0, s3;
	s0 =	sld [smem:$0x3FAA]  }
0x30: {  	s3 =	sld [smem:$0x3FAD]  }
0x31: {  	[smem:$0x3FB6] =	sst s10  }
0x32: {  	s10 =	sld [smem:$0x3FB4];
	_ =	sdelay $0x3  }
0x33: {  	p0 =	seq.s32 s10, $0x1;
	s10 =	sld [smem:$0x3FB6];
	_ =	sdelay $0x3  }
0x34: {  	[smem:$0x3FB6] =	sst s10  }
0x35: {  	s10 =	sld [smem:$0x3FB5];
	_ =	sdelay $0x3  }
0x36: {  	p1 =	seq.s32 s10, $0x1;
	s10 =	sld [smem:$0x3FB6];
	_ =	sdelay $0x3  }
0x37: {  	[smem:$0x3FB6] =	sst s10  }
0x38: {  	s10 =	sld [smem:$0x3FB7]  }
0x39: {  	_ = 	snop;
	(pc) =	sbr.ind lr, $3  }
0x3a: {  	_ = 	snop  }
0x3b: {  	_ = 	snop  }
0x3c: {  	p2 =	seq.s32 s10, $0x1;
	s10 =	sld [smem:$0x3FB6]  }
0x3d: {  	_ =	shalt  }
0x3e: {  	_ =	shalt  }
0x3f: {  	_ =	shalt  }
0x40: {  	_ =	shalt  }
0x41: {  	_ =	shalt  }
0x42: {  	_ =	shalt  }
0x43: {  	_ =	shalt  }
0x44: {  	_ =	shalt  }
0x45: {  	_ =	shalt  }
0x46: {  	_ =	shalt  }
0x47: {  	_ =	shalt  }
0x48: {  	_ =	shalt  }
0x49: {  	_ =	shalt  }
0x4a: {  	_ =	shalt  }
0x4b: {  	_ =	shalt  }
0x4c: {  	_ =	shalt  }
0x4d: {  	_ =	shalt  }
0x4e: {  	_ =	shalt  }
0x4f: {  	_ =	shalt  }
0x50: {  	_ =	shalt  }
0x51: {  	_ =	shalt  }
0x52: {  	_ =	shalt  }
0x53: {  	_ =	shalt  }
0x54: {  	_ =	shalt  }
0x55: {  	_ =	shalt  }
0x56: {  	_ =	shalt  }
0x57: {  	_ =	shalt  }
0x58: {  	_ =	shalt  }
0x59: {  	_ =	shalt  }
0x5a: {  	_ =	shalt  }
0x5b: {  	_ =	shalt  }
0x5c: {  	_ =	shalt  }
0x5d: {  	_ =	shalt  }
0x5e: {  	_ =	shalt  }
0x5f: {  	_ =	shalt  }
0x60: {  	_ =	shalt  }
0x61: {  	_ =	shalt  }
0x62: {  	_ =	shalt  }
0x63: {  	_ =	shalt  }
0x64: {  	_ =	shalt  }
0x65: {  	_ =	shalt  }
0x66: {  	_ =	shalt  }
0x67: {  	_ =	shalt  }
0x68: {  	_ =	shalt  }
0x69: {  	_ =	shalt  }
0x6a: {  	_ =	shalt  }
0x6b: {  	_ =	shalt  }
0x6c: {  	_ =	shalt  }
0x6d: {  	_ =	shalt  }
0x6e: {  	_ =	shalt  }
0x6f: {  	_ =	shalt  }
0x70: {  	_ =	shalt  }
0x71: {  	_ =	shalt  }
0x72: {  	_ =	shalt  }
0x73: {  	_ =	shalt  }
0x74: {  	_ =	shalt  }
0x75: {  	_ =	shalt  }
0x76: {  	_ =	shalt  }
0x77: {  	_ =	shalt  }
0x78: {  	_ =	shalt  }
0x79: {  	_ =	shalt  }
0x7a: {  	_ =	shalt  }
0x7b: {  	_ =	shalt  }
0x7c: {  	_ =	shalt  }
0x7d: {  	_ =	shalt  }
0x7e: {  	_ =	shalt  }
0x7f: {  	_ =	shalt  }
0x80: {  	_ =	shalt  }
0x81: {  	_ =	shalt  }
0x82: {  	_ =	shalt  }
0x83: {  	_ =	shalt  }
0x84: {  	_ =	shalt  }
0x85: {  	_ =	shalt  }
0x86: {  	_ =	shalt  }
0x87: {  	_ =	shalt  }
.Lfunc_end0:
.L_simem_size_0:
called_computation_lowered:
.L_overlay_start_0:
0x88: {  	s2 =	sld [smem:$0x3FD9]  }
0x89: {  	s3 =	sld [smem:$0x3FFE];
	_ =	sdelay $0x1  }
0x8a: {  	s1 =	srdreg.scid  }
0x8b: {  	s0 =	sand.u32 $0x1, s1  }
0x8c: {  	s17 =	sshll.u32 s0, $0xA;
	s2 =	sadd.s32 s3, s2  }
0x8d: {  	s2 =	sadd.s32 s2, s17  }
0x8e: {  	[smem:$0x3FC2] =	sst s2  }
0x8f: {  	_ = 	snop  }
0x90: {  	s2 =	sld [smem:$0x3FD0];
	(tm) =	ssettm $0x1  }
0x91: {  	s18 =	sld [smem:$0x3FFB];
	_ =	sdelay $0x3  }
0x92: {  	_ =	strace s18  }
0x93: {  	s3 =	sld [smem:$0x3FFC];
	_ =	sdelay $0x3  }
0x94: {  	_ =	strace s3  }
0x95: {  	s3 =	sld [smem:$0x3FFD];
	_ =	sdelay $0x3  }
0x96: {  	_ =	strace s3  }
0x97: {  	_ =	strace $0x8FFFFFFF  }
0x98: {  	s19 =	sld [smem:$0x3FDB];
	_ =	sdelay $0x1  }
0x99: {  	s4 =	simm.s32 $_scs_section_size  }
0x9a: {  	s5 =	simm.s32 $_size__tile_overlayer_lowered;
	s6 =	simm.s32 $_tile_overlayer_lowered  }
0x9b: {  	s22 =	simm.s32 $0x1BFF;
	s21 =	sshll.u32 s6, $0x1;
	s3 =	sadd.s32 s4, s19  }
0x9c: {  	s7 =	simm.s32 $0x0;
	s20 =	sshll.u32 s5, $0x1;
	s5 =	sadd.s32 s21, s3  }
0x9d: {  	[timem:s7], [sflag:s22] =	dma.local [hbm:s5], s20  }
0x9e: {  	_ =	swait.ge [sflag:s22], s20  }
0x9f: {  	s4 =	ssub.s32 $0x0, s20;
	[sflag:s22] =	ssyncset.done $0x0  }
0xa0: {  	[sflag:s22] =	ssyncadd.s32 s4;
	_ =	sdelay $0x1  }
0xa1: {  	s23 =	simm.s32 $0x1B8B  }
0xa2: {  	_ =	swait.ge [sflag:s23], $0x1  }
0xa3: {  	[sflag:s23] =	ssyncset.done $0x0  }
0xa4: {  	s25 =	simm.s32 $0x1B8E;
	s24 =	sld [smem:$0x3FFE];
	[sflag:s23] =	ssyncadd.s32 $0xFFFFFFFF  }
0xa5: {  	s26 =	simm.s32 $execute0_lowered;
	[smem:$0x3FD2] =	sst s25  }
0xa6: {  	s5 =	sshll.u32 s26, $0x1;
	_ =	strace $0x80000046;
	[dreg:$0x1] =	wrdreg $0xFFFFFFFF  }
0xa7: {  	s28 =	simm.s32 $_size_execute0_lowered;
	s3 =	sadd.s32 s3, s5;
	[dreg:$0x0] =	wrdreg $0x0  }
0xa8: {  	s5 =	sshll.u32 s28, $0x1;
	[dreg:$0x2] =	wrdreg s3  }
0xa9: {  	[dreg:$0x3] =	wrdreg s5  }
0xaa: {  	[dreg:$0x4] =	wrdreg $0xC0  }
0xab: {  	_ =	task [dreg:s7], $0x5FFFF  }
0xac: {  	[dreg:$0x1] =	wrdreg $0xFFFFFFFF  }
0xad: {  	[dreg:$0x0] =	wrdreg $0x60  }
0xae: {  	[dreg:$0x2] =	wrdreg s2  }
0xaf: {  	[dreg:$0x3] =	wrdreg s24  }
0xb0: {  	[dreg:$0x4] =	wrdreg $0x3800  }
0xb1: {  	[dreg:$0x5] =	wrdreg $0x9  }
0xb2: {  	_ =	task.clear_ibuf [dreg:s7], $0x6FFFF;
	_ =	strace $0x90000046  }
0xb3: {  	s29 =	simm.s32 $0x9;
	_ =	strace $0x80000048  }
0xb4: {  	_ =	swait.ge [sflag:s29], $0x1  }
0xb5: {  	[sflag:s29] =	ssyncadd.s32 $0xFFFFFFFF  }
0xb6: {  	_ =	strace $0x90000048  }
0xb7: {  	_ =	sfence  }
0xb8: {  	s30 =	sld [smem:$0x0];
	_ =	sdelay $0x2  }
0xb9: {  	s31 =	sshll.u32 s1, $0xD;
	s1 =	sshrl.u32 s1, $0x2  }
0xba: {  	s3 =	sand.u32 $0x4000, s31;
	s1 =	sadd.s32 s1, s30  }
0xbb: {  	s0 =	sor.u32 s3, s0;
	s1 =	sshll.u32 s1, $0x11  }
0xbc: {  	s0 =	sor.u32 s1, s0  }
0xbd: {  	s0 =	sadd.s32 $0x8F2B, s0  }
0xbe: {  	[sflag:s0] =	ssyncadd.remote.s32 $0x1  }
0xbf: {  	_ =	sfence.sel $0xFFFF  }
0xc0: {  	[dreg:$0x0] =	wrdreg $0xFFFFFFFF;
	(pc) =	sbr.abs _section_cstart, $3  }
0xc1: {  	[dreg:$0x1] =	wrdreg $0xFFFFFFFF  }
0xc2: {  	_ =	task.clear_ibuf [dreg:s7], $0x2FFFF;
	_ =	strace $0x9FFFFFFF  }
0xc3: {  	(tm) =	ssettm $0x7FFFFFFF  }
tec
execute0_lowered:
.L_overlay_start_1:
0x0: {  	(tag) =	ssettag $0x1  }
0x1: {  	s6 =	rddreg [dreg:$0x0]  }
0x2: {  	s4 =	rddreg [dreg:$0x1];
	s0 =	stileid.u32  }
0x3: {  	s1 =	srdreg.scid;
	s7 =	smul.u32 $0x278, s0  }
0x4: {  	s2 =	rddreg [dreg:$0x2];
	s5 =	sand.u32 $0x1, s1;
	s30 =	smul.u32 $0x4F0, s0  }
0x5: {  	s3 =	simm.s32 $0x0;
	s1 =	rddreg [dreg:$0x3];
	s8 =	smul.u32 $0x2780, s5  }
0x6: {  	[smem:$0x7FF] =	sst s3;
	s9 =	ssub.s32 $0x2, s5;
	s11 =	smul.u32 $0x4F00, s5  }
0x7: {  	_ =	strace $0x80000047;
	s10 =	sshrl.u32 s9, $0x1;
	s8 =	sadd.s32 s7, s8  }
0x8: {  	s29 =	ssub.s32 s9, s10;
	s31 =	sadd.s32 s11, s6;
	s9 =	simm.s32 $0x1  }
0x9: {  	s10 =	simm.s32 $0x300;
	s11 =	simm.s32 $0x0;
	s8 =	sshrl.u32 s8, $0x3  }
0xa: {  	s6 =	smax.u32 s29, $0x1;
	s28 =	sadd.s32 s8, s4;
	s4 =	sadd.s32 s7, s2  }
0xb: {  	v0 =	vimm.f32 $1.000000000e+00;
	v1 =	vimm.f32 $0.0e+00;
	s7 =	sadd.s32 s30, s31;
	s8 =	simm.s32 $0x80;
	s5 =	sadd.s32 $0x1E00, s28  }
.LBB2_1:
0xc: {  	[tilespmem:$0x0] =	vst v0  }
0xd: {  	[tilespmem:$0x10] =	vst v0  }
0xe: {  	[tilespmem:$0x20] =	vst v0  }
0xf: {  	[tilespmem:$0x30] =	vst v0  }
0x10: {  	[tilespmem:$0x40] =	vst v0  }
0x11: {  	[tilespmem:$0x50] =	vst v0  }
0x12: {  	[tilespmem:$0x60] =	vst v0  }
0x13: {  	[tilespmem:$0x70] =	vst v0  }
0x14: {  	[tilespmem:$0x80] =	vst v1  }
0x15: {  	[tilespmem:$0x90] =	vst v1  }
0x16: {  	[tilespmem:$0xA0] =	vst v1  }
0x17: {  	[tilespmem:$0xB0] =	vst v1  }
0x18: {  	[tilespmem:$0xC0] =	vst v1  }
0x19: {  	[tilespmem:$0xD0] =	vst v1  }
0x1a: {  	[tilespmem:$0xE0] =	vst v1  }
0x1b: {  	[tilespmem:$0xF0] =	vst v1  }
0x1c: {  	[tilespmem:$0x100] =	vst v1  }
0x1d: {  	[tilespmem:$0x110] =	vst v1  }
0x1e: {  	[tilespmem:$0x120] =	vst v1  }
0x1f: {  	[tilespmem:$0x130] =	vst v1  }
0x20: {  	[tilespmem:$0x140] =	vst v1  }
0x21: {  	[tilespmem:$0x150] =	vst v1  }
0x22: {  	[tilespmem:$0x160] =	vst v1  }
0x23: {  	[tilespmem:$0x170] =	vst v1  }
0x24: {  	[tilespmem:$0x180] =	vst v1  }
0x25: {  	[tilespmem:$0x190] =	vst v1  }
0x26: {  	[tilespmem:$0x1A0] =	vst v1  }
0x27: {  	[tilespmem:$0x1B0] =	vst v1  }
0x28: {  	[tilespmem:$0x1C0] =	vst v1  }
0x29: {  	[tilespmem:$0x1D0] =	vst v1  }
0x2a: {  	[tilespmem:$0x1E0] =	vst v1  }
0x2b: {  	[tilespmem:$0x1F0] =	vst v1  }
0x2c: {  	[tilespmem:$0x200] =	vst v1  }
0x2d: {  	[tilespmem:$0x210] =	vst v1  }
0x2e: {  	[tilespmem:$0x220] =	vst v1  }
0x2f: {  	[tilespmem:$0x230] =	vst v1  }
0x30: {  	[tilespmem:$0x240] =	vst v1  }
0x31: {  	[tilespmem:$0x250] =	vst v1  }
0x32: {  	[tilespmem:$0x260] =	vst v1  }
0x33: {  	[tilespmem:$0x270] =	vst v1  }
0x34: {  	[tilespmem:$0x280] =	vst v1  }
0x35: {  	[tilespmem:$0x290] =	vst v1  }
0x36: {  	[tilespmem:$0x2A0] =	vst v1  }
0x37: {  	[tilespmem:$0x2B0] =	vst v1  }
0x38: {  	[tilespmem:$0x2C0] =	vst v1  }
0x39: {  	[tilespmem:$0x2D0] =	vst v1  }
0x3a: {  	[tilespmem:$0x2E0] =	vst v1  }
0x3b: {  	[tilespmem:$0x2F0] =	vst v1  }
0x3c: {  	[spmem:s4] =	stream.linear.scatter [tilespmem:s8], [sflag:$0x1], $0x278, $0x38;
	[tilespmem:$0x5F8] =	vst v63  }
0x3d: {  	_ =	swait.ge [sflag:s9], $0x278  }
0x3e: {  	[sflag:s9] =	ssyncset.done $0x0  }
0x3f: {  	[sflag:s9] =	ssyncadd.s32 $0xFFFFFD88  }
0x40: {  	s12 =	sadd.s32 $0x0, s7;
	[bflag:$0x0] =	sbarrier.arrive $0xFFFF  }
0x41: {  	[tilespmem:s10], [sflag:$0x1] =	stream.linear.gather [hbm4b:s12+s3], $0x80, $0x38;
	[tilespmem:$0x5F8] =	vst v63  }
0x42: {  	_ =	swait.ge [sflag:s9], $0x80  }
0x43: {  	[sflag:s9] =	ssyncset.done $0x0  }
0x44: {  	[sflag:s9] =	ssyncadd.s32 $0xFFFFFF80  }
0x45: {  	[spmem:s2] =	stream.indirect.scatter.add.f32 [tilespmem:s3], [sflag:$0x1], $0x1, s10, s8, $0xb8;
	[tilespmem:$0x5F8] =	vst v63  }
0x46: {  	_ =	swait.ge [sflag:s9], $0x80  }
0x47: {  	s13 =	simm.s32 $0x20;
	s12 =	simm.s32 $0x10;
	[sflag:s9] =	ssyncset.done $0x0  }
.LBB2_2:
0x48: {  	s14 =	sadd.s32 s12, s7  }
0x49: {  	[sflag:s9] =	ssyncadd.s32 $0xFFFFFF80;
	s12 =	smov.u32 s13;
	s15 =	sadd.s32 $0x10, s13  }
0x4a: {  	[tilespmem:s10], [sflag:$0x1] =	stream.linear.gather [hbm4b:s14+s3], $0x80, $0x38;
	[tilespmem:$0x5F8] =	vst v63  }
0x4b: {  	p0 =	sne.s32 s13, $0x4E0;
	_ =	swait.ge [sflag:s9], $0x80  }
.Ltmp0:
0x4c: {  	[sflag:s9] =	ssyncset.done $0x0;
	(pc) =	sbr.rel @p0 .LBB2_2-.Ltmp0, $4  }
0x4d: {  	[sflag:s9] =	ssyncadd.s32 $0xFFFFFF80  }
0x4e: {  	[spmem:s2] =	stream.indirect.scatter.add.f32 [tilespmem:s3], [sflag:$0x1], $0x1, s10, s8, $0xb8;
	[tilespmem:$0x5F8] =	vst v63  }
0x4f: {  	_ =	swait.ge [sflag:s9], $0x80  }
0x50: {  	s13 =	smov.u32 s15;
	[sflag:s9] =	ssyncset.done $0x0  }
0x51: {  	s12 =	sadd.s32 s12, s7;
	[sflag:s9] =	ssyncadd.s32 $0xFFFFFF80  }
0x52: {  	[tilespmem:s10], [sflag:$0x1] =	stream.linear.gather [hbm4b:s12+s3], $0x80, $0x38;
	[tilespmem:$0x5F8] =	vst v63  }
0x53: {  	_ =	swait.ge [sflag:s9], $0x80  }
0x54: {  	[sflag:s9] =	ssyncset.done $0x0  }
0x55: {  	[sflag:s9] =	ssyncadd.s32 $0xFFFFFF80  }
0x56: {  	[spmem:s2] =	stream.indirect.scatter.add.f32 [tilespmem:s3], [sflag:$0x1], $0x1, s10, s8, $0xb8;
	[tilespmem:$0x5F8] =	vst v63  }
0x57: {  	_ =	swait.ge [sflag:s9], $0x80  }
0x58: {  	[sflag:s9] =	ssyncset.done $0x0  }
0x59: {  	[sflag:s9] =	ssyncadd.s32 $0xFFFFFF80  }
0x5a: {  	[bflag:$0x0] =	sbarrier.arrive $0xFFFF  }
0x5b: {  	[tilespmem:s8], [sflag:$0x1] =	stream.linear.gather [spmem:s4], $0x278, $0x38;
	[tilespmem:$0x5F8] =	vst v63  }
0x5c: {  	s11 =	sadd.s32 $0x1, s11;
	_ =	swait.ge [sflag:s9], $0x278  }
0x5d: {  	p0 =	sne.s32 s11, s6;
	[sflag:s9] =	ssyncset.done $0x0  }
.Ltmp1:
0x5e: {  	[sflag:s9] =	ssyncadd.s32 $0xFFFFFD88;
	(pc) =	sbr.rel @p0 .LBB2_1-.Ltmp1, $4  }
0x5f: {  	[hbm4b:s5+s3] =	stream.linear.scatter [tilespmem:s8], [sflag:$0x1], $0x278, $0x38;
	[tilespmem:$0x5F8] =	vst v63  }
0x60: {  	_ =	swait.ge [sflag:s9], $0x278  }
0x61: {  	[sflag:s9] =	ssyncset.done $0x0  }
0x62: {  	[sflag:s9] =	ssyncadd.s32 $0xFFFFFD88  }
0x63: {  	_ =	sfence.sel $0x180000  }
0x64: {  	[bflag:$0x0] =	sbarrier.arrive $0xFFFF  }
0x65: {  	p0 =	sne.s32 s0, $0x0;
	_ =	strace $0x90000047  }
0x66: {  	s0 =	sadd.s32 @!p0 $0x100000, s1;
	[bflag:$0x2] =	sbarrier.arrive $0xFFFF  }
0x67: {  	[sflag:s0] =	ssyncadd.tile.s32 @!p0 $0x1;
	_ =	shalt  }
.Lfunc_end2:
_tile_overlayer_lowered:
.L_overlay_start_2:
0x68: {  	(tag) =	ssettag $0x2  }
0x69: {  	s0 =	rddreg [dreg:$0x0];
	s2 =	stileid.u32  }
0x6a: {  	s1 =	rddreg [dreg:$0x1];
	p0 =	sne.s32 s2, $0x0  }
0x6b: {  	s3 =	rddreg [dreg:$0x2];
	[bflag:$0x3] =	sbarrier.arrive $0xFFFF;
	s2 =	simm.s32 @!p0 $0x1C01  }
0x6c: {  	[timem:s3], [sflag:s2] =	dma.local @!p0 [hbm:s0], s1  }
0x6d: {  	s0 =	simm.s32 @!p0 $0x1  }
0x6e: {  	_ =	swait.ge @!p0 [sflag:s0], s1  }
0x6f: {  	s1 =	ssub.s32 @!p0 $0x0, s1;
	[sflag:s0] =	ssyncset.done @!p0 $0x0  }
0x70: {  	[sflag:s0] =	ssyncadd.s32 @!p0 s1  }
0x71: {  	[bflag:$0x3] =	sbarrier.arrive $0xFFFF  }
0x72: {  	_ =	shalt  }

</sc_bundles>
